<compile_context>
chip_gen: v7x
topology: tpu7x:2x2x1
jax: 0.10.2.dev20260603
libtpu: 0.0.44.dev20260713+nightly
codegen_flags: <defaults>
</compile_context>

<pallas_src>
import functools

import jax
import jax.numpy as jnp
from jax import lax
from jax.experimental import pallas as pl
from jax.experimental.pallas import tpu as pltpu
from jax.experimental.pallas import tpu_sc as plsc

NUM_CORES = 2
NUM_SUBCORES = 16
NUM_WORKERS = NUM_CORES * NUM_SUBCORES
NBUF = 8
SPLIT = (128, 72)


@functools.lru_cache(maxsize=None)
def _make_gather(V, D, B, T):
    assert B % (NUM_WORKERS * NBUF) == 0
    rows_per_w = B // NUM_WORKERS
    n_outer = rows_per_w // NBUF
    mesh = plsc.VectorSubcoreMesh(core_axis_name="c", subcore_axis_name="s")

    @functools.partial(
        pl.kernel,
        mesh=mesh,
        out_type=jax.ShapeDtypeStruct((B, T, D), jnp.float32),
        compiler_params=pltpu.CompilerParams(use_tc_tiling_on_sc=False),
        scratch_types=[
            pltpu.VMEM((NBUF, T), jnp.int32),
            pltpu.VMEM((NBUF, T, D), jnp.float32),
            pltpu.SemaphoreType.DMA((NBUF,)),
            pltpu.SemaphoreType.DMA((NBUF,)),
            pltpu.SemaphoreType.DMA((NBUF,)),
        ],
    )
    def gather_kernel(idx_hbm, table_hbm, out_hbm, idx_v, rows_v, isem, gsem, osem):
        wid = lax.axis_index("s") * NUM_CORES + lax.axis_index("c")
        base = wid * rows_per_w
        last = base + rows_per_w - NBUF

        for b in range(NBUF):
            pltpu.async_copy(idx_hbm.at[base + b], idx_v.at[b], isem.at[b])

        def outer(go, carry):
            r0 = base + go * NBUF
            for b in range(NBUF):

                @pl.when(go > 0)
                def _():
                    pltpu.make_async_copy(
                        rows_v.at[b], out_hbm.at[base], osem.at[b]
                    ).wait()

                pltpu.make_async_copy(idx_hbm.at[base], idx_v.at[b], isem.at[b]).wait()
                o = 0
                for w in SPLIT:
                    pltpu.async_copy(
                        table_hbm.at[idx_v.at[b, pl.ds(o, w)]],
                        rows_v.at[b, pl.ds(o, w)],
                        gsem.at[b],
                    )
                    o += w
            for b in range(NBUF):
                o = 0
                for w in SPLIT:
                    pltpu.make_async_copy(
                        table_hbm.at[pl.ds(0, w)],
                        rows_v.at[b, pl.ds(o, w)],
                        gsem.at[b],
                    ).wait()
                    o += w
                pltpu.async_copy(rows_v.at[b], out_hbm.at[r0 + b], osem.at[b])
                nxt = jnp.minimum(r0 + NBUF, last) + b
                pltpu.async_copy(idx_hbm.at[nxt], idx_v.at[b], isem.at[b])
            return carry

        lax.fori_loop(0, n_outer, outer, 0)
        for b in range(NBUF):
            pltpu.make_async_copy(rows_v.at[b], out_hbm.at[base], osem.at[b]).wait()
            pltpu.make_async_copy(idx_hbm.at[base], idx_v.at[b], isem.at[b]).wait()

    return gather_kernel


def kernel(input, table):
    B, T = input.shape
    D = table.shape[1]
    idx = input.astype(jnp.int32)
    return _make_gather(table.shape[0], D, B, T)(idx, table)

# --- scband reference (transcript-rebuilt; emitter-appended) ---
"""Pipeline reference for scband-embedding-layer-26680336842843 (READ-ONLY COPY).

The authoritative reference and input builder live on the scoring server;
editing this copy changes nothing except your own understanding.
"""

import jax, jax.numpy as jnp
import numpy as np

N_V = 1000000
N_D = 64

def setup_inputs(seed: int = 0) -> dict:
    key = jax.random.key(seed)
    k1, k2 = jax.random.split(key)
    # Embedding table initialized uniform(-0.25, 0.25) (stands in for loaded `embs`),
    # then row-wise L2-normalized as done in __init__ when normalize=True.
    table = jax.random.uniform(k1, (N_V, N_D), dtype=jnp.float32, minval=-0.25, maxval=0.25)
    norms = jnp.sqrt(jnp.sum(table * table, axis=1, keepdims=True))
    table = table / norms
    indices = jax.random.randint(k2, (4096, 200), 0, N_V)
    return {"input": indices, "table": table}

def reference(input, table):
    # forward: self.embedding(input) -> row gather from the (normalized) table
    return jnp.take(table, input, axis=0)

if __name__ == "__main__":
    import jax
    _d = setup_inputs()
    print(jax.jit(kernel)(*tuple(_d.values())))

</pallas_src>

<mosaic_0001>
#map = affine_map<(d0, d1) -> (0, 0)>
#map1 = affine_map<(d0, d1) -> (0, 0, 0)>
module attributes {stable_mosaic.version = 14 : i64} {
  func.func @gather_kernel(%arg0: i32, %arg1: i32, %arg2: memref<4096x200xi32, #tpu.memory_space<hbm>>, %arg3: memref<1000000x64xf32, #tpu.memory_space<hbm>>, %arg4: memref<4096x200x64xf32, #tpu.memory_space<hbm>>, %arg5: memref<8x200xi32, #tpu.memory_space<vmem>>, %arg6: memref<8x200x64xf32, #tpu.memory_space<vmem>>, %arg7: memref<8x!tpu.dma_semaphore, #tpu.memory_space<semaphore_mem>>, %arg8: memref<8x!tpu.dma_semaphore, #tpu.memory_space<semaphore_mem>>, %arg9: memref<8x!tpu.dma_semaphore, #tpu.memory_space<semaphore_mem>>) attributes {dimension_semantics = [#tpu.dimension_semantics<core_parallel>, #tpu.dimension_semantics<subcore_parallel>], iteration_bounds = array<i64: 2, 16>, scalar_prefetch = 0 : i64, scratch_operands = 5 : i64, tpu.core_type = #tpu.core_type<sc_vector_subcore>, window_params = [{transform_indices = #map}, {transform_indices = #map}, {transform_indices = #map1}]} {
    %mul3A = arith.constant 2 : i32
    %mul3A_0 = arith.muli %arg1, %mul3A : i32
    %add3A = arith.addi %mul3A_0, %arg0 : i32
    %mul3A_1 = arith.constant 128 : i32
    %mul3A_2 = arith.muli %add3A, %mul3A_1 : i32
    %add3A_3 = arith.constant 128 : i32
    %add3A_4 = arith.addi %mul3A_2, %add3A_3 : i32
    %sub3A = arith.constant 8 : i32
    %sub3A_5 = arith.subi %add3A_4, %sub3A : i32
    %add3A_6 = arith.constant 0 : i32
    %add3A_7 = arith.addi %mul3A_2, %add3A_6 : i32
    %dma_start3A = arith.constant 0 : i32
    %dma_start3A_8 = arith.constant 0 : i32
    %dma_start3A_9 = arith.constant 0 : i32
    %dma_start3A_10 = tpu.memref_slice %arg5[%dma_start3A, %dma_start3A_9] : memref<8x200xi32, #tpu.memory_space<vmem>> -> memref<1x200xi32, #tpu.memory_space<vmem>>
    %dma_start3A_11 = tpu.memref_squeeze %dma_start3A_10 : memref<1x200xi32, #tpu.memory_space<vmem>> -> memref<200xi32, #tpu.memory_space<vmem>>
    %dma_start3A_12 = arith.constant 0 : i32
    %dma_start3A_13 = tpu.memref_slice %arg2[%add3A_7, %dma_start3A_12] : memref<4096x200xi32, #tpu.memory_space<hbm>> -> memref<1x200xi32, #tpu.memory_space<hbm>>
    %dma_start3A_14 = tpu.memref_squeeze %dma_start3A_13 : memref<1x200xi32, #tpu.memory_space<hbm>> -> memref<200xi32, #tpu.memory_space<hbm>>
    %dma_start3A_15 = tpu.memref_slice %arg7[%dma_start3A_8] : memref<8x!tpu.dma_semaphore, #tpu.memory_space<semaphore_mem>> -> memref<1x!tpu.dma_semaphore, #tpu.memory_space<semaphore_mem>>
    %dma_start3A_16 = tpu.memref_squeeze %dma_start3A_15 : memref<1x!tpu.dma_semaphore, #tpu.memory_space<semaphore_mem>> -> memref<!tpu.dma_semaphore, #tpu.memory_space<semaphore_mem>>
    %dma_start3A_17 = arith.constant 0 : i32
    %dma_start3A_18 = tpu.memref_slice %arg5[%dma_start3A, %dma_start3A_17] : memref<8x200xi32, #tpu.memory_space<vmem>> -> memref<1x200xi32, #tpu.memory_space<vmem>>
    %dma_start3A_19 = tpu.memref_squeeze %dma_start3A_18 : memref<1x200xi32, #tpu.memory_space<vmem>> -> memref<200xi32, #tpu.memory_space<vmem>>
    %dma_start3A_20 = arith.constant 0 : i32
    %dma_start3A_21 = tpu.memref_slice %arg2[%add3A_7, %dma_start3A_20] : memref<4096x200xi32, #tpu.memory_space<hbm>> -> memref<1x200xi32, #tpu.memory_space<hbm>>
    %dma_start3A_22 = tpu.memref_squeeze %dma_start3A_21 : memref<1x200xi32, #tpu.memory_space<hbm>> -> memref<200xi32, #tpu.memory_space<hbm>>
    tpu.enqueue_dma source(%dma_start3A_22 : memref<200xi32, #tpu.memory_space<hbm>>) target(%dma_start3A_19 : memref<200xi32, #tpu.memory_space<vmem>>) target_semaphore(%dma_start3A_16 : memref<!tpu.dma_semaphore, #tpu.memory_space<semaphore_mem>>)
    %add3A_23 = arith.constant 1 : i32
    %add3A_24 = arith.addi %mul3A_2, %add3A_23 : i32
    %dma_start3A_25 = arith.constant 1 : i32
    %dma_start3A_26 = arith.constant 1 : i32
    %dma_start3A_27 = arith.constant 0 : i32
    %dma_start3A_28 = tpu.memref_slice %arg5[%dma_start3A_25, %dma_start3A_27] : memref<8x200xi32, #tpu.memory_space<vmem>> -> memref<1x200xi32, #tpu.memory_space<vmem>>
    %dma_start3A_29 = tpu.memref_squeeze %dma_start3A_28 : memref<1x200xi32, #tpu.memory_space<vmem>> -> memref<200xi32, #tpu.memory_space<vmem>>
    %dma_start3A_30 = arith.constant 0 : i32
    %dma_start3A_31 = tpu.memref_slice %arg2[%add3A_24, %dma_start3A_30] : memref<4096x200xi32, #tpu.memory_space<hbm>> -> memref<1x200xi32, #tpu.memory_space<hbm>>
    %dma_start3A_32 = tpu.memref_squeeze %dma_start3A_31 : memref<1x200xi32, #tpu.memory_space<hbm>> -> memref<200xi32, #tpu.memory_space<hbm>>
    %dma_start3A_33 = tpu.memref_slice %arg7[%dma_start3A_26] : memref<8x!tpu.dma_semaphore, #tpu.memory_space<semaphore_mem>> -> memref<1x!tpu.dma_semaphore, #tpu.memory_space<semaphore_mem>>
    %dma_start3A_34 = tpu.memref_squeeze %dma_start3A_33 : memref<1x!tpu.dma_semaphore, #tpu.memory_space<semaphore_mem>> -> memref<!tpu.dma_semaphore, #tpu.memory_space<semaphore_mem>>
    %dma_start3A_35 = arith.constant 0 : i32
    %dma_start3A_36 = tpu.memref_slice %arg5[%dma_start3A_25, %dma_start3A_35] : memref<8x200xi32, #tpu.memory_space<vmem>> -> memref<1x200xi32, #tpu.memory_space<vmem>>
    %dma_start3A_37 = tpu.memref_squeeze %dma_start3A_36 : memref<1x200xi32, #tpu.memory_space<vmem>> -> memref<200xi32, #tpu.memory_space<vmem>>
    %dma_start3A_38 = arith.constant 0 : i32
    %dma_start3A_39 = tpu.memref_slice %arg2[%add3A_24, %dma_start3A_38] : memref<4096x200xi32, #tpu.memory_space<hbm>> -> memref<1x200xi32, #tpu.memory_space<hbm>>
    %dma_start3A_40 = tpu.memref_squeeze %dma_start3A_39 : memref<1x200xi32, #tpu.memory_space<hbm>> -> memref<200xi32, #tpu.memory_space<hbm>>
    tpu.enqueue_dma source(%dma_start3A_40 : memref<200xi32, #tpu.memory_space<hbm>>) target(%dma_start3A_37 : memref<200xi32, #tpu.memory_space<vmem>>) target_semaphore(%dma_start3A_34 : memref<!tpu.dma_semaphore, #tpu.memory_space<semaphore_mem>>)
    %add3A_41 = arith.constant 2 : i32
    %add3A_42 = arith.addi %mul3A_2, %add3A_41 : i32
    %dma_start3A_43 = arith.constant 2 : i32
    %dma_start3A_44 = arith.constant 2 : i32
    %dma_start3A_45 = arith.constant 0 : i32
    %dma_start3A_46 = tpu.memref_slice %arg5[%dma_start3A_43, %dma_start3A_45] : memref<8x200xi32, #tpu.memory_space<vmem>> -> memref<1x200xi32, #tpu.memory_space<vmem>>
    %dma_start3A_47 = tpu.memref_squeeze %dma_start3A_46 : memref<1x200xi32, #tpu.memory_space<vmem>> -> memref<200xi32, #tpu.memory_space<vmem>>
    %dma_start3A_48 = arith.constant 0 : i32
    %dma_start3A_49 = tpu.memref_slice %arg2[%add3A_42, %dma_start3A_48] : memref<4096x200xi32, #tpu.memory_space<hbm>> -> memref<1x200xi32, #tpu.memory_space<hbm>>
    %dma_start3A_50 = tpu.memref_squeeze %dma_start3A_49 : memref<1x200xi32, #tpu.memory_space<hbm>> -> memref<200xi32, #tpu.memory_space<hbm>>
    %dma_start3A_51 = tpu.memref_slice %arg7[%dma_start3A_44] : memref<8x!tpu.dma_semaphore, #tpu.memory_space<semaphore_mem>> -> memref<1x!tpu.dma_semaphore, #tpu.memory_space<semaphore_mem>>
    %dma_start3A_52 = tpu.memref_squeeze %dma_start3A_51 : memref<1x!tpu.dma_semaphore, #tpu.memory_space<semaphore_mem>> -> memref<!tpu.dma_semaphore, #tpu.memory_space<semaphore_mem>>
    %dma_start3A_53 = arith.constant 0 : i32
    %dma_start3A_54 = tpu.memref_slice %arg5[%dma_start3A_43, %dma_start3A_53] : memref<8x200xi32, #tpu.memory_space<vmem>> -> memref<1x200xi32, #tpu.memory_space<vmem>>
    %dma_start3A_55 = tpu.memref_squeeze %dma_start3A_54 : memref<1x200xi32, #tpu.memory_space<vmem>> -> memref<200xi32, #tpu.memory_space<vmem>>
    %dma_start3A_56 = arith.constant 0 : i32
    %dma_start3A_57 = tpu.memref_slice %arg2[%add3A_42, %dma_start3A_56] : memref<4096x200xi32, #tpu.memory_space<hbm>> -> memref<1x200xi32, #tpu.memory_space<hbm>>
    %dma_start3A_58 = tpu.memref_squeeze %dma_start3A_57 : memref<1x200xi32, #tpu.memory_space<hbm>> -> memref<200xi32, #tpu.memory_space<hbm>>
    tpu.enqueue_dma source(%dma_start3A_58 : memref<200xi32, #tpu.memory_space<hbm>>) target(%dma_start3A_55 : memref<200xi32, #tpu.memory_space<vmem>>) target_semaphore(%dma_start3A_52 : memref<!tpu.dma_semaphore, #tpu.memory_space<semaphore_mem>>)
    %add3A_59 = arith.constant 3 : i32
    %add3A_60 = arith.addi %mul3A_2, %add3A_59 : i32
    %dma_start3A_61 = arith.constant 3 : i32
    %dma_start3A_62 = arith.constant 3 : i32
    %dma_start3A_63 = arith.constant 0 : i32
    %dma_start3A_64 = tpu.memref_slice %arg5[%dma_start3A_61, %dma_start3A_63] : memref<8x200xi32, #tpu.memory_space<vmem>> -> memref<1x200xi32, #tpu.memory_space<vmem>>
    %dma_start3A_65 = tpu.memref_squeeze %dma_start3A_64 : memref<1x200xi32, #tpu.memory_space<vmem>> -> memref<200xi32, #tpu.memory_space<vmem>>
    %dma_start3A_66 = arith.constant 0 : i32
    %dma_start3A_67 = tpu.memref_slice %arg2[%add3A_60, %dma_start3A_66] : memref<4096x200xi32, #tpu.memory_space<hbm>> -> memref<1x200xi32, #tpu.memory_space<hbm>>
    %dma_start3A_68 = tpu.memref_squeeze %dma_start3A_67 : memref<1x200xi32, #tpu.memory_space<hbm>> -> memref<200xi32, #tpu.memory_space<hbm>>
    %dma_start3A_69 = tpu.memref_slice %arg7[%dma_start3A_62] : memref<8x!tpu.dma_semaphore, #tpu.memory_space<semaphore_mem>> -> memref<1x!tpu.dma_semaphore, #tpu.memory_space<semaphore_mem>>
    %dma_start3A_70 = tpu.memref_squeeze %dma_start3A_69 : memref<1x!tpu.dma_semaphore, #tpu.memory_space<semaphore_mem>> -> memref<!tpu.dma_semaphore, #tpu.memory_space<semaphore_mem>>
    %dma_start3A_71 = arith.constant 0 : i32
    %dma_start3A_72 = tpu.memref_slice %arg5[%dma_start3A_61, %dma_start3A_71] : memref<8x200xi32, #tpu.memory_space<vmem>> -> memref<1x200xi32, #tpu.memory_space<vmem>>
    %dma_start3A_73 = tpu.memref_squeeze %dma_start3A_72 : memref<1x200xi32, #tpu.memory_space<vmem>> -> memref<200xi32, #tpu.memory_space<vmem>>
    %dma_start3A_74 = arith.constant 0 : i32
    %dma_start3A_75 = tpu.memref_slice %arg2[%add3A_60, %dma_start3A_74] : memref<4096x200xi32, #tpu.memory_space<hbm>> -> memref<1x200xi32, #tpu.memory_space<hbm>>
    %dma_start3A_76 = tpu.memref_squeeze %dma_start3A_75 : memref<1x200xi32, #tpu.memory_space<hbm>> -> memref<200xi32, #tpu.memory_space<hbm>>
    tpu.enqueue_dma source(%dma_start3A_76 : memref<200xi32, #tpu.memory_space<hbm>>) target(%dma_start3A_73 : memref<200xi32, #tpu.memory_space<vmem>>) target_semaphore(%dma_start3A_70 : memref<!tpu.dma_semaphore, #tpu.memory_space<semaphore_mem>>)
    %add3A_77 = arith.constant 4 : i32
    %add3A_78 = arith.addi %mul3A_2, %add3A_77 : i32
    %dma_start3A_79 = arith.constant 4 : i32
    %dma_start3A_80 = arith.constant 4 : i32
    %dma_start3A_81 = arith.constant 0 : i32
    %dma_start3A_82 = tpu.memref_slice %arg5[%dma_start3A_79, %dma_start3A_81] : memref<8x200xi32, #tpu.memory_space<vmem>> -> memref<1x200xi32, #tpu.memory_space<vmem>>
    %dma_start3A_83 = tpu.memref_squeeze %dma_start3A_82 : memref<1x200xi32, #tpu.memory_space<vmem>> -> memref<200xi32, #tpu.memory_space<vmem>>
    %dma_start3A_84 = arith.constant 0 : i32
    %dma_start3A_85 = tpu.memref_slice %arg2[%add3A_78, %dma_start3A_84] : memref<4096x200xi32, #tpu.memory_space<hbm>> -> memref<1x200xi32, #tpu.memory_space<hbm>>
    %dma_start3A_86 = tpu.memref_squeeze %dma_start3A_85 : memref<1x200xi32, #tpu.memory_space<hbm>> -> memref<200xi32, #tpu.memory_space<hbm>>
    %dma_start3A_87 = tpu.memref_slice %arg7[%dma_start3A_80] : memref<8x!tpu.dma_semaphore, #tpu.memory_space<semaphore_mem>> -> memref<1x!tpu.dma_semaphore, #tpu.memory_space<semaphore_mem>>
    %dma_start3A_88 = tpu.memref_squeeze %dma_start3A_87 : memref<1x!tpu.dma_semaphore, #tpu.memory_space<semaphore_mem>> -> memref<!tpu.dma_semaphore, #tpu.memory_space<semaphore_mem>>
    %dma_start3A_89 = arith.constant 0 : i32
    %dma_start3A_90 = tpu.memref_slice %arg5[%dma_start3A_79, %dma_start3A_89] : memref<8x200xi32, #tpu.memory_space<vmem>> -> memref<1x200xi32, #tpu.memory_space<vmem>>
    %dma_start3A_91 = tpu.memref_squeeze %dma_start3A_90 : memref<1x200xi32, #tpu.memory_space<vmem>> -> memref<200xi32, #tpu.memory_space<vmem>>
    %dma_start3A_92 = arith.constant 0 : i32
    %dma_start3A_93 = tpu.memref_slice %arg2[%add3A_78, %dma_start3A_92] : memref<4096x200xi32, #tpu.memory_space<hbm>> -> memref<1x200xi32, #tpu.memory_space<hbm>>
    %dma_start3A_94 = tpu.memref_squeeze %dma_start3A_93 : memref<1x200xi32, #tpu.memory_space<hbm>> -> memref<200xi32, #tpu.memory_space<hbm>>
    tpu.enqueue_dma source(%dma_start3A_94 : memref<200xi32, #tpu.memory_space<hbm>>) target(%dma_start3A_91 : memref<200xi32, #tpu.memory_space<vmem>>) target_semaphore(%dma_start3A_88 : memref<!tpu.dma_semaphore, #tpu.memory_space<semaphore_mem>>)
    %add3A_95 = arith.constant 5 : i32
    %add3A_96 = arith.addi %mul3A_2, %add3A_95 : i32
    %dma_start3A_97 = arith.constant 5 : i32
    %dma_start3A_98 = arith.constant 5 : i32
    %dma_start3A_99 = arith.constant 0 : i32
    %dma_start3A_100 = tpu.memref_slice %arg5[%dma_start3A_97, %dma_start3A_99] : memref<8x200xi32, #tpu.memory_space<vmem>> -> memref<1x200xi32, #tpu.memory_space<vmem>>
    %dma_start3A_101 = tpu.memref_squeeze %dma_start3A_100 : memref<1x200xi32, #tpu.memory_space<vmem>> -> memref<200xi32, #tpu.memory_space<vmem>>
    %dma_start3A_102 = arith.constant 0 : i32
    %dma_start3A_103 = tpu.memref_slice %arg2[%add3A_96, %dma_start3A_102] : memref<4096x200xi32, #tpu.memory_space<hbm>> -> memref<1x200xi32, #tpu.memory_space<hbm>>
    %dma_start3A_104 = tpu.memref_squeeze %dma_start3A_103 : memref<1x200xi32, #tpu.memory_space<hbm>> -> memref<200xi32, #tpu.memory_space<hbm>>
    %dma_start3A_105 = tpu.memref_slice %arg7[%dma_start3A_98] : memref<8x!tpu.dma_semaphore, #tpu.memory_space<semaphore_mem>> -> memref<1x!tpu.dma_semaphore, #tpu.memory_space<semaphore_mem>>
    %dma_start3A_106 = tpu.memref_squeeze %dma_start3A_105 : memref<1x!tpu.dma_semaphore, #tpu.memory_space<semaphore_mem>> -> memref<!tpu.dma_semaphore, #tpu.memory_space<semaphore_mem>>
    %dma_start3A_107 = arith.constant 0 : i32
    %dma_start3A_108 = tpu.memref_slice %arg5[%dma_start3A_97, %dma_start3A_107] : memref<8x200xi32, #tpu.memory_space<vmem>> -> memref<1x200xi32, #tpu.memory_space<vmem>>
    %dma_start3A_109 = tpu.memref_squeeze %dma_start3A_108 : memref<1x200xi32, #tpu.memory_space<vmem>> -> memref<200xi32, #tpu.memory_space<vmem>>
    %dma_start3A_110 = arith.constant 0 : i32
    %dma_start3A_111 = tpu.memref_slice %arg2[%add3A_96, %dma_start3A_110] : memref<4096x200xi32, #tpu.memory_space<hbm>> -> memref<1x200xi32, #tpu.memory_space<hbm>>
    %dma_start3A_112 = tpu.memref_squeeze %dma_start3A_111 : memref<1x200xi32, #tpu.memory_space<hbm>> -> memref<200xi32, #tpu.memory_space<hbm>>
    tpu.enqueue_dma source(%dma_start3A_112 : memref<200xi32, #tpu.memory_space<hbm>>) target(%dma_start3A_109 : memref<200xi32, #tpu.memory_space<vmem>>) target_semaphore(%dma_start3A_106 : memref<!tpu.dma_semaphore, #tpu.memory_space<semaphore_mem>>)
    %add3A_113 = arith.constant 6 : i32
    %add3A_114 = arith.addi %mul3A_2, %add3A_113 : i32
    %dma_start3A_115 = arith.constant 6 : i32
    %dma_start3A_116 = arith.constant 6 : i32
    %dma_start3A_117 = arith.constant 0 : i32
    %dma_start3A_118 = tpu.memref_slice %arg5[%dma_start3A_115, %dma_start3A_117] : memref<8x200xi32, #tpu.memory_space<vmem>> -> memref<1x200xi32, #tpu.memory_space<vmem>>
    %dma_start3A_119 = tpu.memref_squeeze %dma_start3A_118 : memref<1x200xi32, #tpu.memory_space<vmem>> -> memref<200xi32, #tpu.memory_space<vmem>>
    %dma_start3A_120 = arith.constant 0 : i32
    %dma_start3A_121 = tpu.memref_slice %arg2[%add3A_114, %dma_start3A_120] : memref<4096x200xi32, #tpu.memory_space<hbm>> -> memref<1x200xi32, #tpu.memory_space<hbm>>
    %dma_start3A_122 = tpu.memref_squeeze %dma_start3A_121 : memref<1x200xi32, #tpu.memory_space<hbm>> -> memref<200xi32, #tpu.memory_space<hbm>>
    %dma_start3A_123 = tpu.memref_slice %arg7[%dma_start3A_116] : memref<8x!tpu.dma_semaphore, #tpu.memory_space<semaphore_mem>> -> memref<1x!tpu.dma_semaphore, #tpu.memory_space<semaphore_mem>>
    %dma_start3A_124 = tpu.memref_squeeze %dma_start3A_123 : memref<1x!tpu.dma_semaphore, #tpu.memory_space<semaphore_mem>> -> memref<!tpu.dma_semaphore, #tpu.memory_space<semaphore_mem>>
    %dma_start3A_125 = arith.constant 0 : i32
    %dma_start3A_126 = tpu.memref_slice %arg5[%dma_start3A_115, %dma_start3A_125] : memref<8x200xi32, #tpu.memory_space<vmem>> -> memref<1x200xi32, #tpu.memory_space<vmem>>
    %dma_start3A_127 = tpu.memref_squeeze %dma_start3A_126 : memref<1x200xi32, #tpu.memory_space<vmem>> -> memref<200xi32, #tpu.memory_space<vmem>>
    %dma_start3A_128 = arith.constant 0 : i32
    %dma_start3A_129 = tpu.memref_slice %arg2[%add3A_114, %dma_start3A_128] : memref<4096x200xi32, #tpu.memory_space<hbm>> -> memref<1x200xi32, #tpu.memory_space<hbm>>
    %dma_start3A_130 = tpu.memref_squeeze %dma_start3A_129 : memref<1x200xi32, #tpu.memory_space<hbm>> -> memref<200xi32, #tpu.memory_space<hbm>>
    tpu.enqueue_dma source(%dma_start3A_130 : memref<200xi32, #tpu.memory_space<hbm>>) target(%dma_start3A_127 : memref<200xi32, #tpu.memory_space<vmem>>) target_semaphore(%dma_start3A_124 : memref<!tpu.dma_semaphore, #tpu.memory_space<semaphore_mem>>)
    %add3A_131 = arith.constant 7 : i32
    %add3A_132 = arith.addi %mul3A_2, %add3A_131 : i32
    %dma_start3A_133 = arith.constant 7 : i32
    %dma_start3A_134 = arith.constant 7 : i32
    %dma_start3A_135 = arith.constant 0 : i32
    %dma_start3A_136 = tpu.memref_slice %arg5[%dma_start3A_133, %dma_start3A_135] : memref<8x200xi32, #tpu.memory_space<vmem>> -> memref<1x200xi32, #tpu.memory_space<vmem>>
    %dma_start3A_137 = tpu.memref_squeeze %dma_start3A_136 : memref<1x200xi32, #tpu.memory_space<vmem>> -> memref<200xi32, #tpu.memory_space<vmem>>
    %dma_start3A_138 = arith.constant 0 : i32
    %dma_start3A_139 = tpu.memref_slice %arg2[%add3A_132, %dma_start3A_138] : memref<4096x200xi32, #tpu.memory_space<hbm>> -> memref<1x200xi32, #tpu.memory_space<hbm>>
    %dma_start3A_140 = tpu.memref_squeeze %dma_start3A_139 : memref<1x200xi32, #tpu.memory_space<hbm>> -> memref<200xi32, #tpu.memory_space<hbm>>
    %dma_start3A_141 = tpu.memref_slice %arg7[%dma_start3A_134] : memref<8x!tpu.dma_semaphore, #tpu.memory_space<semaphore_mem>> -> memref<1x!tpu.dma_semaphore, #tpu.memory_space<semaphore_mem>>
    %dma_start3A_142 = tpu.memref_squeeze %dma_start3A_141 : memref<1x!tpu.dma_semaphore, #tpu.memory_space<semaphore_mem>> -> memref<!tpu.dma_semaphore, #tpu.memory_space<semaphore_mem>>
    %dma_start3A_143 = arith.constant 0 : i32
    %dma_start3A_144 = tpu.memref_slice %arg5[%dma_start3A_133, %dma_start3A_143] : memref<8x200xi32, #tpu.memory_space<vmem>> -> memref<1x200xi32, #tpu.memory_space<vmem>>
    %dma_start3A_145 = tpu.memref_squeeze %dma_start3A_144 : memref<1x200xi32, #tpu.memory_space<vmem>> -> memref<200xi32, #tpu.memory_space<vmem>>
    %dma_start3A_146 = arith.constant 0 : i32
    %dma_start3A_147 = tpu.memref_slice %arg2[%add3A_132, %dma_start3A_146] : memref<4096x200xi32, #tpu.memory_space<hbm>> -> memref<1x200xi32, #tpu.memory_space<hbm>>
    %dma_start3A_148 = tpu.memref_squeeze %dma_start3A_147 : memref<1x200xi32, #tpu.memory_space<hbm>> -> memref<200xi32, #tpu.memory_space<hbm>>
    tpu.enqueue_dma source(%dma_start3A_148 : memref<200xi32, #tpu.memory_space<hbm>>) target(%dma_start3A_145 : memref<200xi32, #tpu.memory_space<vmem>>) target_semaphore(%dma_start3A_142 : memref<!tpu.dma_semaphore, #tpu.memory_space<semaphore_mem>>)
    %scan3A = arith.constant 0 : i32
    %scan3A_149 = arith.constant 0 : i32
    %scan3A_150 = arith.constant 16 : i32
    %scan3A_151 = arith.addi %scan3A_149, %scan3A_150 : i32
    %scan3A_152 = arith.constant 1 : i32
    scf.for %scan3A_441 = %scan3A_149 to %scan3A_151 step %scan3A_152  : i32 {
      %mul3A_442 = arith.constant 8 : i32
      %mul3A_443 = arith.muli %scan3A_441, %mul3A_442 : i32
      %add3A_444 = arith.addi %mul3A_2, %mul3A_443 : i32
      %gt3A = arith.constant 0 : i32
      %gt3A_445 = arith.cmpi sgt, %scan3A_441, %gt3A : i32
      %convert_element_type3A = arith.extui %gt3A_445 : i1 to i32
      %cond3A = arith.constant 0 : i32
      %cond3A_446 = arith.cmpi ne, %convert_element_type3A, %cond3A : i32
      scf.if %cond3A_446 {
        %dma_wait3A_1481 = arith.constant 0 : i32
        %dma_wait3A_1482 = arith.constant 0 : i32
        %dma_wait3A_1483 = arith.constant 0 : i32
        %dma_wait3A_1484 = arith.constant 0 : i32
        %dma_wait3A_1485 = tpu.memref_slice %arg6[%dma_wait3A_1481, %dma_wait3A_1483, %dma_wait3A_1484] : memref<8x200x64xf32, #tpu.memory_space<vmem>> -> memref<1x200x64xf32, #tpu.memory_space<vmem>>
        %dma_wait3A_1486 = tpu.memref_squeeze %dma_wait3A_1485 : memref<1x200x64xf32, #tpu.memory_space<vmem>> -> memref<200x64xf32, #tpu.memory_space<vmem>>
        %dma_wait3A_1487 = arith.constant 0 : i32
        %dma_wait3A_1488 = arith.constant 0 : i32
        %dma_wait3A_1489 = tpu.memref_slice %arg4[%mul3A_2, %dma_wait3A_1487, %dma_wait3A_1488] : memref<4096x200x64xf32, #tpu.memory_space<hbm>> -> memref<1x200x64xf32, #tpu.memory_space<hbm>>
        %dma_wait3A_1490 = tpu.memref_squeeze %dma_wait3A_1489 : memref<1x200x64xf32, #tpu.memory_space<hbm>> -> memref<200x64xf32, #tpu.memory_space<hbm>>
        %dma_wait3A_1491 = tpu.memref_slice %arg9[%dma_wait3A_1482] : memref<8x!tpu.dma_semaphore, #tpu.memory_space<semaphore_mem>> -> memref<1x!tpu.dma_semaphore, #tpu.memory_space<semaphore_mem>>
        %dma_wait3A_1492 = tpu.memref_squeeze %dma_wait3A_1491 : memref<1x!tpu.dma_semaphore, #tpu.memory_space<semaphore_mem>> -> memref<!tpu.dma_semaphore, #tpu.memory_space<semaphore_mem>>
        %dma_wait3A_1493 = arith.constant 0 : i32
        %dma_wait3A_1494 = arith.constant 0 : i32
        %dma_wait3A_1495 = tpu.memref_slice %arg4[%mul3A_2, %dma_wait3A_1493, %dma_wait3A_1494] : memref<4096x200x64xf32, #tpu.memory_space<hbm>> -> memref<1x200x64xf32, #tpu.memory_space<hbm>>
        %dma_wait3A_1496 = tpu.memref_squeeze %dma_wait3A_1495 : memref<1x200x64xf32, #tpu.memory_space<hbm>> -> memref<200x64xf32, #tpu.memory_space<hbm>>
        %dma_wait3A_1497 = arith.constant 0 : i32
        %dma_wait3A_1498 = arith.constant 0 : i32
        %dma_wait3A_1499 = tpu.memref_slice %arg6[%dma_wait3A_1481, %dma_wait3A_1497, %dma_wait3A_1498] : memref<8x200x64xf32, #tpu.memory_space<vmem>> -> memref<1x200x64xf32, #tpu.memory_space<vmem>>
        %dma_wait3A_1500 = tpu.memref_squeeze %dma_wait3A_1499 : memref<1x200x64xf32, #tpu.memory_space<vmem>> -> memref<200x64xf32, #tpu.memory_space<vmem>>
        tpu.wait_dma2 semaphore(%dma_wait3A_1492 : memref<!tpu.dma_semaphore, #tpu.memory_space<semaphore_mem>>) src(%dma_wait3A_1500 : memref<200x64xf32, #tpu.memory_space<vmem>>) dst(%dma_wait3A_1496 : memref<200x64xf32, #tpu.memory_space<hbm>>)
      } else {
      }
      %dma_wait3A_447 = arith.constant 0 : i32
      %dma_wait3A_448 = arith.constant 0 : i32
      %dma_wait3A_449 = arith.constant 0 : i32
      %dma_wait3A_450 = tpu.memref_slice %arg5[%dma_wait3A_447, %dma_wait3A_449] : memref<8x200xi32, #tpu.memory_space<vmem>> -> memref<1x200xi32, #tpu.memory_space<vmem>>
      %dma_wait3A_451 = tpu.memref_squeeze %dma_wait3A_450 : memref<1x200xi32, #tpu.memory_space<vmem>> -> memref<200xi32, #tpu.memory_space<vmem>>
      %dma_wait3A_452 = arith.constant 0 : i32
      %dma_wait3A_453 = tpu.memref_slice %arg2[%mul3A_2, %dma_wait3A_452] : memref<4096x200xi32, #tpu.memory_space<hbm>> -> memref<1x200xi32, #tpu.memory_space<hbm>>
      %dma_wait3A_454 = tpu.memref_squeeze %dma_wait3A_453 : memref<1x200xi32, #tpu.memory_space<hbm>> -> memref<200xi32, #tpu.memory_space<hbm>>
      %dma_wait3A_455 = tpu.memref_slice %arg7[%dma_wait3A_448] : memref<8x!tpu.dma_semaphore, #tpu.memory_space<semaphore_mem>> -> memref<1x!tpu.dma_semaphore, #tpu.memory_space<semaphore_mem>>
      %dma_wait3A_456 = tpu.memref_squeeze %dma_wait3A_455 : memref<1x!tpu.dma_semaphore, #tpu.memory_space<semaphore_mem>> -> memref<!tpu.dma_semaphore, #tpu.memory_space<semaphore_mem>>
      %dma_wait3A_457 = arith.constant 0 : i32
      %dma_wait3A_458 = tpu.memref_slice %arg5[%dma_wait3A_447, %dma_wait3A_457] : memref<8x200xi32, #tpu.memory_space<vmem>> -> memref<1x200xi32, #tpu.memory_space<vmem>>
      %dma_wait3A_459 = tpu.memref_squeeze %dma_wait3A_458 : memref<1x200xi32, #tpu.memory_space<vmem>> -> memref<200xi32, #tpu.memory_space<vmem>>
      %dma_wait3A_460 = arith.constant 0 : i32
      %dma_wait3A_461 = tpu.memref_slice %arg2[%mul3A_2, %dma_wait3A_460] : memref<4096x200xi32, #tpu.memory_space<hbm>> -> memref<1x200xi32, #tpu.memory_space<hbm>>
      %dma_wait3A_462 = tpu.memref_squeeze %dma_wait3A_461 : memref<1x200xi32, #tpu.memory_space<hbm>> -> memref<200xi32, #tpu.memory_space<hbm>>
      tpu.wait_dma2 semaphore(%dma_wait3A_456 : memref<!tpu.dma_semaphore, #tpu.memory_space<semaphore_mem>>) src(%dma_wait3A_462 : memref<200xi32, #tpu.memory_space<hbm>>) dst(%dma_wait3A_459 : memref<200xi32, #tpu.memory_space<vmem>>)
      %dma_start3A_463 = arith.constant 0 : i32
      %dma_start3A_464 = arith.constant 0 : i32
      %dma_start3A_465 = arith.constant 0 : i32
      %dma_start3A_466 = arith.constant 0 : i32
      %dma_start3A_467 = arith.constant 0 : i32
      %dma_start3A_468 = tpu.memref_slice %arg6[%dma_start3A_464, %dma_start3A_466, %dma_start3A_467] : memref<8x200x64xf32, #tpu.memory_space<vmem>> -> memref<1x128x64xf32, #tpu.memory_space<vmem>>
      %dma_start3A_469 = tpu.memref_squeeze %dma_start3A_468 : memref<1x128x64xf32, #tpu.memory_space<vmem>> -> memref<128x64xf32, #tpu.memory_space<vmem>>
      %dma_start3A_470 = arith.constant 0 : i32
      %dma_start3A_471 = tpu.memref_slice %arg5[%dma_start3A_463, %dma_start3A_470] : memref<8x200xi32, #tpu.memory_space<vmem>> -> memref<1x128xi32, #tpu.memory_space<vmem>>
      %dma_start3A_472 = tpu.memref_squeeze %dma_start3A_471 : memref<1x128xi32, #tpu.memory_space<vmem>> -> memref<128xi32, #tpu.memory_space<vmem>>
      %dma_start3A_473 = arith.constant 0 : i32
      %dma_start3A_474 = arith.constant 0 : i32
      %dma_start3A_475 = tpu.memref_slice %arg3[%dma_start3A_473, %dma_start3A_474] : memref<1000000x64xf32, #tpu.memory_space<hbm>> -> memref<1000000x64xf32, #tpu.memory_space<hbm>>
      %dma_start3A_476 = tpu.memref_slice %arg8[%dma_start3A_465] : memref<8x!tpu.dma_semaphore, #tpu.memory_space<semaphore_mem>> -> memref<1x!tpu.dma_semaphore, #tpu.memory_space<semaphore_mem>>
      %dma_start3A_477 = tpu.memref_squeeze %dma_start3A_476 : memref<1x!tpu.dma_semaphore, #tpu.memory_space<semaphore_mem>> -> memref<!tpu.dma_semaphore, #tpu.memory_space<semaphore_mem>>
      tpu.enqueue_indirect_dma source(%dma_start3A_475 : memref<1000000x64xf32, #tpu.memory_space<hbm>>) target(%dma_start3A_469 : memref<128x64xf32, #tpu.memory_space<vmem>>) offsets(%dma_start3A_472 : memref<128xi32, #tpu.memory_space<vmem>>) semaphore(%dma_start3A_477 : memref<!tpu.dma_semaphore, #tpu.memory_space<semaphore_mem>>)
      %dma_start3A_478 = arith.constant 0 : i32
      %dma_start3A_479 = arith.constant 0 : i32
      %dma_start3A_480 = arith.constant 0 : i32
      %dma_start3A_481 = arith.constant 128 : i32
      %dma_start3A_482 = arith.constant 0 : i32
      %dma_start3A_483 = tpu.memref_slice %arg6[%dma_start3A_479, %dma_start3A_481, %dma_start3A_482] : memref<8x200x64xf32, #tpu.memory_space<vmem>> -> memref<1x72x64xf32, #tpu.memory_space<vmem>>
      %dma_start3A_484 = tpu.memref_squeeze %dma_start3A_483 : memref<1x72x64xf32, #tpu.memory_space<vmem>> -> memref<72x64xf32, #tpu.memory_space<vmem>>
      %dma_start3A_485 = arith.constant 128 : i32
      %dma_start3A_486 = tpu.memref_slice %arg5[%dma_start3A_478, %dma_start3A_485] : memref<8x200xi32, #tpu.memory_space<vmem>> -> memref<1x72xi32, #tpu.memory_space<vmem>>
      %dma_start3A_487 = tpu.memref_squeeze %dma_start3A_486 : memref<1x72xi32, #tpu.memory_space<vmem>> -> memref<72xi32, #tpu.memory_space<vmem>>
      %dma_start3A_488 = arith.constant 0 : i32
      %dma_start3A_489 = arith.constant 0 : i32
      %dma_start3A_490 = tpu.memref_slice %arg3[%dma_start3A_488, %dma_start3A_489] : memref<1000000x64xf32, #tpu.memory_space<hbm>> -> memref<1000000x64xf32, #tpu.memory_space<hbm>>
      %dma_start3A_491 = tpu.memref_slice %arg8[%dma_start3A_480] : memref<8x!tpu.dma_semaphore, #tpu.memory_space<semaphore_mem>> -> memref<1x!tpu.dma_semaphore, #tpu.memory_space<semaphore_mem>>
      %dma_start3A_492 = tpu.memref_squeeze %dma_start3A_491 : memref<1x!tpu.dma_semaphore, #tpu.memory_space<semaphore_mem>> -> memref<!tpu.dma_semaphore, #tpu.memory_space<semaphore_mem>>
      tpu.enqueue_indirect_dma source(%dma_start3A_490 : memref<1000000x64xf32, #tpu.memory_space<hbm>>) target(%dma_start3A_484 : memref<72x64xf32, #tpu.memory_space<vmem>>) offsets(%dma_start3A_487 : memref<72xi32, #tpu.memory_space<vmem>>) semaphore(%dma_start3A_492 : memref<!tpu.dma_semaphore, #tpu.memory_space<semaphore_mem>>)
      %gt3A_493 = arith.constant 0 : i32
      %gt3A_494 = arith.cmpi sgt, %scan3A_441, %gt3A_493 : i32
      %convert_element_type3A_495 = arith.extui %gt3A_494 : i1 to i32
      %cond3A_496 = arith.constant 0 : i32
      %cond3A_497 = arith.cmpi ne, %convert_element_type3A_495, %cond3A_496 : i32
      scf.if %cond3A_497 {
        %dma_wait3A_1481 = arith.constant 1 : i32
        %dma_wait3A_1482 = arith.constant 1 : i32
        %dma_wait3A_1483 = arith.constant 0 : i32
        %dma_wait3A_1484 = arith.constant 0 : i32
        %dma_wait3A_1485 = tpu.memref_slice %arg6[%dma_wait3A_1481, %dma_wait3A_1483, %dma_wait3A_1484] : memref<8x200x64xf32, #tpu.memory_space<vmem>> -> memref<1x200x64xf32, #tpu.memory_space<vmem>>
        %dma_wait3A_1486 = tpu.memref_squeeze %dma_wait3A_1485 : memref<1x200x64xf32, #tpu.memory_space<vmem>> -> memref<200x64xf32, #tpu.memory_space<vmem>>
        %dma_wait3A_1487 = arith.constant 0 : i32
        %dma_wait3A_1488 = arith.constant 0 : i32
        %dma_wait3A_1489 = tpu.memref_slice %arg4[%mul3A_2, %dma_wait3A_1487, %dma_wait3A_1488] : memref<4096x200x64xf32, #tpu.memory_space<hbm>> -> memref<1x200x64xf32, #tpu.memory_space<hbm>>
        %dma_wait3A_1490 = tpu.memref_squeeze %dma_wait3A_1489 : memref<1x200x64xf32, #tpu.memory_space<hbm>> -> memref<200x64xf32, #tpu.memory_space<hbm>>
        %dma_wait3A_1491 = tpu.memref_slice %arg9[%dma_wait3A_1482] : memref<8x!tpu.dma_semaphore, #tpu.memory_space<semaphore_mem>> -> memref<1x!tpu.dma_semaphore, #tpu.memory_space<semaphore_mem>>
        %dma_wait3A_1492 = tpu.memref_squeeze %dma_wait3A_1491 : memref<1x!tpu.dma_semaphore, #tpu.memory_space<semaphore_mem>> -> memref<!tpu.dma_semaphore, #tpu.memory_space<semaphore_mem>>
        %dma_wait3A_1493 = arith.constant 0 : i32
        %dma_wait3A_1494 = arith.constant 0 : i32
        %dma_wait3A_1495 = tpu.memref_slice %arg4[%mul3A_2, %dma_wait3A_1493, %dma_wait3A_1494] : memref<4096x200x64xf32, #tpu.memory_space<hbm>> -> memref<1x200x64xf32, #tpu.memory_space<hbm>>
        %dma_wait3A_1496 = tpu.memref_squeeze %dma_wait3A_1495 : memref<1x200x64xf32, #tpu.memory_space<hbm>> -> memref<200x64xf32, #tpu.memory_space<hbm>>
        %dma_wait3A_1497 = arith.constant 0 : i32
        %dma_wait3A_1498 = arith.constant 0 : i32
        %dma_wait3A_1499 = tpu.memref_slice %arg6[%dma_wait3A_1481, %dma_wait3A_1497, %dma_wait3A_1498] : memref<8x200x64xf32, #tpu.memory_space<vmem>> -> memref<1x200x64xf32, #tpu.memory_space<vmem>>
        %dma_wait3A_1500 = tpu.memref_squeeze %dma_wait3A_1499 : memref<1x200x64xf32, #tpu.memory_space<vmem>> -> memref<200x64xf32, #tpu.memory_space<vmem>>
        tpu.wait_dma2 semaphore(%dma_wait3A_1492 : memref<!tpu.dma_semaphore, #tpu.memory_space<semaphore_mem>>) src(%dma_wait3A_1500 : memref<200x64xf32, #tpu.memory_space<vmem>>) dst(%dma_wait3A_1496 : memref<200x64xf32, #tpu.memory_space<hbm>>)
      } else {
      }
      %dma_wait3A_498 = arith.constant 1 : i32
      %dma_wait3A_499 = arith.constant 1 : i32
      %dma_wait3A_500 = arith.constant 0 : i32
      %dma_wait3A_501 = tpu.memref_slice %arg5[%dma_wait3A_498, %dma_wait3A_500] : memref<8x200xi32, #tpu.memory_space<vmem>> -> memref<1x200xi32, #tpu.memory_space<vmem>>
      %dma_wait3A_502 = tpu.memref_squeeze %dma_wait3A_501 : memref<1x200xi32, #tpu.memory_space<vmem>> -> memref<200xi32, #tpu.memory_space<vmem>>
      %dma_wait3A_503 = arith.constant 0 : i32
      %dma_wait3A_504 = tpu.memref_slice %arg2[%mul3A_2, %dma_wait3A_503] : memref<4096x200xi32, #tpu.memory_space<hbm>> -> memref<1x200xi32, #tpu.memory_space<hbm>>
      %dma_wait3A_505 = tpu.memref_squeeze %dma_wait3A_504 : memref<1x200xi32, #tpu.memory_space<hbm>> -> memref<200xi32, #tpu.memory_space<hbm>>
      %dma_wait3A_506 = tpu.memref_slice %arg7[%dma_wait3A_499] : memref<8x!tpu.dma_semaphore, #tpu.memory_space<semaphore_mem>> -> memref<1x!tpu.dma_semaphore, #tpu.memory_space<semaphore_mem>>
      %dma_wait3A_507 = tpu.memref_squeeze %dma_wait3A_506 : memref<1x!tpu.dma_semaphore, #tpu.memory_space<semaphore_mem>> -> memref<!tpu.dma_semaphore, #tpu.memory_space<semaphore_mem>>
      %dma_wait3A_508 = arith.constant 0 : i32
      %dma_wait3A_509 = tpu.memref_slice %arg5[%dma_wait3A_498, %dma_wait3A_508] : memref<8x200xi32, #tpu.memory_space<vmem>> -> memref<1x200xi32, #tpu.memory_space<vmem>>
      %dma_wait3A_510 = tpu.memref_squeeze %dma_wait3A_509 : memref<1x200xi32, #tpu.memory_space<vmem>> -> memref<200xi32, #tpu.memory_space<vmem>>
      %dma_wait3A_511 = arith.constant 0 : i32
      %dma_wait3A_512 = tpu.memref_slice %arg2[%mul3A_2, %dma_wait3A_511] : memref<4096x200xi32, #tpu.memory_space<hbm>> -> memref<1x200xi32, #tpu.memory_space<hbm>>
      %dma_wait3A_513 = tpu.memref_squeeze %dma_wait3A_512 : memref<1x200xi32, #tpu.memory_space<hbm>> -> memref<200xi32, #tpu.memory_space<hbm>>
      tpu.wait_dma2 semaphore(%dma_wait3A_507 : memref<!tpu.dma_semaphore, #tpu.memory_space<semaphore_mem>>) src(%dma_wait3A_513 : memref<200xi32, #tpu.memory_space<hbm>>) dst(%dma_wait3A_510 : memref<200xi32, #tpu.memory_space<vmem>>)
      %dma_start3A_514 = arith.constant 1 : i32
      %dma_start3A_515 = arith.constant 1 : i32
      %dma_start3A_516 = arith.constant 1 : i32
      %dma_start3A_517 = arith.constant 0 : i32
      %dma_start3A_518 = arith.constant 0 : i32
      %dma_start3A_519 = tpu.memref_slice %arg6[%dma_start3A_515, %dma_start3A_517, %dma_start3A_518] : memref<8x200x64xf32, #tpu.memory_space<vmem>> -> memref<1x128x64xf32, #tpu.memory_space<vmem>>
      %dma_start3A_520 = tpu.memref_squeeze %dma_start3A_519 : memref<1x128x64xf32, #tpu.memory_space<vmem>> -> memref<128x64xf32, #tpu.memory_space<vmem>>
      %dma_start3A_521 = arith.constant 0 : i32
      %dma_start3A_522 = tpu.memref_slice %arg5[%dma_start3A_514, %dma_start3A_521] : memref<8x200xi32, #tpu.memory_space<vmem>> -> memref<1x128xi32, #tpu.memory_space<vmem>>
      %dma_start3A_523 = tpu.memref_squeeze %dma_start3A_522 : memref<1x128xi32, #tpu.memory_space<vmem>> -> memref<128xi32, #tpu.memory_space<vmem>>
      %dma_start3A_524 = arith.constant 0 : i32
      %dma_start3A_525 = arith.constant 0 : i32
      %dma_start3A_526 = tpu.memref_slice %arg3[%dma_start3A_524, %dma_start3A_525] : memref<1000000x64xf32, #tpu.memory_space<hbm>> -> memref<1000000x64xf32, #tpu.memory_space<hbm>>
      %dma_start3A_527 = tpu.memref_slice %arg8[%dma_start3A_516] : memref<8x!tpu.dma_semaphore, #tpu.memory_space<semaphore_mem>> -> memref<1x!tpu.dma_semaphore, #tpu.memory_space<semaphore_mem>>
      %dma_start3A_528 = tpu.memref_squeeze %dma_start3A_527 : memref<1x!tpu.dma_semaphore, #tpu.memory_space<semaphore_mem>> -> memref<!tpu.dma_semaphore, #tpu.memory_space<semaphore_mem>>
      tpu.enqueue_indirect_dma source(%dma_start3A_526 : memref<1000000x64xf32, #tpu.memory_space<hbm>>) target(%dma_start3A_520 : memref<128x64xf32, #tpu.memory_space<vmem>>) offsets(%dma_start3A_523 : memref<128xi32, #tpu.memory_space<vmem>>) semaphore(%dma_start3A_528 : memref<!tpu.dma_semaphore, #tpu.memory_space<semaphore_mem>>)
      %dma_start3A_529 = arith.constant 1 : i32
      %dma_start3A_530 = arith.constant 1 : i32
      %dma_start3A_531 = arith.constant 1 : i32
      %dma_start3A_532 = arith.constant 128 : i32
      %dma_start3A_533 = arith.constant 0 : i32
      %dma_start3A_534 = tpu.memref_slice %arg6[%dma_start3A_530, %dma_start3A_532, %dma_start3A_533] : memref<8x200x64xf32, #tpu.memory_space<vmem>> -> memref<1x72x64xf32, #tpu.memory_space<vmem>>
      %dma_start3A_535 = tpu.memref_squeeze %dma_start3A_534 : memref<1x72x64xf32, #tpu.memory_space<vmem>> -> memref<72x64xf32, #tpu.memory_space<vmem>>
      %dma_start3A_536 = arith.constant 128 : i32
      %dma_start3A_537 = tpu.memref_slice %arg5[%dma_start3A_529, %dma_start3A_536] : memref<8x200xi32, #tpu.memory_space<vmem>> -> memref<1x72xi32, #tpu.memory_space<vmem>>
      %dma_start3A_538 = tpu.memref_squeeze %dma_start3A_537 : memref<1x72xi32, #tpu.memory_space<vmem>> -> memref<72xi32, #tpu.memory_space<vmem>>
      %dma_start3A_539 = arith.constant 0 : i32
      %dma_start3A_540 = arith.constant 0 : i32
      %dma_start3A_541 = tpu.memref_slice %arg3[%dma_start3A_539, %dma_start3A_540] : memref<1000000x64xf32, #tpu.memory_space<hbm>> -> memref<1000000x64xf32, #tpu.memory_space<hbm>>
      %dma_start3A_542 = tpu.memref_slice %arg8[%dma_start3A_531] : memref<8x!tpu.dma_semaphore, #tpu.memory_space<semaphore_mem>> -> memref<1x!tpu.dma_semaphore, #tpu.memory_space<semaphore_mem>>
      %dma_start3A_543 = tpu.memref_squeeze %dma_start3A_542 : memref<1x!tpu.dma_semaphore, #tpu.memory_space<semaphore_mem>> -> memref<!tpu.dma_semaphore, #tpu.memory_space<semaphore_mem>>
      tpu.enqueue_indirect_dma source(%dma_start3A_541 : memref<1000000x64xf32, #tpu.memory_space<hbm>>) target(%dma_start3A_535 : memref<72x64xf32, #tpu.memory_space<vmem>>) offsets(%dma_start3A_538 : memref<72xi32, #tpu.memory_space<vmem>>) semaphore(%dma_start3A_543 : memref<!tpu.dma_semaphore, #tpu.memory_space<semaphore_mem>>)
      %gt3A_544 = arith.constant 0 : i32
      %gt3A_545 = arith.cmpi sgt, %scan3A_441, %gt3A_544 : i32
      %convert_element_type3A_546 = arith.extui %gt3A_545 : i1 to i32
      %cond3A_547 = arith.constant 0 : i32
      %cond3A_548 = arith.cmpi ne, %convert_element_type3A_546, %cond3A_547 : i32
      scf.if %cond3A_548 {
        %dma_wait3A_1481 = arith.constant 2 : i32
        %dma_wait3A_1482 = arith.constant 2 : i32
        %dma_wait3A_1483 = arith.constant 0 : i32
        %dma_wait3A_1484 = arith.constant 0 : i32
        %dma_wait3A_1485 = tpu.memref_slice %arg6[%dma_wait3A_1481, %dma_wait3A_1483, %dma_wait3A_1484] : memref<8x200x64xf32, #tpu.memory_space<vmem>> -> memref<1x200x64xf32, #tpu.memory_space<vmem>>
        %dma_wait3A_1486 = tpu.memref_squeeze %dma_wait3A_1485 : memref<1x200x64xf32, #tpu.memory_space<vmem>> -> memref<200x64xf32, #tpu.memory_space<vmem>>
        %dma_wait3A_1487 = arith.constant 0 : i32
        %dma_wait3A_1488 = arith.constant 0 : i32
        %dma_wait3A_1489 = tpu.memref_slice %arg4[%mul3A_2, %dma_wait3A_1487, %dma_wait3A_1488] : memref<4096x200x64xf32, #tpu.memory_space<hbm>> -> memref<1x200x64xf32, #tpu.memory_space<hbm>>
        %dma_wait3A_1490 = tpu.memref_squeeze %dma_wait3A_1489 : memref<1x200x64xf32, #tpu.memory_space<hbm>> -> memref<200x64xf32, #tpu.memory_space<hbm>>
        %dma_wait3A_1491 = tpu.memref_slice %arg9[%dma_wait3A_1482] : memref<8x!tpu.dma_semaphore, #tpu.memory_space<semaphore_mem>> -> memref<1x!tpu.dma_semaphore, #tpu.memory_space<semaphore_mem>>
        %dma_wait3A_1492 = tpu.memref_squeeze %dma_wait3A_1491 : memref<1x!tpu.dma_semaphore, #tpu.memory_space<semaphore_mem>> -> memref<!tpu.dma_semaphore, #tpu.memory_space<semaphore_mem>>
        %dma_wait3A_1493 = arith.constant 0 : i32
        %dma_wait3A_1494 = arith.constant 0 : i32
        %dma_wait3A_1495 = tpu.memref_slice %arg4[%mul3A_2, %dma_wait3A_1493, %dma_wait3A_1494] : memref<4096x200x64xf32, #tpu.memory_space<hbm>> -> memref<1x200x64xf32, #tpu.memory_space<hbm>>
        %dma_wait3A_1496 = tpu.memref_squeeze %dma_wait3A_1495 : memref<1x200x64xf32, #tpu.memory_space<hbm>> -> memref<200x64xf32, #tpu.memory_space<hbm>>
        %dma_wait3A_1497 = arith.constant 0 : i32
        %dma_wait3A_1498 = arith.constant 0 : i32
        %dma_wait3A_1499 = tpu.memref_slice %arg6[%dma_wait3A_1481, %dma_wait3A_1497, %dma_wait3A_1498] : memref<8x200x64xf32, #tpu.memory_space<vmem>> -> memref<1x200x64xf32, #tpu.memory_space<vmem>>
        %dma_wait3A_1500 = tpu.memref_squeeze %dma_wait3A_1499 : memref<1x200x64xf32, #tpu.memory_space<vmem>> -> memref<200x64xf32, #tpu.memory_space<vmem>>
        tpu.wait_dma2 semaphore(%dma_wait3A_1492 : memref<!tpu.dma_semaphore, #tpu.memory_space<semaphore_mem>>) src(%dma_wait3A_1500 : memref<200x64xf32, #tpu.memory_space<vmem>>) dst(%dma_wait3A_1496 : memref<200x64xf32, #tpu.memory_space<hbm>>)
      } else {
      }
      %dma_wait3A_549 = arith.constant 2 : i32
      %dma_wait3A_550 = arith.constant 2 : i32
      %dma_wait3A_551 = arith.constant 0 : i32
      %dma_wait3A_552 = tpu.memref_slice %arg5[%dma_wait3A_549, %dma_wait3A_551] : memref<8x200xi32, #tpu.memory_space<vmem>> -> memref<1x200xi32, #tpu.memory_space<vmem>>
      %dma_wait3A_553 = tpu.memref_squeeze %dma_wait3A_552 : memref<1x200xi32, #tpu.memory_space<vmem>> -> memref<200xi32, #tpu.memory_space<vmem>>
      %dma_wait3A_554 = arith.constant 0 : i32
      %dma_wait3A_555 = tpu.memref_slice %arg2[%mul3A_2, %dma_wait3A_554] : memref<4096x200xi32, #tpu.memory_space<hbm>> -> memref<1x200xi32, #tpu.memory_space<hbm>>
      %dma_wait3A_556 = tpu.memref_squeeze %dma_wait3A_555 : memref<1x200xi32, #tpu.memory_space<hbm>> -> memref<200xi32, #tpu.memory_space<hbm>>
      %dma_wait3A_557 = tpu.memref_slice %arg7[%dma_wait3A_550] : memref<8x!tpu.dma_semaphore, #tpu.memory_space<semaphore_mem>> -> memref<1x!tpu.dma_semaphore, #tpu.memory_space<semaphore_mem>>
      %dma_wait3A_558 = tpu.memref_squeeze %dma_wait3A_557 : memref<1x!tpu.dma_semaphore, #tpu.memory_space<semaphore_mem>> -> memref<!tpu.dma_semaphore, #tpu.memory_space<semaphore_mem>>
      %dma_wait3A_559 = arith.constant 0 : i32
      %dma_wait3A_560 = tpu.memref_slice %arg5[%dma_wait3A_549, %dma_wait3A_559] : memref<8x200xi32, #tpu.memory_space<vmem>> -> memref<1x200xi32, #tpu.memory_space<vmem>>
      %dma_wait3A_561 = tpu.memref_squeeze %dma_wait3A_560 : memref<1x200xi32, #tpu.memory_space<vmem>> -> memref<200xi32, #tpu.memory_space<vmem>>
      %dma_wait3A_562 = arith.constant 0 : i32
      %dma_wait3A_563 = tpu.memref_slice %arg2[%mul3A_2, %dma_wait3A_562] : memref<4096x200xi32, #tpu.memory_space<hbm>> -> memref<1x200xi32, #tpu.memory_space<hbm>>
      %dma_wait3A_564 = tpu.memref_squeeze %dma_wait3A_563 : memref<1x200xi32, #tpu.memory_space<hbm>> -> memref<200xi32, #tpu.memory_space<hbm>>
      tpu.wait_dma2 semaphore(%dma_wait3A_558 : memref<!tpu.dma_semaphore, #tpu.memory_space<semaphore_mem>>) src(%dma_wait3A_564 : memref<200xi32, #tpu.memory_space<hbm>>) dst(%dma_wait3A_561 : memref<200xi32, #tpu.memory_space<vmem>>)
      %dma_start3A_565 = arith.constant 2 : i32
      %dma_start3A_566 = arith.constant 2 : i32
      %dma_start3A_567 = arith.constant 2 : i32
      %dma_start3A_568 = arith.constant 0 : i32
      %dma_start3A_569 = arith.constant 0 : i32
      %dma_start3A_570 = tpu.memref_slice %arg6[%dma_start3A_566, %dma_start3A_568, %dma_start3A_569] : memref<8x200x64xf32, #tpu.memory_space<vmem>> -> memref<1x128x64xf32, #tpu.memory_space<vmem>>
      %dma_start3A_571 = tpu.memref_squeeze %dma_start3A_570 : memref<1x128x64xf32, #tpu.memory_space<vmem>> -> memref<128x64xf32, #tpu.memory_space<vmem>>
      %dma_start3A_572 = arith.constant 0 : i32
      %dma_start3A_573 = tpu.memref_slice %arg5[%dma_start3A_565, %dma_start3A_572] : memref<8x200xi32, #tpu.memory_space<vmem>> -> memref<1x128xi32, #tpu.memory_space<vmem>>
      %dma_start3A_574 = tpu.memref_squeeze %dma_start3A_573 : memref<1x128xi32, #tpu.memory_space<vmem>> -> memref<128xi32, #tpu.memory_space<vmem>>
      %dma_start3A_575 = arith.constant 0 : i32
      %dma_start3A_576 = arith.constant 0 : i32
      %dma_start3A_577 = tpu.memref_slice %arg3[%dma_start3A_575, %dma_start3A_576] : memref<1000000x64xf32, #tpu.memory_space<hbm>> -> memref<1000000x64xf32, #tpu.memory_space<hbm>>
      %dma_start3A_578 = tpu.memref_slice %arg8[%dma_start3A_567] : memref<8x!tpu.dma_semaphore, #tpu.memory_space<semaphore_mem>> -> memref<1x!tpu.dma_semaphore, #tpu.memory_space<semaphore_mem>>
      %dma_start3A_579 = tpu.memref_squeeze %dma_start3A_578 : memref<1x!tpu.dma_semaphore, #tpu.memory_space<semaphore_mem>> -> memref<!tpu.dma_semaphore, #tpu.memory_space<semaphore_mem>>
      tpu.enqueue_indirect_dma source(%dma_start3A_577 : memref<1000000x64xf32, #tpu.memory_space<hbm>>) target(%dma_start3A_571 : memref<128x64xf32, #tpu.memory_space<vmem>>) offsets(%dma_start3A_574 : memref<128xi32, #tpu.memory_space<vmem>>) semaphore(%dma_start3A_579 : memref<!tpu.dma_semaphore, #tpu.memory_space<semaphore_mem>>)
      %dma_start3A_580 = arith.constant 2 : i32
      %dma_start3A_581 = arith.constant 2 : i32
      %dma_start3A_582 = arith.constant 2 : i32
      %dma_start3A_583 = arith.constant 128 : i32
      %dma_start3A_584 = arith.constant 0 : i32
      %dma_start3A_585 = tpu.memref_slice %arg6[%dma_start3A_581, %dma_start3A_583, %dma_start3A_584] : memref<8x200x64xf32, #tpu.memory_space<vmem>> -> memref<1x72x64xf32, #tpu.memory_space<vmem>>
      %dma_start3A_586 = tpu.memref_squeeze %dma_start3A_585 : memref<1x72x64xf32, #tpu.memory_space<vmem>> -> memref<72x64xf32, #tpu.memory_space<vmem>>
      %dma_start3A_587 = arith.constant 128 : i32
      %dma_start3A_588 = tpu.memref_slice %arg5[%dma_start3A_580, %dma_start3A_587] : memref<8x200xi32, #tpu.memory_space<vmem>> -> memref<1x72xi32, #tpu.memory_space<vmem>>
      %dma_start3A_589 = tpu.memref_squeeze %dma_start3A_588 : memref<1x72xi32, #tpu.memory_space<vmem>> -> memref<72xi32, #tpu.memory_space<vmem>>
      %dma_start3A_590 = arith.constant 0 : i32
      %dma_start3A_591 = arith.constant 0 : i32
      %dma_start3A_592 = tpu.memref_slice %arg3[%dma_start3A_590, %dma_start3A_591] : memref<1000000x64xf32, #tpu.memory_space<hbm>> -> memref<1000000x64xf32, #tpu.memory_space<hbm>>
      %dma_start3A_593 = tpu.memref_slice %arg8[%dma_start3A_582] : memref<8x!tpu.dma_semaphore, #tpu.memory_space<semaphore_mem>> -> memref<1x!tpu.dma_semaphore, #tpu.memory_space<semaphore_mem>>
      %dma_start3A_594 = tpu.memref_squeeze %dma_start3A_593 : memref<1x!tpu.dma_semaphore, #tpu.memory_space<semaphore_mem>> -> memref<!tpu.dma_semaphore, #tpu.memory_space<semaphore_mem>>
      tpu.enqueue_indirect_dma source(%dma_start3A_592 : memref<1000000x64xf32, #tpu.memory_space<hbm>>) target(%dma_start3A_586 : memref<72x64xf32, #tpu.memory_space<vmem>>) offsets(%dma_start3A_589 : memref<72xi32, #tpu.memory_space<vmem>>) semaphore(%dma_start3A_594 : memref<!tpu.dma_semaphore, #tpu.memory_space<semaphore_mem>>)
      %gt3A_595 = arith.constant 0 : i32
      %gt3A_596 = arith.cmpi sgt, %scan3A_441, %gt3A_595 : i32
      %convert_element_type3A_597 = arith.extui %gt3A_596 : i1 to i32
      %cond3A_598 = arith.constant 0 : i32
      %cond3A_599 = arith.cmpi ne, %convert_element_type3A_597, %cond3A_598 : i32
      scf.if %cond3A_599 {
        %dma_wait3A_1481 = arith.constant 3 : i32
        %dma_wait3A_1482 = arith.constant 3 : i32
        %dma_wait3A_1483 = arith.constant 0 : i32
        %dma_wait3A_1484 = arith.constant 0 : i32
        %dma_wait3A_1485 = tpu.memref_slice %arg6[%dma_wait3A_1481, %dma_wait3A_1483, %dma_wait3A_1484] : memref<8x200x64xf32, #tpu.memory_space<vmem>> -> memref<1x200x64xf32, #tpu.memory_space<vmem>>
        %dma_wait3A_1486 = tpu.memref_squeeze %dma_wait3A_1485 : memref<1x200x64xf32, #tpu.memory_space<vmem>> -> memref<200x64xf32, #tpu.memory_space<vmem>>
        %dma_wait3A_1487 = arith.constant 0 : i32
        %dma_wait3A_1488 = arith.constant 0 : i32
        %dma_wait3A_1489 = tpu.memref_slice %arg4[%mul3A_2, %dma_wait3A_1487, %dma_wait3A_1488] : memref<4096x200x64xf32, #tpu.memory_space<hbm>> -> memref<1x200x64xf32, #tpu.memory_space<hbm>>
        %dma_wait3A_1490 = tpu.memref_squeeze %dma_wait3A_1489 : memref<1x200x64xf32, #tpu.memory_space<hbm>> -> memref<200x64xf32, #tpu.memory_space<hbm>>
        %dma_wait3A_1491 = tpu.memref_slice %arg9[%dma_wait3A_1482] : memref<8x!tpu.dma_semaphore, #tpu.memory_space<semaphore_mem>> -> memref<1x!tpu.dma_semaphore, #tpu.memory_space<semaphore_mem>>
        %dma_wait3A_1492 = tpu.memref_squeeze %dma_wait3A_1491 : memref<1x!tpu.dma_semaphore, #tpu.memory_space<semaphore_mem>> -> memref<!tpu.dma_semaphore, #tpu.memory_space<semaphore_mem>>
        %dma_wait3A_1493 = arith.constant 0 : i32
        %dma_wait3A_1494 = arith.constant 0 : i32
        %dma_wait3A_1495 = tpu.memref_slice %arg4[%mul3A_2, %dma_wait3A_1493, %dma_wait3A_1494] : memref<4096x200x64xf32, #tpu.memory_space<hbm>> -> memref<1x200x64xf32, #tpu.memory_space<hbm>>
        %dma_wait3A_1496 = tpu.memref_squeeze %dma_wait3A_1495 : memref<1x200x64xf32, #tpu.memory_space<hbm>> -> memref<200x64xf32, #tpu.memory_space<hbm>>
        %dma_wait3A_1497 = arith.constant 0 : i32
        %dma_wait3A_1498 = arith.constant 0 : i32
        %dma_wait3A_1499 = tpu.memref_slice %arg6[%dma_wait3A_1481, %dma_wait3A_1497, %dma_wait3A_1498] : memref<8x200x64xf32, #tpu.memory_space<vmem>> -> memref<1x200x64xf32, #tpu.memory_space<vmem>>
        %dma_wait3A_1500 = tpu.memref_squeeze %dma_wait3A_1499 : memref<1x200x64xf32, #tpu.memory_space<vmem>> -> memref<200x64xf32, #tpu.memory_space<vmem>>
        tpu.wait_dma2 semaphore(%dma_wait3A_1492 : memref<!tpu.dma_semaphore, #tpu.memory_space<semaphore_mem>>) src(%dma_wait3A_1500 : memref<200x64xf32, #tpu.memory_space<vmem>>) dst(%dma_wait3A_1496 : memref<200x64xf32, #tpu.memory_space<hbm>>)
      } else {
      }
      %dma_wait3A_600 = arith.constant 3 : i32
      %dma_wait3A_601 = arith.constant 3 : i32
      %dma_wait3A_602 = arith.constant 0 : i32
      %dma_wait3A_603 = tpu.memref_slice %arg5[%dma_wait3A_600, %dma_wait3A_602] : memref<8x200xi32, #tpu.memory_space<vmem>> -> memref<1x200xi32, #tpu.memory_space<vmem>>
      %dma_wait3A_604 = tpu.memref_squeeze %dma_wait3A_603 : memref<1x200xi32, #tpu.memory_space<vmem>> -> memref<200xi32, #tpu.memory_space<vmem>>
      %dma_wait3A_605 = arith.constant 0 : i32
      %dma_wait3A_606 = tpu.memref_slice %arg2[%mul3A_2, %dma_wait3A_605] : memref<4096x200xi32, #tpu.memory_space<hbm>> -> memref<1x200xi32, #tpu.memory_space<hbm>>
      %dma_wait3A_607 = tpu.memref_squeeze %dma_wait3A_606 : memref<1x200xi32, #tpu.memory_space<hbm>> -> memref<200xi32, #tpu.memory_space<hbm>>
      %dma_wait3A_608 = tpu.memref_slice %arg7[%dma_wait3A_601] : memref<8x!tpu.dma_semaphore, #tpu.memory_space<semaphore_mem>> -> memref<1x!tpu.dma_semaphore, #tpu.memory_space<semaphore_mem>>
      %dma_wait3A_609 = tpu.memref_squeeze %dma_wait3A_608 : memref<1x!tpu.dma_semaphore, #tpu.memory_space<semaphore_mem>> -> memref<!tpu.dma_semaphore, #tpu.memory_space<semaphore_mem>>
      %dma_wait3A_610 = arith.constant 0 : i32
      %dma_wait3A_611 = tpu.memref_slice %arg5[%dma_wait3A_600, %dma_wait3A_610] : memref<8x200xi32, #tpu.memory_space<vmem>> -> memref<1x200xi32, #tpu.memory_space<vmem>>
      %dma_wait3A_612 = tpu.memref_squeeze %dma_wait3A_611 : memref<1x200xi32, #tpu.memory_space<vmem>> -> memref<200xi32, #tpu.memory_space<vmem>>
      %dma_wait3A_613 = arith.constant 0 : i32
      %dma_wait3A_614 = tpu.memref_slice %arg2[%mul3A_2, %dma_wait3A_613] : memref<4096x200xi32, #tpu.memory_space<hbm>> -> memref<1x200xi32, #tpu.memory_space<hbm>>
      %dma_wait3A_615 = tpu.memref_squeeze %dma_wait3A_614 : memref<1x200xi32, #tpu.memory_space<hbm>> -> memref<200xi32, #tpu.memory_space<hbm>>
      tpu.wait_dma2 semaphore(%dma_wait3A_609 : memref<!tpu.dma_semaphore, #tpu.memory_space<semaphore_mem>>) src(%dma_wait3A_615 : memref<200xi32, #tpu.memory_space<hbm>>) dst(%dma_wait3A_612 : memref<200xi32, #tpu.memory_space<vmem>>)
      %dma_start3A_616 = arith.constant 3 : i32
      %dma_start3A_617 = arith.constant 3 : i32
      %dma_start3A_618 = arith.constant 3 : i32
      %dma_start3A_619 = arith.constant 0 : i32
      %dma_start3A_620 = arith.constant 0 : i32
      %dma_start3A_621 = tpu.memref_slice %arg6[%dma_start3A_617, %dma_start3A_619, %dma_start3A_620] : memref<8x200x64xf32, #tpu.memory_space<vmem>> -> memref<1x128x64xf32, #tpu.memory_space<vmem>>
      %dma_start3A_622 = tpu.memref_squeeze %dma_start3A_621 : memref<1x128x64xf32, #tpu.memory_space<vmem>> -> memref<128x64xf32, #tpu.memory_space<vmem>>
      %dma_start3A_623 = arith.constant 0 : i32
      %dma_start3A_624 = tpu.memref_slice %arg5[%dma_start3A_616, %dma_start3A_623] : memref<8x200xi32, #tpu.memory_space<vmem>> -> memref<1x128xi32, #tpu.memory_space<vmem>>
      %dma_start3A_625 = tpu.memref_squeeze %dma_start3A_624 : memref<1x128xi32, #tpu.memory_space<vmem>> -> memref<128xi32, #tpu.memory_space<vmem>>
      %dma_start3A_626 = arith.constant 0 : i32
      %dma_start3A_627 = arith.constant 0 : i32
      %dma_start3A_628 = tpu.memref_slice %arg3[%dma_start3A_626, %dma_start3A_627] : memref<1000000x64xf32, #tpu.memory_space<hbm>> -> memref<1000000x64xf32, #tpu.memory_space<hbm>>
      %dma_start3A_629 = tpu.memref_slice %arg8[%dma_start3A_618] : memref<8x!tpu.dma_semaphore, #tpu.memory_space<semaphore_mem>> -> memref<1x!tpu.dma_semaphore, #tpu.memory_space<semaphore_mem>>
      %dma_start3A_630 = tpu.memref_squeeze %dma_start3A_629 : memref<1x!tpu.dma_semaphore, #tpu.memory_space<semaphore_mem>> -> memref<!tpu.dma_semaphore, #tpu.memory_space<semaphore_mem>>
      tpu.enqueue_indirect_dma source(%dma_start3A_628 : memref<1000000x64xf32, #tpu.memory_space<hbm>>) target(%dma_start3A_622 : memref<128x64xf32, #tpu.memory_space<vmem>>) offsets(%dma_start3A_625 : memref<128xi32, #tpu.memory_space<vmem>>) semaphore(%dma_start3A_630 : memref<!tpu.dma_semaphore, #tpu.memory_space<semaphore_mem>>)
      %dma_start3A_631 = arith.constant 3 : i32
      %dma_start3A_632 = arith.constant 3 : i32
      %dma_start3A_633 = arith.constant 3 : i32
      %dma_start3A_634 = arith.constant 128 : i32
      %dma_start3A_635 = arith.constant 0 : i32
      %dma_start3A_636 = tpu.memref_slice %arg6[%dma_start3A_632, %dma_start3A_634, %dma_start3A_635] : memref<8x200x64xf32, #tpu.memory_space<vmem>> -> memref<1x72x64xf32, #tpu.memory_space<vmem>>
      %dma_start3A_637 = tpu.memref_squeeze %dma_start3A_636 : memref<1x72x64xf32, #tpu.memory_space<vmem>> -> memref<72x64xf32, #tpu.memory_space<vmem>>
      %dma_start3A_638 = arith.constant 128 : i32
      %dma_start3A_639 = tpu.memref_slice %arg5[%dma_start3A_631, %dma_start3A_638] : memref<8x200xi32, #tpu.memory_space<vmem>> -> memref<1x72xi32, #tpu.memory_space<vmem>>
      %dma_start3A_640 = tpu.memref_squeeze %dma_start3A_639 : memref<1x72xi32, #tpu.memory_space<vmem>> -> memref<72xi32, #tpu.memory_space<vmem>>
      %dma_start3A_641 = arith.constant 0 : i32
      %dma_start3A_642 = arith.constant 0 : i32
      %dma_start3A_643 = tpu.memref_slice %arg3[%dma_start3A_641, %dma_start3A_642] : memref<1000000x64xf32, #tpu.memory_space<hbm>> -> memref<1000000x64xf32, #tpu.memory_space<hbm>>
      %dma_start3A_644 = tpu.memref_slice %arg8[%dma_start3A_633] : memref<8x!tpu.dma_semaphore, #tpu.memory_space<semaphore_mem>> -> memref<1x!tpu.dma_semaphore, #tpu.memory_space<semaphore_mem>>
      %dma_start3A_645 = tpu.memref_squeeze %dma_start3A_644 : memref<1x!tpu.dma_semaphore, #tpu.memory_space<semaphore_mem>> -> memref<!tpu.dma_semaphore, #tpu.memory_space<semaphore_mem>>
      tpu.enqueue_indirect_dma source(%dma_start3A_643 : memref<1000000x64xf32, #tpu.memory_space<hbm>>) target(%dma_start3A_637 : memref<72x64xf32, #tpu.memory_space<vmem>>) offsets(%dma_start3A_640 : memref<72xi32, #tpu.memory_space<vmem>>) semaphore(%dma_start3A_645 : memref<!tpu.dma_semaphore, #tpu.memory_space<semaphore_mem>>)
      %gt3A_646 = arith.constant 0 : i32
      %gt3A_647 = arith.cmpi sgt, %scan3A_441, %gt3A_646 : i32
      %convert_element_type3A_648 = arith.extui %gt3A_647 : i1 to i32
      %cond3A_649 = arith.constant 0 : i32
      %cond3A_650 = arith.cmpi ne, %convert_element_type3A_648, %cond3A_649 : i32
      scf.if %cond3A_650 {
        %dma_wait3A_1481 = arith.constant 4 : i32
        %dma_wait3A_1482 = arith.constant 4 : i32
        %dma_wait3A_1483 = arith.constant 0 : i32
        %dma_wait3A_1484 = arith.constant 0 : i32
        %dma_wait3A_1485 = tpu.memref_slice %arg6[%dma_wait3A_1481, %dma_wait3A_1483, %dma_wait3A_1484] : memref<8x200x64xf32, #tpu.memory_space<vmem>> -> memref<1x200x64xf32, #tpu.memory_space<vmem>>
        %dma_wait3A_1486 = tpu.memref_squeeze %dma_wait3A_1485 : memref<1x200x64xf32, #tpu.memory_space<vmem>> -> memref<200x64xf32, #tpu.memory_space<vmem>>
        %dma_wait3A_1487 = arith.constant 0 : i32
        %dma_wait3A_1488 = arith.constant 0 : i32
        %dma_wait3A_1489 = tpu.memref_slice %arg4[%mul3A_2, %dma_wait3A_1487, %dma_wait3A_1488] : memref<4096x200x64xf32, #tpu.memory_space<hbm>> -> memref<1x200x64xf32, #tpu.memory_space<hbm>>
        %dma_wait3A_1490 = tpu.memref_squeeze %dma_wait3A_1489 : memref<1x200x64xf32, #tpu.memory_space<hbm>> -> memref<200x64xf32, #tpu.memory_space<hbm>>
        %dma_wait3A_1491 = tpu.memref_slice %arg9[%dma_wait3A_1482] : memref<8x!tpu.dma_semaphore, #tpu.memory_space<semaphore_mem>> -> memref<1x!tpu.dma_semaphore, #tpu.memory_space<semaphore_mem>>
        %dma_wait3A_1492 = tpu.memref_squeeze %dma_wait3A_1491 : memref<1x!tpu.dma_semaphore, #tpu.memory_space<semaphore_mem>> -> memref<!tpu.dma_semaphore, #tpu.memory_space<semaphore_mem>>
        %dma_wait3A_1493 = arith.constant 0 : i32
        %dma_wait3A_1494 = arith.constant 0 : i32
        %dma_wait3A_1495 = tpu.memref_slice %arg4[%mul3A_2, %dma_wait3A_1493, %dma_wait3A_1494] : memref<4096x200x64xf32, #tpu.memory_space<hbm>> -> memref<1x200x64xf32, #tpu.memory_space<hbm>>
        %dma_wait3A_1496 = tpu.memref_squeeze %dma_wait3A_1495 : memref<1x200x64xf32, #tpu.memory_space<hbm>> -> memref<200x64xf32, #tpu.memory_space<hbm>>
        %dma_wait3A_1497 = arith.constant 0 : i32
        %dma_wait3A_1498 = arith.constant 0 : i32
        %dma_wait3A_1499 = tpu.memref_slice %arg6[%dma_wait3A_1481, %dma_wait3A_1497, %dma_wait3A_1498] : memref<8x200x64xf32, #tpu.memory_space<vmem>> -> memref<1x200x64xf32, #tpu.memory_space<vmem>>
        %dma_wait3A_1500 = tpu.memref_squeeze %dma_wait3A_1499 : memref<1x200x64xf32, #tpu.memory_space<vmem>> -> memref<200x64xf32, #tpu.memory_space<vmem>>
        tpu.wait_dma2 semaphore(%dma_wait3A_1492 : memref<!tpu.dma_semaphore, #tpu.memory_space<semaphore_mem>>) src(%dma_wait3A_1500 : memref<200x64xf32, #tpu.memory_space<vmem>>) dst(%dma_wait3A_1496 : memref<200x64xf32, #tpu.memory_space<hbm>>)
      } else {
      }
      %dma_wait3A_651 = arith.constant 4 : i32
      %dma_wait3A_652 = arith.constant 4 : i32
      %dma_wait3A_653 = arith.constant 0 : i32
      %dma_wait3A_654 = tpu.memref_slice %arg5[%dma_wait3A_651, %dma_wait3A_653] : memref<8x200xi32, #tpu.memory_space<vmem>> -> memref<1x200xi32, #tpu.memory_space<vmem>>
      %dma_wait3A_655 = tpu.memref_squeeze %dma_wait3A_654 : memref<1x200xi32, #tpu.memory_space<vmem>> -> memref<200xi32, #tpu.memory_space<vmem>>
      %dma_wait3A_656 = arith.constant 0 : i32
      %dma_wait3A_657 = tpu.memref_slice %arg2[%mul3A_2, %dma_wait3A_656] : memref<4096x200xi32, #tpu.memory_space<hbm>> -> memref<1x200xi32, #tpu.memory_space<hbm>>
      %dma_wait3A_658 = tpu.memref_squeeze %dma_wait3A_657 : memref<1x200xi32, #tpu.memory_space<hbm>> -> memref<200xi32, #tpu.memory_space<hbm>>
      %dma_wait3A_659 = tpu.memref_slice %arg7[%dma_wait3A_652] : memref<8x!tpu.dma_semaphore, #tpu.memory_space<semaphore_mem>> -> memref<1x!tpu.dma_semaphore, #tpu.memory_space<semaphore_mem>>
      %dma_wait3A_660 = tpu.memref_squeeze %dma_wait3A_659 : memref<1x!tpu.dma_semaphore, #tpu.memory_space<semaphore_mem>> -> memref<!tpu.dma_semaphore, #tpu.memory_space<semaphore_mem>>
      %dma_wait3A_661 = arith.constant 0 : i32
      %dma_wait3A_662 = tpu.memref_slice %arg5[%dma_wait3A_651, %dma_wait3A_661] : memref<8x200xi32, #tpu.memory_space<vmem>> -> memref<1x200xi32, #tpu.memory_space<vmem>>
      %dma_wait3A_663 = tpu.memref_squeeze %dma_wait3A_662 : memref<1x200xi32, #tpu.memory_space<vmem>> -> memref<200xi32, #tpu.memory_space<vmem>>
      %dma_wait3A_664 = arith.constant 0 : i32
      %dma_wait3A_665 = tpu.memref_slice %arg2[%mul3A_2, %dma_wait3A_664] : memref<4096x200xi32, #tpu.memory_space<hbm>> -> memref<1x200xi32, #tpu.memory_space<hbm>>
      %dma_wait3A_666 = tpu.memref_squeeze %dma_wait3A_665 : memref<1x200xi32, #tpu.memory_space<hbm>> -> memref<200xi32, #tpu.memory_space<hbm>>
      tpu.wait_dma2 semaphore(%dma_wait3A_660 : memref<!tpu.dma_semaphore, #tpu.memory_space<semaphore_mem>>) src(%dma_wait3A_666 : memref<200xi32, #tpu.memory_space<hbm>>) dst(%dma_wait3A_663 : memref<200xi32, #tpu.memory_space<vmem>>)
      %dma_start3A_667 = arith.constant 4 : i32
      %dma_start3A_668 = arith.constant 4 : i32
      %dma_start3A_669 = arith.constant 4 : i32
      %dma_start3A_670 = arith.constant 0 : i32
      %dma_start3A_671 = arith.constant 0 : i32
      %dma_start3A_672 = tpu.memref_slice %arg6[%dma_start3A_668, %dma_start3A_670, %dma_start3A_671] : memref<8x200x64xf32, #tpu.memory_space<vmem>> -> memref<1x128x64xf32, #tpu.memory_space<vmem>>
      %dma_start3A_673 = tpu.memref_squeeze %dma_start3A_672 : memref<1x128x64xf32, #tpu.memory_space<vmem>> -> memref<128x64xf32, #tpu.memory_space<vmem>>
      %dma_start3A_674 = arith.constant 0 : i32
      %dma_start3A_675 = tpu.memref_slice %arg5[%dma_start3A_667, %dma_start3A_674] : memref<8x200xi32, #tpu.memory_space<vmem>> -> memref<1x128xi32, #tpu.memory_space<vmem>>
      %dma_start3A_676 = tpu.memref_squeeze %dma_start3A_675 : memref<1x128xi32, #tpu.memory_space<vmem>> -> memref<128xi32, #tpu.memory_space<vmem>>
      %dma_start3A_677 = arith.constant 0 : i32
      %dma_start3A_678 = arith.constant 0 : i32
      %dma_start3A_679 = tpu.memref_slice %arg3[%dma_start3A_677, %dma_start3A_678] : memref<1000000x64xf32, #tpu.memory_space<hbm>> -> memref<1000000x64xf32, #tpu.memory_space<hbm>>
      %dma_start3A_680 = tpu.memref_slice %arg8[%dma_start3A_669] : memref<8x!tpu.dma_semaphore, #tpu.memory_space<semaphore_mem>> -> memref<1x!tpu.dma_semaphore, #tpu.memory_space<semaphore_mem>>
      %dma_start3A_681 = tpu.memref_squeeze %dma_start3A_680 : memref<1x!tpu.dma_semaphore, #tpu.memory_space<semaphore_mem>> -> memref<!tpu.dma_semaphore, #tpu.memory_space<semaphore_mem>>
      tpu.enqueue_indirect_dma source(%dma_start3A_679 : memref<1000000x64xf32, #tpu.memory_space<hbm>>) target(%dma_start3A_673 : memref<128x64xf32, #tpu.memory_space<vmem>>) offsets(%dma_start3A_676 : memref<128xi32, #tpu.memory_space<vmem>>) semaphore(%dma_start3A_681 : memref<!tpu.dma_semaphore, #tpu.memory_space<semaphore_mem>>)
      %dma_start3A_682 = arith.constant 4 : i32
      %dma_start3A_683 = arith.constant 4 : i32
      %dma_start3A_684 = arith.constant 4 : i32
      %dma_start3A_685 = arith.constant 128 : i32
      %dma_start3A_686 = arith.constant 0 : i32
      %dma_start3A_687 = tpu.memref_slice %arg6[%dma_start3A_683, %dma_start3A_685, %dma_start3A_686] : memref<8x200x64xf32, #tpu.memory_space<vmem>> -> memref<1x72x64xf32, #tpu.memory_space<vmem>>
      %dma_start3A_688 = tpu.memref_squeeze %dma_start3A_687 : memref<1x72x64xf32, #tpu.memory_space<vmem>> -> memref<72x64xf32, #tpu.memory_space<vmem>>
      %dma_start3A_689 = arith.constant 128 : i32
      %dma_start3A_690 = tpu.memref_slice %arg5[%dma_start3A_682, %dma_start3A_689] : memref<8x200xi32, #tpu.memory_space<vmem>> -> memref<1x72xi32, #tpu.memory_space<vmem>>
      %dma_start3A_691 = tpu.memref_squeeze %dma_start3A_690 : memref<1x72xi32, #tpu.memory_space<vmem>> -> memref<72xi32, #tpu.memory_space<vmem>>
      %dma_start3A_692 = arith.constant 0 : i32
      %dma_start3A_693 = arith.constant 0 : i32
      %dma_start3A_694 = tpu.memref_slice %arg3[%dma_start3A_692, %dma_start3A_693] : memref<1000000x64xf32, #tpu.memory_space<hbm>> -> memref<1000000x64xf32, #tpu.memory_space<hbm>>
      %dma_start3A_695 = tpu.memref_slice %arg8[%dma_start3A_684] : memref<8x!tpu.dma_semaphore, #tpu.memory_space<semaphore_mem>> -> memref<1x!tpu.dma_semaphore, #tpu.memory_space<semaphore_mem>>
      %dma_start3A_696 = tpu.memref_squeeze %dma_start3A_695 : memref<1x!tpu.dma_semaphore, #tpu.memory_space<semaphore_mem>> -> memref<!tpu.dma_semaphore, #tpu.memory_space<semaphore_mem>>
      tpu.enqueue_indirect_dma source(%dma_start3A_694 : memref<1000000x64xf32, #tpu.memory_space<hbm>>) target(%dma_start3A_688 : memref<72x64xf32, #tpu.memory_space<vmem>>) offsets(%dma_start3A_691 : memref<72xi32, #tpu.memory_space<vmem>>) semaphore(%dma_start3A_696 : memref<!tpu.dma_semaphore, #tpu.memory_space<semaphore_mem>>)
      %gt3A_697 = arith.constant 0 : i32
      %gt3A_698 = arith.cmpi sgt, %scan3A_441, %gt3A_697 : i32
      %convert_element_type3A_699 = arith.extui %gt3A_698 : i1 to i32
      %cond3A_700 = arith.constant 0 : i32
      %cond3A_701 = arith.cmpi ne, %convert_element_type3A_699, %cond3A_700 : i32
      scf.if %cond3A_701 {
        %dma_wait3A_1481 = arith.constant 5 : i32
        %dma_wait3A_1482 = arith.constant 5 : i32
        %dma_wait3A_1483 = arith.constant 0 : i32
        %dma_wait3A_1484 = arith.constant 0 : i32
        %dma_wait3A_1485 = tpu.memref_slice %arg6[%dma_wait3A_1481, %dma_wait3A_1483, %dma_wait3A_1484] : memref<8x200x64xf32, #tpu.memory_space<vmem>> -> memref<1x200x64xf32, #tpu.memory_space<vmem>>
        %dma_wait3A_1486 = tpu.memref_squeeze %dma_wait3A_1485 : memref<1x200x64xf32, #tpu.memory_space<vmem>> -> memref<200x64xf32, #tpu.memory_space<vmem>>
        %dma_wait3A_1487 = arith.constant 0 : i32
        %dma_wait3A_1488 = arith.constant 0 : i32
        %dma_wait3A_1489 = tpu.memref_slice %arg4[%mul3A_2, %dma_wait3A_1487, %dma_wait3A_1488] : memref<4096x200x64xf32, #tpu.memory_space<hbm>> -> memref<1x200x64xf32, #tpu.memory_space<hbm>>
        %dma_wait3A_1490 = tpu.memref_squeeze %dma_wait3A_1489 : memref<1x200x64xf32, #tpu.memory_space<hbm>> -> memref<200x64xf32, #tpu.memory_space<hbm>>
        %dma_wait3A_1491 = tpu.memref_slice %arg9[%dma_wait3A_1482] : memref<8x!tpu.dma_semaphore, #tpu.memory_space<semaphore_mem>> -> memref<1x!tpu.dma_semaphore, #tpu.memory_space<semaphore_mem>>
        %dma_wait3A_1492 = tpu.memref_squeeze %dma_wait3A_1491 : memref<1x!tpu.dma_semaphore, #tpu.memory_space<semaphore_mem>> -> memref<!tpu.dma_semaphore, #tpu.memory_space<semaphore_mem>>
        %dma_wait3A_1493 = arith.constant 0 : i32
        %dma_wait3A_1494 = arith.constant 0 : i32
        %dma_wait3A_1495 = tpu.memref_slice %arg4[%mul3A_2, %dma_wait3A_1493, %dma_wait3A_1494] : memref<4096x200x64xf32, #tpu.memory_space<hbm>> -> memref<1x200x64xf32, #tpu.memory_space<hbm>>
        %dma_wait3A_1496 = tpu.memref_squeeze %dma_wait3A_1495 : memref<1x200x64xf32, #tpu.memory_space<hbm>> -> memref<200x64xf32, #tpu.memory_space<hbm>>
        %dma_wait3A_1497 = arith.constant 0 : i32
        %dma_wait3A_1498 = arith.constant 0 : i32
        %dma_wait3A_1499 = tpu.memref_slice %arg6[%dma_wait3A_1481, %dma_wait3A_1497, %dma_wait3A_1498] : memref<8x200x64xf32, #tpu.memory_space<vmem>> -> memref<1x200x64xf32, #tpu.memory_space<vmem>>
        %dma_wait3A_1500 = tpu.memref_squeeze %dma_wait3A_1499 : memref<1x200x64xf32, #tpu.memory_space<vmem>> -> memref<200x64xf32, #tpu.memory_space<vmem>>
        tpu.wait_dma2 semaphore(%dma_wait3A_1492 : memref<!tpu.dma_semaphore, #tpu.memory_space<semaphore_mem>>) src(%dma_wait3A_1500 : memref<200x64xf32, #tpu.memory_space<vmem>>) dst(%dma_wait3A_1496 : memref<200x64xf32, #tpu.memory_space<hbm>>)
      } else {
      }
      %dma_wait3A_702 = arith.constant 5 : i32
      %dma_wait3A_703 = arith.constant 5 : i32
      %dma_wait3A_704 = arith.constant 0 : i32
      %dma_wait3A_705 = tpu.memref_slice %arg5[%dma_wait3A_702, %dma_wait3A_704] : memref<8x200xi32, #tpu.memory_space<vmem>> -> memref<1x200xi32, #tpu.memory_space<vmem>>
      %dma_wait3A_706 = tpu.memref_squeeze %dma_wait3A_705 : memref<1x200xi32, #tpu.memory_space<vmem>> -> memref<200xi32, #tpu.memory_space<vmem>>
      %dma_wait3A_707 = arith.constant 0 : i32
      %dma_wait3A_708 = tpu.memref_slice %arg2[%mul3A_2, %dma_wait3A_707] : memref<4096x200xi32, #tpu.memory_space<hbm>> -> memref<1x200xi32, #tpu.memory_space<hbm>>
      %dma_wait3A_709 = tpu.memref_squeeze %dma_wait3A_708 : memref<1x200xi32, #tpu.memory_space<hbm>> -> memref<200xi32, #tpu.memory_space<hbm>>
      %dma_wait3A_710 = tpu.memref_slice %arg7[%dma_wait3A_703] : memref<8x!tpu.dma_semaphore, #tpu.memory_space<semaphore_mem>> -> memref<1x!tpu.dma_semaphore, #tpu.memory_space<semaphore_mem>>
      %dma_wait3A_711 = tpu.memref_squeeze %dma_wait3A_710 : memref<1x!tpu.dma_semaphore, #tpu.memory_space<semaphore_mem>> -> memref<!tpu.dma_semaphore, #tpu.memory_space<semaphore_mem>>
      %dma_wait3A_712 = arith.constant 0 : i32
      %dma_wait3A_713 = tpu.memref_slice %arg5[%dma_wait3A_702, %dma_wait3A_712] : memref<8x200xi32, #tpu.memory_space<vmem>> -> memref<1x200xi32, #tpu.memory_space<vmem>>
      %dma_wait3A_714 = tpu.memref_squeeze %dma_wait3A_713 : memref<1x200xi32, #tpu.memory_space<vmem>> -> memref<200xi32, #tpu.memory_space<vmem>>
      %dma_wait3A_715 = arith.constant 0 : i32
      %dma_wait3A_716 = tpu.memref_slice %arg2[%mul3A_2, %dma_wait3A_715] : memref<4096x200xi32, #tpu.memory_space<hbm>> -> memref<1x200xi32, #tpu.memory_space<hbm>>
      %dma_wait3A_717 = tpu.memref_squeeze %dma_wait3A_716 : memref<1x200xi32, #tpu.memory_space<hbm>> -> memref<200xi32, #tpu.memory_space<hbm>>
      tpu.wait_dma2 semaphore(%dma_wait3A_711 : memref<!tpu.dma_semaphore, #tpu.memory_space<semaphore_mem>>) src(%dma_wait3A_717 : memref<200xi32, #tpu.memory_space<hbm>>) dst(%dma_wait3A_714 : memref<200xi32, #tpu.memory_space<vmem>>)
      %dma_start3A_718 = arith.constant 5 : i32
      %dma_start3A_719 = arith.constant 5 : i32
      %dma_start3A_720 = arith.constant 5 : i32
      %dma_start3A_721 = arith.constant 0 : i32
      %dma_start3A_722 = arith.constant 0 : i32
      %dma_start3A_723 = tpu.memref_slice %arg6[%dma_start3A_719, %dma_start3A_721, %dma_start3A_722] : memref<8x200x64xf32, #tpu.memory_space<vmem>> -> memref<1x128x64xf32, #tpu.memory_space<vmem>>
      %dma_start3A_724 = tpu.memref_squeeze %dma_start3A_723 : memref<1x128x64xf32, #tpu.memory_space<vmem>> -> memref<128x64xf32, #tpu.memory_space<vmem>>
      %dma_start3A_725 = arith.constant 0 : i32
      %dma_start3A_726 = tpu.memref_slice %arg5[%dma_start3A_718, %dma_start3A_725] : memref<8x200xi32, #tpu.memory_space<vmem>> -> memref<1x128xi32, #tpu.memory_space<vmem>>
      %dma_start3A_727 = tpu.memref_squeeze %dma_start3A_726 : memref<1x128xi32, #tpu.memory_space<vmem>> -> memref<128xi32, #tpu.memory_space<vmem>>
      %dma_start3A_728 = arith.constant 0 : i32
      %dma_start3A_729 = arith.constant 0 : i32
      %dma_start3A_730 = tpu.memref_slice %arg3[%dma_start3A_728, %dma_start3A_729] : memref<1000000x64xf32, #tpu.memory_space<hbm>> -> memref<1000000x64xf32, #tpu.memory_space<hbm>>
      %dma_start3A_731 = tpu.memref_slice %arg8[%dma_start3A_720] : memref<8x!tpu.dma_semaphore, #tpu.memory_space<semaphore_mem>> -> memref<1x!tpu.dma_semaphore, #tpu.memory_space<semaphore_mem>>
      %dma_start3A_732 = tpu.memref_squeeze %dma_start3A_731 : memref<1x!tpu.dma_semaphore, #tpu.memory_space<semaphore_mem>> -> memref<!tpu.dma_semaphore, #tpu.memory_space<semaphore_mem>>
      tpu.enqueue_indirect_dma source(%dma_start3A_730 : memref<1000000x64xf32, #tpu.memory_space<hbm>>) target(%dma_start3A_724 : memref<128x64xf32, #tpu.memory_space<vmem>>) offsets(%dma_start3A_727 : memref<128xi32, #tpu.memory_space<vmem>>) semaphore(%dma_start3A_732 : memref<!tpu.dma_semaphore, #tpu.memory_space<semaphore_mem>>)
      %dma_start3A_733 = arith.constant 5 : i32
      %dma_start3A_734 = arith.constant 5 : i32
      %dma_start3A_735 = arith.constant 5 : i32
      %dma_start3A_736 = arith.constant 128 : i32
      %dma_start3A_737 = arith.constant 0 : i32
      %dma_start3A_738 = tpu.memref_slice %arg6[%dma_start3A_734, %dma_start3A_736, %dma_start3A_737] : memref<8x200x64xf32, #tpu.memory_space<vmem>> -> memref<1x72x64xf32, #tpu.memory_space<vmem>>
      %dma_start3A_739 = tpu.memref_squeeze %dma_start3A_738 : memref<1x72x64xf32, #tpu.memory_space<vmem>> -> memref<72x64xf32, #tpu.memory_space<vmem>>
      %dma_start3A_740 = arith.constant 128 : i32
      %dma_start3A_741 = tpu.memref_slice %arg5[%dma_start3A_733, %dma_start3A_740] : memref<8x200xi32, #tpu.memory_space<vmem>> -> memref<1x72xi32, #tpu.memory_space<vmem>>
      %dma_start3A_742 = tpu.memref_squeeze %dma_start3A_741 : memref<1x72xi32, #tpu.memory_space<vmem>> -> memref<72xi32, #tpu.memory_space<vmem>>
      %dma_start3A_743 = arith.constant 0 : i32
      %dma_start3A_744 = arith.constant 0 : i32
      %dma_start3A_745 = tpu.memref_slice %arg3[%dma_start3A_743, %dma_start3A_744] : memref<1000000x64xf32, #tpu.memory_space<hbm>> -> memref<1000000x64xf32, #tpu.memory_space<hbm>>
      %dma_start3A_746 = tpu.memref_slice %arg8[%dma_start3A_735] : memref<8x!tpu.dma_semaphore, #tpu.memory_space<semaphore_mem>> -> memref<1x!tpu.dma_semaphore, #tpu.memory_space<semaphore_mem>>
      %dma_start3A_747 = tpu.memref_squeeze %dma_start3A_746 : memref<1x!tpu.dma_semaphore, #tpu.memory_space<semaphore_mem>> -> memref<!tpu.dma_semaphore, #tpu.memory_space<semaphore_mem>>
      tpu.enqueue_indirect_dma source(%dma_start3A_745 : memref<1000000x64xf32, #tpu.memory_space<hbm>>) target(%dma_start3A_739 : memref<72x64xf32, #tpu.memory_space<vmem>>) offsets(%dma_start3A_742 : memref<72xi32, #tpu.memory_space<vmem>>) semaphore(%dma_start3A_747 : memref<!tpu.dma_semaphore, #tpu.memory_space<semaphore_mem>>)
      %gt3A_748 = arith.constant 0 : i32
      %gt3A_749 = arith.cmpi sgt, %scan3A_441, %gt3A_748 : i32
      %convert_element_type3A_750 = arith.extui %gt3A_749 : i1 to i32
      %cond3A_751 = arith.constant 0 : i32
      %cond3A_752 = arith.cmpi ne, %convert_element_type3A_750, %cond3A_751 : i32
      scf.if %cond3A_752 {
        %dma_wait3A_1481 = arith.constant 6 : i32
        %dma_wait3A_1482 = arith.constant 6 : i32
        %dma_wait3A_1483 = arith.constant 0 : i32
        %dma_wait3A_1484 = arith.constant 0 : i32
        %dma_wait3A_1485 = tpu.memref_slice %arg6[%dma_wait3A_1481, %dma_wait3A_1483, %dma_wait3A_1484] : memref<8x200x64xf32, #tpu.memory_space<vmem>> -> memref<1x200x64xf32, #tpu.memory_space<vmem>>
        %dma_wait3A_1486 = tpu.memref_squeeze %dma_wait3A_1485 : memref<1x200x64xf32, #tpu.memory_space<vmem>> -> memref<200x64xf32, #tpu.memory_space<vmem>>
        %dma_wait3A_1487 = arith.constant 0 : i32
        %dma_wait3A_1488 = arith.constant 0 : i32
        %dma_wait3A_1489 = tpu.memref_slice %arg4[%mul3A_2, %dma_wait3A_1487, %dma_wait3A_1488] : memref<4096x200x64xf32, #tpu.memory_space<hbm>> -> memref<1x200x64xf32, #tpu.memory_space<hbm>>
        %dma_wait3A_1490 = tpu.memref_squeeze %dma_wait3A_1489 : memref<1x200x64xf32, #tpu.memory_space<hbm>> -> memref<200x64xf32, #tpu.memory_space<hbm>>
        %dma_wait3A_1491 = tpu.memref_slice %arg9[%dma_wait3A_1482] : memref<8x!tpu.dma_semaphore, #tpu.memory_space<semaphore_mem>> -> memref<1x!tpu.dma_semaphore, #tpu.memory_space<semaphore_mem>>
        %dma_wait3A_1492 = tpu.memref_squeeze %dma_wait3A_1491 : memref<1x!tpu.dma_semaphore, #tpu.memory_space<semaphore_mem>> -> memref<!tpu.dma_semaphore, #tpu.memory_space<semaphore_mem>>
        %dma_wait3A_1493 = arith.constant 0 : i32
        %dma_wait3A_1494 = arith.constant 0 : i32
        %dma_wait3A_1495 = tpu.memref_slice %arg4[%mul3A_2, %dma_wait3A_1493, %dma_wait3A_1494] : memref<4096x200x64xf32, #tpu.memory_space<hbm>> -> memref<1x200x64xf32, #tpu.memory_space<hbm>>
        %dma_wait3A_1496 = tpu.memref_squeeze %dma_wait3A_1495 : memref<1x200x64xf32, #tpu.memory_space<hbm>> -> memref<200x64xf32, #tpu.memory_space<hbm>>
        %dma_wait3A_1497 = arith.constant 0 : i32
        %dma_wait3A_1498 = arith.constant 0 : i32
        %dma_wait3A_1499 = tpu.memref_slice %arg6[%dma_wait3A_1481, %dma_wait3A_1497, %dma_wait3A_1498] : memref<8x200x64xf32, #tpu.memory_space<vmem>> -> memref<1x200x64xf32, #tpu.memory_space<vmem>>
        %dma_wait3A_1500 = tpu.memref_squeeze %dma_wait3A_1499 : memref<1x200x64xf32, #tpu.memory_space<vmem>> -> memref<200x64xf32, #tpu.memory_space<vmem>>
        tpu.wait_dma2 semaphore(%dma_wait3A_1492 : memref<!tpu.dma_semaphore, #tpu.memory_space<semaphore_mem>>) src(%dma_wait3A_1500 : memref<200x64xf32, #tpu.memory_space<vmem>>) dst(%dma_wait3A_1496 : memref<200x64xf32, #tpu.memory_space<hbm>>)
      } else {
      }
      %dma_wait3A_753 = arith.constant 6 : i32
      %dma_wait3A_754 = arith.constant 6 : i32
      %dma_wait3A_755 = arith.constant 0 : i32
      %dma_wait3A_756 = tpu.memref_slice %arg5[%dma_wait3A_753, %dma_wait3A_755] : memref<8x200xi32, #tpu.memory_space<vmem>> -> memref<1x200xi32, #tpu.memory_space<vmem>>
      %dma_wait3A_757 = tpu.memref_squeeze %dma_wait3A_756 : memref<1x200xi32, #tpu.memory_space<vmem>> -> memref<200xi32, #tpu.memory_space<vmem>>
      %dma_wait3A_758 = arith.constant 0 : i32
      %dma_wait3A_759 = tpu.memref_slice %arg2[%mul3A_2, %dma_wait3A_758] : memref<4096x200xi32, #tpu.memory_space<hbm>> -> memref<1x200xi32, #tpu.memory_space<hbm>>
      %dma_wait3A_760 = tpu.memref_squeeze %dma_wait3A_759 : memref<1x200xi32, #tpu.memory_space<hbm>> -> memref<200xi32, #tpu.memory_space<hbm>>
      %dma_wait3A_761 = tpu.memref_slice %arg7[%dma_wait3A_754] : memref<8x!tpu.dma_semaphore, #tpu.memory_space<semaphore_mem>> -> memref<1x!tpu.dma_semaphore, #tpu.memory_space<semaphore_mem>>
      %dma_wait3A_762 = tpu.memref_squeeze %dma_wait3A_761 : memref<1x!tpu.dma_semaphore, #tpu.memory_space<semaphore_mem>> -> memref<!tpu.dma_semaphore, #tpu.memory_space<semaphore_mem>>
      %dma_wait3A_763 = arith.constant 0 : i32
      %dma_wait3A_764 = tpu.memref_slice %arg5[%dma_wait3A_753, %dma_wait3A_763] : memref<8x200xi32, #tpu.memory_space<vmem>> -> memref<1x200xi32, #tpu.memory_space<vmem>>
      %dma_wait3A_765 = tpu.memref_squeeze %dma_wait3A_764 : memref<1x200xi32, #tpu.memory_space<vmem>> -> memref<200xi32, #tpu.memory_space<vmem>>
      %dma_wait3A_766 = arith.constant 0 : i32
      %dma_wait3A_767 = tpu.memref_slice %arg2[%mul3A_2, %dma_wait3A_766] : memref<4096x200xi32, #tpu.memory_space<hbm>> -> memref<1x200xi32, #tpu.memory_space<hbm>>
      %dma_wait3A_768 = tpu.memref_squeeze %dma_wait3A_767 : memref<1x200xi32, #tpu.memory_space<hbm>> -> memref<200xi32, #tpu.memory_space<hbm>>
      tpu.wait_dma2 semaphore(%dma_wait3A_762 : memref<!tpu.dma_semaphore, #tpu.memory_space<semaphore_mem>>) src(%dma_wait3A_768 : memref<200xi32, #tpu.memory_space<hbm>>) dst(%dma_wait3A_765 : memref<200xi32, #tpu.memory_space<vmem>>)
      %dma_start3A_769 = arith.constant 6 : i32
      %dma_start3A_770 = arith.constant 6 : i32
      %dma_start3A_771 = arith.constant 6 : i32
      %dma_start3A_772 = arith.constant 0 : i32
      %dma_start3A_773 = arith.constant 0 : i32
      %dma_start3A_774 = tpu.memref_slice %arg6[%dma_start3A_770, %dma_start3A_772, %dma_start3A_773] : memref<8x200x64xf32, #tpu.memory_space<vmem>> -> memref<1x128x64xf32, #tpu.memory_space<vmem>>
      %dma_start3A_775 = tpu.memref_squeeze %dma_start3A_774 : memref<1x128x64xf32, #tpu.memory_space<vmem>> -> memref<128x64xf32, #tpu.memory_space<vmem>>
      %dma_start3A_776 = arith.constant 0 : i32
      %dma_start3A_777 = tpu.memref_slice %arg5[%dma_start3A_769, %dma_start3A_776] : memref<8x200xi32, #tpu.memory_space<vmem>> -> memref<1x128xi32, #tpu.memory_space<vmem>>
      %dma_start3A_778 = tpu.memref_squeeze %dma_start3A_777 : memref<1x128xi32, #tpu.memory_space<vmem>> -> memref<128xi32, #tpu.memory_space<vmem>>
      %dma_start3A_779 = arith.constant 0 : i32
      %dma_start3A_780 = arith.constant 0 : i32
      %dma_start3A_781 = tpu.memref_slice %arg3[%dma_start3A_779, %dma_start3A_780] : memref<1000000x64xf32, #tpu.memory_space<hbm>> -> memref<1000000x64xf32, #tpu.memory_space<hbm>>
      %dma_start3A_782 = tpu.memref_slice %arg8[%dma_start3A_771] : memref<8x!tpu.dma_semaphore, #tpu.memory_space<semaphore_mem>> -> memref<1x!tpu.dma_semaphore, #tpu.memory_space<semaphore_mem>>
      %dma_start3A_783 = tpu.memref_squeeze %dma_start3A_782 : memref<1x!tpu.dma_semaphore, #tpu.memory_space<semaphore_mem>> -> memref<!tpu.dma_semaphore, #tpu.memory_space<semaphore_mem>>
      tpu.enqueue_indirect_dma source(%dma_start3A_781 : memref<1000000x64xf32, #tpu.memory_space<hbm>>) target(%dma_start3A_775 : memref<128x64xf32, #tpu.memory_space<vmem>>) offsets(%dma_start3A_778 : memref<128xi32, #tpu.memory_space<vmem>>) semaphore(%dma_start3A_783 : memref<!tpu.dma_semaphore, #tpu.memory_space<semaphore_mem>>)
      %dma_start3A_784 = arith.constant 6 : i32
      %dma_start3A_785 = arith.constant 6 : i32
      %dma_start3A_786 = arith.constant 6 : i32
      %dma_start3A_787 = arith.constant 128 : i32
      %dma_start3A_788 = arith.constant 0 : i32
      %dma_start3A_789 = tpu.memref_slice %arg6[%dma_start3A_785, %dma_start3A_787, %dma_start3A_788] : memref<8x200x64xf32, #tpu.memory_space<vmem>> -> memref<1x72x64xf32, #tpu.memory_space<vmem>>
      %dma_start3A_790 = tpu.memref_squeeze %dma_start3A_789 : memref<1x72x64xf32, #tpu.memory_space<vmem>> -> memref<72x64xf32, #tpu.memory_space<vmem>>
      %dma_start3A_791 = arith.constant 128 : i32
      %dma_start3A_792 = tpu.memref_slice %arg5[%dma_start3A_784, %dma_start3A_791] : memref<8x200xi32, #tpu.memory_space<vmem>> -> memref<1x72xi32, #tpu.memory_space<vmem>>
      %dma_start3A_793 = tpu.memref_squeeze %dma_start3A_792 : memref<1x72xi32, #tpu.memory_space<vmem>> -> memref<72xi32, #tpu.memory_space<vmem>>
      %dma_start3A_794 = arith.constant 0 : i32
      %dma_start3A_795 = arith.constant 0 : i32
      %dma_start3A_796 = tpu.memref_slice %arg3[%dma_start3A_794, %dma_start3A_795] : memref<1000000x64xf32, #tpu.memory_space<hbm>> -> memref<1000000x64xf32, #tpu.memory_space<hbm>>
      %dma_start3A_797 = tpu.memref_slice %arg8[%dma_start3A_786] : memref<8x!tpu.dma_semaphore, #tpu.memory_space<semaphore_mem>> -> memref<1x!tpu.dma_semaphore, #tpu.memory_space<semaphore_mem>>
      %dma_start3A_798 = tpu.memref_squeeze %dma_start3A_797 : memref<1x!tpu.dma_semaphore, #tpu.memory_space<semaphore_mem>> -> memref<!tpu.dma_semaphore, #tpu.memory_space<semaphore_mem>>
      tpu.enqueue_indirect_dma source(%dma_start3A_796 : memref<1000000x64xf32, #tpu.memory_space<hbm>>) target(%dma_start3A_790 : memref<72x64xf32, #tpu.memory_space<vmem>>) offsets(%dma_start3A_793 : memref<72xi32, #tpu.memory_space<vmem>>) semaphore(%dma_start3A_798 : memref<!tpu.dma_semaphore, #tpu.memory_space<semaphore_mem>>)
      %gt3A_799 = arith.constant 0 : i32
      %gt3A_800 = arith.cmpi sgt, %scan3A_441, %gt3A_799 : i32
      %convert_element_type3A_801 = arith.extui %gt3A_800 : i1 to i32
      %cond3A_802 = arith.constant 0 : i32
      %cond3A_803 = arith.cmpi ne, %convert_element_type3A_801, %cond3A_802 : i32
      scf.if %cond3A_803 {
        %dma_wait3A_1481 = arith.constant 7 : i32
        %dma_wait3A_1482 = arith.constant 7 : i32
        %dma_wait3A_1483 = arith.constant 0 : i32
        %dma_wait3A_1484 = arith.constant 0 : i32
        %dma_wait3A_1485 = tpu.memref_slice %arg6[%dma_wait3A_1481, %dma_wait3A_1483, %dma_wait3A_1484] : memref<8x200x64xf32, #tpu.memory_space<vmem>> -> memref<1x200x64xf32, #tpu.memory_space<vmem>>
        %dma_wait3A_1486 = tpu.memref_squeeze %dma_wait3A_1485 : memref<1x200x64xf32, #tpu.memory_space<vmem>> -> memref<200x64xf32, #tpu.memory_space<vmem>>
        %dma_wait3A_1487 = arith.constant 0 : i32
        %dma_wait3A_1488 = arith.constant 0 : i32
        %dma_wait3A_1489 = tpu.memref_slice %arg4[%mul3A_2, %dma_wait3A_1487, %dma_wait3A_1488] : memref<4096x200x64xf32, #tpu.memory_space<hbm>> -> memref<1x200x64xf32, #tpu.memory_space<hbm>>
        %dma_wait3A_1490 = tpu.memref_squeeze %dma_wait3A_1489 : memref<1x200x64xf32, #tpu.memory_space<hbm>> -> memref<200x64xf32, #tpu.memory_space<hbm>>
        %dma_wait3A_1491 = tpu.memref_slice %arg9[%dma_wait3A_1482] : memref<8x!tpu.dma_semaphore, #tpu.memory_space<semaphore_mem>> -> memref<1x!tpu.dma_semaphore, #tpu.memory_space<semaphore_mem>>
        %dma_wait3A_1492 = tpu.memref_squeeze %dma_wait3A_1491 : memref<1x!tpu.dma_semaphore, #tpu.memory_space<semaphore_mem>> -> memref<!tpu.dma_semaphore, #tpu.memory_space<semaphore_mem>>
        %dma_wait3A_1493 = arith.constant 0 : i32
        %dma_wait3A_1494 = arith.constant 0 : i32
        %dma_wait3A_1495 = tpu.memref_slice %arg4[%mul3A_2, %dma_wait3A_1493, %dma_wait3A_1494] : memref<4096x200x64xf32, #tpu.memory_space<hbm>> -> memref<1x200x64xf32, #tpu.memory_space<hbm>>
        %dma_wait3A_1496 = tpu.memref_squeeze %dma_wait3A_1495 : memref<1x200x64xf32, #tpu.memory_space<hbm>> -> memref<200x64xf32, #tpu.memory_space<hbm>>
        %dma_wait3A_1497 = arith.constant 0 : i32
        %dma_wait3A_1498 = arith.constant 0 : i32
        %dma_wait3A_1499 = tpu.memref_slice %arg6[%dma_wait3A_1481, %dma_wait3A_1497, %dma_wait3A_1498] : memref<8x200x64xf32, #tpu.memory_space<vmem>> -> memref<1x200x64xf32, #tpu.memory_space<vmem>>
        %dma_wait3A_1500 = tpu.memref_squeeze %dma_wait3A_1499 : memref<1x200x64xf32, #tpu.memory_space<vmem>> -> memref<200x64xf32, #tpu.memory_space<vmem>>
        tpu.wait_dma2 semaphore(%dma_wait3A_1492 : memref<!tpu.dma_semaphore, #tpu.memory_space<semaphore_mem>>) src(%dma_wait3A_1500 : memref<200x64xf32, #tpu.memory_space<vmem>>) dst(%dma_wait3A_1496 : memref<200x64xf32, #tpu.memory_space<hbm>>)
      } else {
      }
      %dma_wait3A_804 = arith.constant 7 : i32
      %dma_wait3A_805 = arith.constant 7 : i32
      %dma_wait3A_806 = arith.constant 0 : i32
      %dma_wait3A_807 = tpu.memref_slice %arg5[%dma_wait3A_804, %dma_wait3A_806] : memref<8x200xi32, #tpu.memory_space<vmem>> -> memref<1x200xi32, #tpu.memory_space<vmem>>
      %dma_wait3A_808 = tpu.memref_squeeze %dma_wait3A_807 : memref<1x200xi32, #tpu.memory_space<vmem>> -> memref<200xi32, #tpu.memory_space<vmem>>
      %dma_wait3A_809 = arith.constant 0 : i32
      %dma_wait3A_810 = tpu.memref_slice %arg2[%mul3A_2, %dma_wait3A_809] : memref<4096x200xi32, #tpu.memory_space<hbm>> -> memref<1x200xi32, #tpu.memory_space<hbm>>
      %dma_wait3A_811 = tpu.memref_squeeze %dma_wait3A_810 : memref<1x200xi32, #tpu.memory_space<hbm>> -> memref<200xi32, #tpu.memory_space<hbm>>
      %dma_wait3A_812 = tpu.memref_slice %arg7[%dma_wait3A_805] : memref<8x!tpu.dma_semaphore, #tpu.memory_space<semaphore_mem>> -> memref<1x!tpu.dma_semaphore, #tpu.memory_space<semaphore_mem>>
      %dma_wait3A_813 = tpu.memref_squeeze %dma_wait3A_812 : memref<1x!tpu.dma_semaphore, #tpu.memory_space<semaphore_mem>> -> memref<!tpu.dma_semaphore, #tpu.memory_space<semaphore_mem>>
      %dma_wait3A_814 = arith.constant 0 : i32
      %dma_wait3A_815 = tpu.memref_slice %arg5[%dma_wait3A_804, %dma_wait3A_814] : memref<8x200xi32, #tpu.memory_space<vmem>> -> memref<1x200xi32, #tpu.memory_space<vmem>>
      %dma_wait3A_816 = tpu.memref_squeeze %dma_wait3A_815 : memref<1x200xi32, #tpu.memory_space<vmem>> -> memref<200xi32, #tpu.memory_space<vmem>>
      %dma_wait3A_817 = arith.constant 0 : i32
      %dma_wait3A_818 = tpu.memref_slice %arg2[%mul3A_2, %dma_wait3A_817] : memref<4096x200xi32, #tpu.memory_space<hbm>> -> memref<1x200xi32, #tpu.memory_space<hbm>>
      %dma_wait3A_819 = tpu.memref_squeeze %dma_wait3A_818 : memref<1x200xi32, #tpu.memory_space<hbm>> -> memref<200xi32, #tpu.memory_space<hbm>>
      tpu.wait_dma2 semaphore(%dma_wait3A_813 : memref<!tpu.dma_semaphore, #tpu.memory_space<semaphore_mem>>) src(%dma_wait3A_819 : memref<200xi32, #tpu.memory_space<hbm>>) dst(%dma_wait3A_816 : memref<200xi32, #tpu.memory_space<vmem>>)
      %dma_start3A_820 = arith.constant 7 : i32
      %dma_start3A_821 = arith.constant 7 : i32
      %dma_start3A_822 = arith.constant 7 : i32
      %dma_start3A_823 = arith.constant 0 : i32
      %dma_start3A_824 = arith.constant 0 : i32
      %dma_start3A_825 = tpu.memref_slice %arg6[%dma_start3A_821, %dma_start3A_823, %dma_start3A_824] : memref<8x200x64xf32, #tpu.memory_space<vmem>> -> memref<1x128x64xf32, #tpu.memory_space<vmem>>
      %dma_start3A_826 = tpu.memref_squeeze %dma_start3A_825 : memref<1x128x64xf32, #tpu.memory_space<vmem>> -> memref<128x64xf32, #tpu.memory_space<vmem>>
      %dma_start3A_827 = arith.constant 0 : i32
      %dma_start3A_828 = tpu.memref_slice %arg5[%dma_start3A_820, %dma_start3A_827] : memref<8x200xi32, #tpu.memory_space<vmem>> -> memref<1x128xi32, #tpu.memory_space<vmem>>
      %dma_start3A_829 = tpu.memref_squeeze %dma_start3A_828 : memref<1x128xi32, #tpu.memory_space<vmem>> -> memref<128xi32, #tpu.memory_space<vmem>>
      %dma_start3A_830 = arith.constant 0 : i32
      %dma_start3A_831 = arith.constant 0 : i32
      %dma_start3A_832 = tpu.memref_slice %arg3[%dma_start3A_830, %dma_start3A_831] : memref<1000000x64xf32, #tpu.memory_space<hbm>> -> memref<1000000x64xf32, #tpu.memory_space<hbm>>
      %dma_start3A_833 = tpu.memref_slice %arg8[%dma_start3A_822] : memref<8x!tpu.dma_semaphore, #tpu.memory_space<semaphore_mem>> -> memref<1x!tpu.dma_semaphore, #tpu.memory_space<semaphore_mem>>
      %dma_start3A_834 = tpu.memref_squeeze %dma_start3A_833 : memref<1x!tpu.dma_semaphore, #tpu.memory_space<semaphore_mem>> -> memref<!tpu.dma_semaphore, #tpu.memory_space<semaphore_mem>>
      tpu.enqueue_indirect_dma source(%dma_start3A_832 : memref<1000000x64xf32, #tpu.memory_space<hbm>>) target(%dma_start3A_826 : memref<128x64xf32, #tpu.memory_space<vmem>>) offsets(%dma_start3A_829 : memref<128xi32, #tpu.memory_space<vmem>>) semaphore(%dma_start3A_834 : memref<!tpu.dma_semaphore, #tpu.memory_space<semaphore_mem>>)
      %dma_start3A_835 = arith.constant 7 : i32
      %dma_start3A_836 = arith.constant 7 : i32
      %dma_start3A_837 = arith.constant 7 : i32
      %dma_start3A_838 = arith.constant 128 : i32
      %dma_start3A_839 = arith.constant 0 : i32
      %dma_start3A_840 = tpu.memref_slice %arg6[%dma_start3A_836, %dma_start3A_838, %dma_start3A_839] : memref<8x200x64xf32, #tpu.memory_space<vmem>> -> memref<1x72x64xf32, #tpu.memory_space<vmem>>
      %dma_start3A_841 = tpu.memref_squeeze %dma_start3A_840 : memref<1x72x64xf32, #tpu.memory_space<vmem>> -> memref<72x64xf32, #tpu.memory_space<vmem>>
      %dma_start3A_842 = arith.constant 128 : i32
      %dma_start3A_843 = tpu.memref_slice %arg5[%dma_start3A_835, %dma_start3A_842] : memref<8x200xi32, #tpu.memory_space<vmem>> -> memref<1x72xi32, #tpu.memory_space<vmem>>
      %dma_start3A_844 = tpu.memref_squeeze %dma_start3A_843 : memref<1x72xi32, #tpu.memory_space<vmem>> -> memref<72xi32, #tpu.memory_space<vmem>>
      %dma_start3A_845 = arith.constant 0 : i32
      %dma_start3A_846 = arith.constant 0 : i32
      %dma_start3A_847 = tpu.memref_slice %arg3[%dma_start3A_845, %dma_start3A_846] : memref<1000000x64xf32, #tpu.memory_space<hbm>> -> memref<1000000x64xf32, #tpu.memory_space<hbm>>
      %dma_start3A_848 = tpu.memref_slice %arg8[%dma_start3A_837] : memref<8x!tpu.dma_semaphore, #tpu.memory_space<semaphore_mem>> -> memref<1x!tpu.dma_semaphore, #tpu.memory_space<semaphore_mem>>
      %dma_start3A_849 = tpu.memref_squeeze %dma_start3A_848 : memref<1x!tpu.dma_semaphore, #tpu.memory_space<semaphore_mem>> -> memref<!tpu.dma_semaphore, #tpu.memory_space<semaphore_mem>>
      tpu.enqueue_indirect_dma source(%dma_start3A_847 : memref<1000000x64xf32, #tpu.memory_space<hbm>>) target(%dma_start3A_841 : memref<72x64xf32, #tpu.memory_space<vmem>>) offsets(%dma_start3A_844 : memref<72xi32, #tpu.memory_space<vmem>>) semaphore(%dma_start3A_849 : memref<!tpu.dma_semaphore, #tpu.memory_space<semaphore_mem>>)
      %dma_wait3A_850 = arith.constant 0 : i32
      %dma_wait3A_851 = arith.constant 0 : i32
      %dma_wait3A_852 = arith.constant 0 : i32
      %dma_wait3A_853 = arith.constant 0 : i32
      %dma_wait3A_854 = tpu.memref_slice %arg6[%dma_wait3A_850, %dma_wait3A_852, %dma_wait3A_853] : memref<8x200x64xf32, #tpu.memory_space<vmem>> -> memref<1x128x64xf32, #tpu.memory_space<vmem>>
      %dma_wait3A_855 = tpu.memref_squeeze %dma_wait3A_854 : memref<1x128x64xf32, #tpu.memory_space<vmem>> -> memref<128x64xf32, #tpu.memory_space<vmem>>
      %dma_wait3A_856 = arith.constant 0 : i32
      %dma_wait3A_857 = arith.constant 0 : i32
      %dma_wait3A_858 = tpu.memref_slice %arg3[%dma_wait3A_856, %dma_wait3A_857] : memref<1000000x64xf32, #tpu.memory_space<hbm>> -> memref<128x64xf32, #tpu.memory_space<hbm>>
      %dma_wait3A_859 = tpu.memref_slice %arg8[%dma_wait3A_851] : memref<8x!tpu.dma_semaphore, #tpu.memory_space<semaphore_mem>> -> memref<1x!tpu.dma_semaphore, #tpu.memory_space<semaphore_mem>>
      %dma_wait3A_860 = tpu.memref_squeeze %dma_wait3A_859 : memref<1x!tpu.dma_semaphore, #tpu.memory_space<semaphore_mem>> -> memref<!tpu.dma_semaphore, #tpu.memory_space<semaphore_mem>>
      %dma_wait3A_861 = arith.constant 0 : i32
      %dma_wait3A_862 = arith.constant 0 : i32
      %dma_wait3A_863 = tpu.memref_slice %arg6[%dma_wait3A_850, %dma_wait3A_861, %dma_wait3A_862] : memref<8x200x64xf32, #tpu.memory_space<vmem>> -> memref<1x128x64xf32, #tpu.memory_space<vmem>>
      %dma_wait3A_864 = tpu.memref_squeeze %dma_wait3A_863 : memref<1x128x64xf32, #tpu.memory_space<vmem>> -> memref<128x64xf32, #tpu.memory_space<vmem>>
      %dma_wait3A_865 = arith.constant 0 : i32
      %dma_wait3A_866 = arith.constant 0 : i32
      %dma_wait3A_867 = tpu.memref_slice %arg3[%dma_wait3A_865, %dma_wait3A_866] : memref<1000000x64xf32, #tpu.memory_space<hbm>> -> memref<128x64xf32, #tpu.memory_space<hbm>>
      tpu.wait_dma2 semaphore(%dma_wait3A_860 : memref<!tpu.dma_semaphore, #tpu.memory_space<semaphore_mem>>) src(%dma_wait3A_867 : memref<128x64xf32, #tpu.memory_space<hbm>>) dst(%dma_wait3A_864 : memref<128x64xf32, #tpu.memory_space<vmem>>)
      %dma_wait3A_868 = arith.constant 0 : i32
      %dma_wait3A_869 = arith.constant 0 : i32
      %dma_wait3A_870 = arith.constant 128 : i32
      %dma_wait3A_871 = arith.constant 0 : i32
      %dma_wait3A_872 = tpu.memref_slice %arg6[%dma_wait3A_868, %dma_wait3A_870, %dma_wait3A_871] : memref<8x200x64xf32, #tpu.memory_space<vmem>> -> memref<1x72x64xf32, #tpu.memory_space<vmem>>
      %dma_wait3A_873 = tpu.memref_squeeze %dma_wait3A_872 : memref<1x72x64xf32, #tpu.memory_space<vmem>> -> memref<72x64xf32, #tpu.memory_space<vmem>>
      %dma_wait3A_874 = arith.constant 0 : i32
      %dma_wait3A_875 = arith.constant 0 : i32
      %dma_wait3A_876 = tpu.memref_slice %arg3[%dma_wait3A_874, %dma_wait3A_875] : memref<1000000x64xf32, #tpu.memory_space<hbm>> -> memref<72x64xf32, #tpu.memory_space<hbm>>
      %dma_wait3A_877 = tpu.memref_slice %arg8[%dma_wait3A_869] : memref<8x!tpu.dma_semaphore, #tpu.memory_space<semaphore_mem>> -> memref<1x!tpu.dma_semaphore, #tpu.memory_space<semaphore_mem>>
      %dma_wait3A_878 = tpu.memref_squeeze %dma_wait3A_877 : memref<1x!tpu.dma_semaphore, #tpu.memory_space<semaphore_mem>> -> memref<!tpu.dma_semaphore, #tpu.memory_space<semaphore_mem>>
      %dma_wait3A_879 = arith.constant 128 : i32
      %dma_wait3A_880 = arith.constant 0 : i32
      %dma_wait3A_881 = tpu.memref_slice %arg6[%dma_wait3A_868, %dma_wait3A_879, %dma_wait3A_880] : memref<8x200x64xf32, #tpu.memory_space<vmem>> -> memref<1x72x64xf32, #tpu.memory_space<vmem>>
      %dma_wait3A_882 = tpu.memref_squeeze %dma_wait3A_881 : memref<1x72x64xf32, #tpu.memory_space<vmem>> -> memref<72x64xf32, #tpu.memory_space<vmem>>
      %dma_wait3A_883 = arith.constant 0 : i32
      %dma_wait3A_884 = arith.constant 0 : i32
      %dma_wait3A_885 = tpu.memref_slice %arg3[%dma_wait3A_883, %dma_wait3A_884] : memref<1000000x64xf32, #tpu.memory_space<hbm>> -> memref<72x64xf32, #tpu.memory_space<hbm>>
      tpu.wait_dma2 semaphore(%dma_wait3A_878 : memref<!tpu.dma_semaphore, #tpu.memory_space<semaphore_mem>>) src(%dma_wait3A_885 : memref<72x64xf32, #tpu.memory_space<hbm>>) dst(%dma_wait3A_882 : memref<72x64xf32, #tpu.memory_space<vmem>>)
      %add3A_886 = arith.constant 0 : i32
      %add3A_887 = arith.addi %add3A_444, %add3A_886 : i32
      %dma_start3A_888 = arith.constant 0 : i32
      %dma_start3A_889 = arith.constant 0 : i32
      %dma_start3A_890 = arith.constant 0 : i32
      %dma_start3A_891 = arith.constant 0 : i32
      %dma_start3A_892 = tpu.memref_slice %arg6[%dma_start3A_888, %dma_start3A_890, %dma_start3A_891] : memref<8x200x64xf32, #tpu.memory_space<vmem>> -> memref<1x200x64xf32, #tpu.memory_space<vmem>>
      %dma_start3A_893 = tpu.memref_squeeze %dma_start3A_892 : memref<1x200x64xf32, #tpu.memory_space<vmem>> -> memref<200x64xf32, #tpu.memory_space<vmem>>
      %dma_start3A_894 = arith.constant 0 : i32
      %dma_start3A_895 = arith.constant 0 : i32
      %dma_start3A_896 = tpu.memref_slice %arg4[%add3A_887, %dma_start3A_894, %dma_start3A_895] : memref<4096x200x64xf32, #tpu.memory_space<hbm>> -> memref<1x200x64xf32, #tpu.memory_space<hbm>>
      %dma_start3A_897 = tpu.memref_squeeze %dma_start3A_896 : memref<1x200x64xf32, #tpu.memory_space<hbm>> -> memref<200x64xf32, #tpu.memory_space<hbm>>
      %dma_start3A_898 = tpu.memref_slice %arg9[%dma_start3A_889] : memref<8x!tpu.dma_semaphore, #tpu.memory_space<semaphore_mem>> -> memref<1x!tpu.dma_semaphore, #tpu.memory_space<semaphore_mem>>
      %dma_start3A_899 = tpu.memref_squeeze %dma_start3A_898 : memref<1x!tpu.dma_semaphore, #tpu.memory_space<semaphore_mem>> -> memref<!tpu.dma_semaphore, #tpu.memory_space<semaphore_mem>>
      %dma_start3A_900 = arith.constant 0 : i32
      %dma_start3A_901 = arith.constant 0 : i32
      %dma_start3A_902 = tpu.memref_slice %arg4[%add3A_887, %dma_start3A_900, %dma_start3A_901] : memref<4096x200x64xf32, #tpu.memory_space<hbm>> -> memref<1x200x64xf32, #tpu.memory_space<hbm>>
      %dma_start3A_903 = tpu.memref_squeeze %dma_start3A_902 : memref<1x200x64xf32, #tpu.memory_space<hbm>> -> memref<200x64xf32, #tpu.memory_space<hbm>>
      %dma_start3A_904 = arith.constant 0 : i32
      %dma_start3A_905 = arith.constant 0 : i32
      %dma_start3A_906 = tpu.memref_slice %arg6[%dma_start3A_888, %dma_start3A_904, %dma_start3A_905] : memref<8x200x64xf32, #tpu.memory_space<vmem>> -> memref<1x200x64xf32, #tpu.memory_space<vmem>>
      %dma_start3A_907 = tpu.memref_squeeze %dma_start3A_906 : memref<1x200x64xf32, #tpu.memory_space<vmem>> -> memref<200x64xf32, #tpu.memory_space<vmem>>
      tpu.enqueue_dma source(%dma_start3A_907 : memref<200x64xf32, #tpu.memory_space<vmem>>) target(%dma_start3A_903 : memref<200x64xf32, #tpu.memory_space<hbm>>) target_semaphore(%dma_start3A_899 : memref<!tpu.dma_semaphore, #tpu.memory_space<semaphore_mem>>)
      %add3A_908 = arith.constant 8 : i32
      %add3A_909 = arith.addi %add3A_444, %add3A_908 : i32
      %min3A = arith.minsi %add3A_909, %sub3A_5 : i32
      %add3A_910 = arith.constant 0 : i32
      %add3A_911 = arith.addi %min3A, %add3A_910 : i32
      %dma_start3A_912 = arith.constant 0 : i32
      %dma_start3A_913 = arith.constant 0 : i32
      %dma_start3A_914 = arith.constant 0 : i32
      %dma_start3A_915 = tpu.memref_slice %arg5[%dma_start3A_912, %dma_start3A_914] : memref<8x200xi32, #tpu.memory_space<vmem>> -> memref<1x200xi32, #tpu.memory_space<vmem>>
      %dma_start3A_916 = tpu.memref_squeeze %dma_start3A_915 : memref<1x200xi32, #tpu.memory_space<vmem>> -> memref<200xi32, #tpu.memory_space<vmem>>
      %dma_start3A_917 = arith.constant 0 : i32
      %dma_start3A_918 = tpu.memref_slice %arg2[%add3A_911, %dma_start3A_917] : memref<4096x200xi32, #tpu.memory_space<hbm>> -> memref<1x200xi32, #tpu.memory_space<hbm>>
      %dma_start3A_919 = tpu.memref_squeeze %dma_start3A_918 : memref<1x200xi32, #tpu.memory_space<hbm>> -> memref<200xi32, #tpu.memory_space<hbm>>
      %dma_start3A_920 = tpu.memref_slice %arg7[%dma_start3A_913] : memref<8x!tpu.dma_semaphore, #tpu.memory_space<semaphore_mem>> -> memref<1x!tpu.dma_semaphore, #tpu.memory_space<semaphore_mem>>
      %dma_start3A_921 = tpu.memref_squeeze %dma_start3A_920 : memref<1x!tpu.dma_semaphore, #tpu.memory_space<semaphore_mem>> -> memref<!tpu.dma_semaphore, #tpu.memory_space<semaphore_mem>>
      %dma_start3A_922 = arith.constant 0 : i32
      %dma_start3A_923 = tpu.memref_slice %arg5[%dma_start3A_912, %dma_start3A_922] : memref<8x200xi32, #tpu.memory_space<vmem>> -> memref<1x200xi32, #tpu.memory_space<vmem>>
      %dma_start3A_924 = tpu.memref_squeeze %dma_start3A_923 : memref<1x200xi32, #tpu.memory_space<vmem>> -> memref<200xi32, #tpu.memory_space<vmem>>
      %dma_start3A_925 = arith.constant 0 : i32
      %dma_start3A_926 = tpu.memref_slice %arg2[%add3A_911, %dma_start3A_925] : memref<4096x200xi32, #tpu.memory_space<hbm>> -> memref<1x200xi32, #tpu.memory_space<hbm>>
      %dma_start3A_927 = tpu.memref_squeeze %dma_start3A_926 : memref<1x200xi32, #tpu.memory_space<hbm>> -> memref<200xi32, #tpu.memory_space<hbm>>
      tpu.enqueue_dma source(%dma_start3A_927 : memref<200xi32, #tpu.memory_space<hbm>>) target(%dma_start3A_924 : memref<200xi32, #tpu.memory_space<vmem>>) target_semaphore(%dma_start3A_921 : memref<!tpu.dma_semaphore, #tpu.memory_space<semaphore_mem>>)
      %dma_wait3A_928 = arith.constant 1 : i32
      %dma_wait3A_929 = arith.constant 1 : i32
      %dma_wait3A_930 = arith.constant 0 : i32
      %dma_wait3A_931 = arith.constant 0 : i32
      %dma_wait3A_932 = tpu.memref_slice %arg6[%dma_wait3A_928, %dma_wait3A_930, %dma_wait3A_931] : memref<8x200x64xf32, #tpu.memory_space<vmem>> -> memref<1x128x64xf32, #tpu.memory_space<vmem>>
      %dma_wait3A_933 = tpu.memref_squeeze %dma_wait3A_932 : memref<1x128x64xf32, #tpu.memory_space<vmem>> -> memref<128x64xf32, #tpu.memory_space<vmem>>
      %dma_wait3A_934 = arith.constant 0 : i32
      %dma_wait3A_935 = arith.constant 0 : i32
      %dma_wait3A_936 = tpu.memref_slice %arg3[%dma_wait3A_934, %dma_wait3A_935] : memref<1000000x64xf32, #tpu.memory_space<hbm>> -> memref<128x64xf32, #tpu.memory_space<hbm>>
      %dma_wait3A_937 = tpu.memref_slice %arg8[%dma_wait3A_929] : memref<8x!tpu.dma_semaphore, #tpu.memory_space<semaphore_mem>> -> memref<1x!tpu.dma_semaphore, #tpu.memory_space<semaphore_mem>>
      %dma_wait3A_938 = tpu.memref_squeeze %dma_wait3A_937 : memref<1x!tpu.dma_semaphore, #tpu.memory_space<semaphore_mem>> -> memref<!tpu.dma_semaphore, #tpu.memory_space<semaphore_mem>>
      %dma_wait3A_939 = arith.constant 0 : i32
      %dma_wait3A_940 = arith.constant 0 : i32
      %dma_wait3A_941 = tpu.memref_slice %arg6[%dma_wait3A_928, %dma_wait3A_939, %dma_wait3A_940] : memref<8x200x64xf32, #tpu.memory_space<vmem>> -> memref<1x128x64xf32, #tpu.memory_space<vmem>>
      %dma_wait3A_942 = tpu.memref_squeeze %dma_wait3A_941 : memref<1x128x64xf32, #tpu.memory_space<vmem>> -> memref<128x64xf32, #tpu.memory_space<vmem>>
      %dma_wait3A_943 = arith.constant 0 : i32
      %dma_wait3A_944 = arith.constant 0 : i32
      %dma_wait3A_945 = tpu.memref_slice %arg3[%dma_wait3A_943, %dma_wait3A_944] : memref<1000000x64xf32, #tpu.memory_space<hbm>> -> memref<128x64xf32, #tpu.memory_space<hbm>>
      tpu.wait_dma2 semaphore(%dma_wait3A_938 : memref<!tpu.dma_semaphore, #tpu.memory_space<semaphore_mem>>) src(%dma_wait3A_945 : memref<128x64xf32, #tpu.memory_space<hbm>>) dst(%dma_wait3A_942 : memref<128x64xf32, #tpu.memory_space<vmem>>)
      %dma_wait3A_946 = arith.constant 1 : i32
      %dma_wait3A_947 = arith.constant 1 : i32
      %dma_wait3A_948 = arith.constant 128 : i32
      %dma_wait3A_949 = arith.constant 0 : i32
      %dma_wait3A_950 = tpu.memref_slice %arg6[%dma_wait3A_946, %dma_wait3A_948, %dma_wait3A_949] : memref<8x200x64xf32, #tpu.memory_space<vmem>> -> memref<1x72x64xf32, #tpu.memory_space<vmem>>
      %dma_wait3A_951 = tpu.memref_squeeze %dma_wait3A_950 : memref<1x72x64xf32, #tpu.memory_space<vmem>> -> memref<72x64xf32, #tpu.memory_space<vmem>>
      %dma_wait3A_952 = arith.constant 0 : i32
      %dma_wait3A_953 = arith.constant 0 : i32
      %dma_wait3A_954 = tpu.memref_slice %arg3[%dma_wait3A_952, %dma_wait3A_953] : memref<1000000x64xf32, #tpu.memory_space<hbm>> -> memref<72x64xf32, #tpu.memory_space<hbm>>
      %dma_wait3A_955 = tpu.memref_slice %arg8[%dma_wait3A_947] : memref<8x!tpu.dma_semaphore, #tpu.memory_space<semaphore_mem>> -> memref<1x!tpu.dma_semaphore, #tpu.memory_space<semaphore_mem>>
      %dma_wait3A_956 = tpu.memref_squeeze %dma_wait3A_955 : memref<1x!tpu.dma_semaphore, #tpu.memory_space<semaphore_mem>> -> memref<!tpu.dma_semaphore, #tpu.memory_space<semaphore_mem>>
      %dma_wait3A_957 = arith.constant 128 : i32
      %dma_wait3A_958 = arith.constant 0 : i32
      %dma_wait3A_959 = tpu.memref_slice %arg6[%dma_wait3A_946, %dma_wait3A_957, %dma_wait3A_958] : memref<8x200x64xf32, #tpu.memory_space<vmem>> -> memref<1x72x64xf32, #tpu.memory_space<vmem>>
      %dma_wait3A_960 = tpu.memref_squeeze %dma_wait3A_959 : memref<1x72x64xf32, #tpu.memory_space<vmem>> -> memref<72x64xf32, #tpu.memory_space<vmem>>
      %dma_wait3A_961 = arith.constant 0 : i32
      %dma_wait3A_962 = arith.constant 0 : i32
      %dma_wait3A_963 = tpu.memref_slice %arg3[%dma_wait3A_961, %dma_wait3A_962] : memref<1000000x64xf32, #tpu.memory_space<hbm>> -> memref<72x64xf32, #tpu.memory_space<hbm>>
      tpu.wait_dma2 semaphore(%dma_wait3A_956 : memref<!tpu.dma_semaphore, #tpu.memory_space<semaphore_mem>>) src(%dma_wait3A_963 : memref<72x64xf32, #tpu.memory_space<hbm>>) dst(%dma_wait3A_960 : memref<72x64xf32, #tpu.memory_space<vmem>>)
      %add3A_964 = arith.constant 1 : i32
      %add3A_965 = arith.addi %add3A_444, %add3A_964 : i32
      %dma_start3A_966 = arith.constant 1 : i32
      %dma_start3A_967 = arith.constant 1 : i32
      %dma_start3A_968 = arith.constant 0 : i32
      %dma_start3A_969 = arith.constant 0 : i32
      %dma_start3A_970 = tpu.memref_slice %arg6[%dma_start3A_966, %dma_start3A_968, %dma_start3A_969] : memref<8x200x64xf32, #tpu.memory_space<vmem>> -> memref<1x200x64xf32, #tpu.memory_space<vmem>>
      %dma_start3A_971 = tpu.memref_squeeze %dma_start3A_970 : memref<1x200x64xf32, #tpu.memory_space<vmem>> -> memref<200x64xf32, #tpu.memory_space<vmem>>
      %dma_start3A_972 = arith.constant 0 : i32
      %dma_start3A_973 = arith.constant 0 : i32
      %dma_start3A_974 = tpu.memref_slice %arg4[%add3A_965, %dma_start3A_972, %dma_start3A_973] : memref<4096x200x64xf32, #tpu.memory_space<hbm>> -> memref<1x200x64xf32, #tpu.memory_space<hbm>>
      %dma_start3A_975 = tpu.memref_squeeze %dma_start3A_974 : memref<1x200x64xf32, #tpu.memory_space<hbm>> -> memref<200x64xf32, #tpu.memory_space<hbm>>
      %dma_start3A_976 = tpu.memref_slice %arg9[%dma_start3A_967] : memref<8x!tpu.dma_semaphore, #tpu.memory_space<semaphore_mem>> -> memref<1x!tpu.dma_semaphore, #tpu.memory_space<semaphore_mem>>
      %dma_start3A_977 = tpu.memref_squeeze %dma_start3A_976 : memref<1x!tpu.dma_semaphore, #tpu.memory_space<semaphore_mem>> -> memref<!tpu.dma_semaphore, #tpu.memory_space<semaphore_mem>>
      %dma_start3A_978 = arith.constant 0 : i32
      %dma_start3A_979 = arith.constant 0 : i32
      %dma_start3A_980 = tpu.memref_slice %arg4[%add3A_965, %dma_start3A_978, %dma_start3A_979] : memref<4096x200x64xf32, #tpu.memory_space<hbm>> -> memref<1x200x64xf32, #tpu.memory_space<hbm>>
      %dma_start3A_981 = tpu.memref_squeeze %dma_start3A_980 : memref<1x200x64xf32, #tpu.memory_space<hbm>> -> memref<200x64xf32, #tpu.memory_space<hbm>>
      %dma_start3A_982 = arith.constant 0 : i32
      %dma_start3A_983 = arith.constant 0 : i32
      %dma_start3A_984 = tpu.memref_slice %arg6[%dma_start3A_966, %dma_start3A_982, %dma_start3A_983] : memref<8x200x64xf32, #tpu.memory_space<vmem>> -> memref<1x200x64xf32, #tpu.memory_space<vmem>>
      %dma_start3A_985 = tpu.memref_squeeze %dma_start3A_984 : memref<1x200x64xf32, #tpu.memory_space<vmem>> -> memref<200x64xf32, #tpu.memory_space<vmem>>
      tpu.enqueue_dma source(%dma_start3A_985 : memref<200x64xf32, #tpu.memory_space<vmem>>) target(%dma_start3A_981 : memref<200x64xf32, #tpu.memory_space<hbm>>) target_semaphore(%dma_start3A_977 : memref<!tpu.dma_semaphore, #tpu.memory_space<semaphore_mem>>)
      %add3A_986 = arith.constant 8 : i32
      %add3A_987 = arith.addi %add3A_444, %add3A_986 : i32
      %min3A_988 = arith.minsi %add3A_987, %sub3A_5 : i32
      %add3A_989 = arith.constant 1 : i32
      %add3A_990 = arith.addi %min3A_988, %add3A_989 : i32
      %dma_start3A_991 = arith.constant 1 : i32
      %dma_start3A_992 = arith.constant 1 : i32
      %dma_start3A_993 = arith.constant 0 : i32
      %dma_start3A_994 = tpu.memref_slice %arg5[%dma_start3A_991, %dma_start3A_993] : memref<8x200xi32, #tpu.memory_space<vmem>> -> memref<1x200xi32, #tpu.memory_space<vmem>>
      %dma_start3A_995 = tpu.memref_squeeze %dma_start3A_994 : memref<1x200xi32, #tpu.memory_space<vmem>> -> memref<200xi32, #tpu.memory_space<vmem>>
      %dma_start3A_996 = arith.constant 0 : i32
      %dma_start3A_997 = tpu.memref_slice %arg2[%add3A_990, %dma_start3A_996] : memref<4096x200xi32, #tpu.memory_space<hbm>> -> memref<1x200xi32, #tpu.memory_space<hbm>>
      %dma_start3A_998 = tpu.memref_squeeze %dma_start3A_997 : memref<1x200xi32, #tpu.memory_space<hbm>> -> memref<200xi32, #tpu.memory_space<hbm>>
      %dma_start3A_999 = tpu.memref_slice %arg7[%dma_start3A_992] : memref<8x!tpu.dma_semaphore, #tpu.memory_space<semaphore_mem>> -> memref<1x!tpu.dma_semaphore, #tpu.memory_space<semaphore_mem>>
      %dma_start3A_1000 = tpu.memref_squeeze %dma_start3A_999 : memref<1x!tpu.dma_semaphore, #tpu.memory_space<semaphore_mem>> -> memref<!tpu.dma_semaphore, #tpu.memory_space<semaphore_mem>>
      %dma_start3A_1001 = arith.constant 0 : i32
      %dma_start3A_1002 = tpu.memref_slice %arg5[%dma_start3A_991, %dma_start3A_1001] : memref<8x200xi32, #tpu.memory_space<vmem>> -> memref<1x200xi32, #tpu.memory_space<vmem>>
      %dma_start3A_1003 = tpu.memref_squeeze %dma_start3A_1002 : memref<1x200xi32, #tpu.memory_space<vmem>> -> memref<200xi32, #tpu.memory_space<vmem>>
      %dma_start3A_1004 = arith.constant 0 : i32
      %dma_start3A_1005 = tpu.memref_slice %arg2[%add3A_990, %dma_start3A_1004] : memref<4096x200xi32, #tpu.memory_space<hbm>> -> memref<1x200xi32, #tpu.memory_space<hbm>>
      %dma_start3A_1006 = tpu.memref_squeeze %dma_start3A_1005 : memref<1x200xi32, #tpu.memory_space<hbm>> -> memref<200xi32, #tpu.memory_space<hbm>>
      tpu.enqueue_dma source(%dma_start3A_1006 : memref<200xi32, #tpu.memory_space<hbm>>) target(%dma_start3A_1003 : memref<200xi32, #tpu.memory_space<vmem>>) target_semaphore(%dma_start3A_1000 : memref<!tpu.dma_semaphore, #tpu.memory_space<semaphore_mem>>)
      %dma_wait3A_1007 = arith.constant 2 : i32
      %dma_wait3A_1008 = arith.constant 2 : i32
      %dma_wait3A_1009 = arith.constant 0 : i32
      %dma_wait3A_1010 = arith.constant 0 : i32
      %dma_wait3A_1011 = tpu.memref_slice %arg6[%dma_wait3A_1007, %dma_wait3A_1009, %dma_wait3A_1010] : memref<8x200x64xf32, #tpu.memory_space<vmem>> -> memref<1x128x64xf32, #tpu.memory_space<vmem>>
      %dma_wait3A_1012 = tpu.memref_squeeze %dma_wait3A_1011 : memref<1x128x64xf32, #tpu.memory_space<vmem>> -> memref<128x64xf32, #tpu.memory_space<vmem>>
      %dma_wait3A_1013 = arith.constant 0 : i32
      %dma_wait3A_1014 = arith.constant 0 : i32
      %dma_wait3A_1015 = tpu.memref_slice %arg3[%dma_wait3A_1013, %dma_wait3A_1014] : memref<1000000x64xf32, #tpu.memory_space<hbm>> -> memref<128x64xf32, #tpu.memory_space<hbm>>
      %dma_wait3A_1016 = tpu.memref_slice %arg8[%dma_wait3A_1008] : memref<8x!tpu.dma_semaphore, #tpu.memory_space<semaphore_mem>> -> memref<1x!tpu.dma_semaphore, #tpu.memory_space<semaphore_mem>>
      %dma_wait3A_1017 = tpu.memref_squeeze %dma_wait3A_1016 : memref<1x!tpu.dma_semaphore, #tpu.memory_space<semaphore_mem>> -> memref<!tpu.dma_semaphore, #tpu.memory_space<semaphore_mem>>
      %dma_wait3A_1018 = arith.constant 0 : i32
      %dma_wait3A_1019 = arith.constant 0 : i32
      %dma_wait3A_1020 = tpu.memref_slice %arg6[%dma_wait3A_1007, %dma_wait3A_1018, %dma_wait3A_1019] : memref<8x200x64xf32, #tpu.memory_space<vmem>> -> memref<1x128x64xf32, #tpu.memory_space<vmem>>
      %dma_wait3A_1021 = tpu.memref_squeeze %dma_wait3A_1020 : memref<1x128x64xf32, #tpu.memory_space<vmem>> -> memref<128x64xf32, #tpu.memory_space<vmem>>
      %dma_wait3A_1022 = arith.constant 0 : i32
      %dma_wait3A_1023 = arith.constant 0 : i32
      %dma_wait3A_1024 = tpu.memref_slice %arg3[%dma_wait3A_1022, %dma_wait3A_1023] : memref<1000000x64xf32, #tpu.memory_space<hbm>> -> memref<128x64xf32, #tpu.memory_space<hbm>>
      tpu.wait_dma2 semaphore(%dma_wait3A_1017 : memref<!tpu.dma_semaphore, #tpu.memory_space<semaphore_mem>>) src(%dma_wait3A_1024 : memref<128x64xf32, #tpu.memory_space<hbm>>) dst(%dma_wait3A_1021 : memref<128x64xf32, #tpu.memory_space<vmem>>)
      %dma_wait3A_1025 = arith.constant 2 : i32
      %dma_wait3A_1026 = arith.constant 2 : i32
      %dma_wait3A_1027 = arith.constant 128 : i32
      %dma_wait3A_1028 = arith.constant 0 : i32
      %dma_wait3A_1029 = tpu.memref_slice %arg6[%dma_wait3A_1025, %dma_wait3A_1027, %dma_wait3A_1028] : memref<8x200x64xf32, #tpu.memory_space<vmem>> -> memref<1x72x64xf32, #tpu.memory_space<vmem>>
      %dma_wait3A_1030 = tpu.memref_squeeze %dma_wait3A_1029 : memref<1x72x64xf32, #tpu.memory_space<vmem>> -> memref<72x64xf32, #tpu.memory_space<vmem>>
      %dma_wait3A_1031 = arith.constant 0 : i32
      %dma_wait3A_1032 = arith.constant 0 : i32
      %dma_wait3A_1033 = tpu.memref_slice %arg3[%dma_wait3A_1031, %dma_wait3A_1032] : memref<1000000x64xf32, #tpu.memory_space<hbm>> -> memref<72x64xf32, #tpu.memory_space<hbm>>
      %dma_wait3A_1034 = tpu.memref_slice %arg8[%dma_wait3A_1026] : memref<8x!tpu.dma_semaphore, #tpu.memory_space<semaphore_mem>> -> memref<1x!tpu.dma_semaphore, #tpu.memory_space<semaphore_mem>>
      %dma_wait3A_1035 = tpu.memref_squeeze %dma_wait3A_1034 : memref<1x!tpu.dma_semaphore, #tpu.memory_space<semaphore_mem>> -> memref<!tpu.dma_semaphore, #tpu.memory_space<semaphore_mem>>
      %dma_wait3A_1036 = arith.constant 128 : i32
      %dma_wait3A_1037 = arith.constant 0 : i32
      %dma_wait3A_1038 = tpu.memref_slice %arg6[%dma_wait3A_1025, %dma_wait3A_1036, %dma_wait3A_1037] : memref<8x200x64xf32, #tpu.memory_space<vmem>> -> memref<1x72x64xf32, #tpu.memory_space<vmem>>
      %dma_wait3A_1039 = tpu.memref_squeeze %dma_wait3A_1038 : memref<1x72x64xf32, #tpu.memory_space<vmem>> -> memref<72x64xf32, #tpu.memory_space<vmem>>
      %dma_wait3A_1040 = arith.constant 0 : i32
      %dma_wait3A_1041 = arith.constant 0 : i32
      %dma_wait3A_1042 = tpu.memref_slice %arg3[%dma_wait3A_1040, %dma_wait3A_1041] : memref<1000000x64xf32, #tpu.memory_space<hbm>> -> memref<72x64xf32, #tpu.memory_space<hbm>>
      tpu.wait_dma2 semaphore(%dma_wait3A_1035 : memref<!tpu.dma_semaphore, #tpu.memory_space<semaphore_mem>>) src(%dma_wait3A_1042 : memref<72x64xf32, #tpu.memory_space<hbm>>) dst(%dma_wait3A_1039 : memref<72x64xf32, #tpu.memory_space<vmem>>)
      %add3A_1043 = arith.constant 2 : i32
      %add3A_1044 = arith.addi %add3A_444, %add3A_1043 : i32
      %dma_start3A_1045 = arith.constant 2 : i32
      %dma_start3A_1046 = arith.constant 2 : i32
      %dma_start3A_1047 = arith.constant 0 : i32
      %dma_start3A_1048 = arith.constant 0 : i32
      %dma_start3A_1049 = tpu.memref_slice %arg6[%dma_start3A_1045, %dma_start3A_1047, %dma_start3A_1048] : memref<8x200x64xf32, #tpu.memory_space<vmem>> -> memref<1x200x64xf32, #tpu.memory_space<vmem>>
      %dma_start3A_1050 = tpu.memref_squeeze %dma_start3A_1049 : memref<1x200x64xf32, #tpu.memory_space<vmem>> -> memref<200x64xf32, #tpu.memory_space<vmem>>
      %dma_start3A_1051 = arith.constant 0 : i32
      %dma_start3A_1052 = arith.constant 0 : i32
      %dma_start3A_1053 = tpu.memref_slice %arg4[%add3A_1044, %dma_start3A_1051, %dma_start3A_1052] : memref<4096x200x64xf32, #tpu.memory_space<hbm>> -> memref<1x200x64xf32, #tpu.memory_space<hbm>>
      %dma_start3A_1054 = tpu.memref_squeeze %dma_start3A_1053 : memref<1x200x64xf32, #tpu.memory_space<hbm>> -> memref<200x64xf32, #tpu.memory_space<hbm>>
      %dma_start3A_1055 = tpu.memref_slice %arg9[%dma_start3A_1046] : memref<8x!tpu.dma_semaphore, #tpu.memory_space<semaphore_mem>> -> memref<1x!tpu.dma_semaphore, #tpu.memory_space<semaphore_mem>>
      %dma_start3A_1056 = tpu.memref_squeeze %dma_start3A_1055 : memref<1x!tpu.dma_semaphore, #tpu.memory_space<semaphore_mem>> -> memref<!tpu.dma_semaphore, #tpu.memory_space<semaphore_mem>>
      %dma_start3A_1057 = arith.constant 0 : i32
      %dma_start3A_1058 = arith.constant 0 : i32
      %dma_start3A_1059 = tpu.memref_slice %arg4[%add3A_1044, %dma_start3A_1057, %dma_start3A_1058] : memref<4096x200x64xf32, #tpu.memory_space<hbm>> -> memref<1x200x64xf32, #tpu.memory_space<hbm>>
      %dma_start3A_1060 = tpu.memref_squeeze %dma_start3A_1059 : memref<1x200x64xf32, #tpu.memory_space<hbm>> -> memref<200x64xf32, #tpu.memory_space<hbm>>
      %dma_start3A_1061 = arith.constant 0 : i32
      %dma_start3A_1062 = arith.constant 0 : i32
      %dma_start3A_1063 = tpu.memref_slice %arg6[%dma_start3A_1045, %dma_start3A_1061, %dma_start3A_1062] : memref<8x200x64xf32, #tpu.memory_space<vmem>> -> memref<1x200x64xf32, #tpu.memory_space<vmem>>
      %dma_start3A_1064 = tpu.memref_squeeze %dma_start3A_1063 : memref<1x200x64xf32, #tpu.memory_space<vmem>> -> memref<200x64xf32, #tpu.memory_space<vmem>>
      tpu.enqueue_dma source(%dma_start3A_1064 : memref<200x64xf32, #tpu.memory_space<vmem>>) target(%dma_start3A_1060 : memref<200x64xf32, #tpu.memory_space<hbm>>) target_semaphore(%dma_start3A_1056 : memref<!tpu.dma_semaphore, #tpu.memory_space<semaphore_mem>>)
      %add3A_1065 = arith.constant 8 : i32
      %add3A_1066 = arith.addi %add3A_444, %add3A_1065 : i32
      %min3A_1067 = arith.minsi %add3A_1066, %sub3A_5 : i32
      %add3A_1068 = arith.constant 2 : i32
      %add3A_1069 = arith.addi %min3A_1067, %add3A_1068 : i32
      %dma_start3A_1070 = arith.constant 2 : i32
      %dma_start3A_1071 = arith.constant 2 : i32
      %dma_start3A_1072 = arith.constant 0 : i32
      %dma_start3A_1073 = tpu.memref_slice %arg5[%dma_start3A_1070, %dma_start3A_1072] : memref<8x200xi32, #tpu.memory_space<vmem>> -> memref<1x200xi32, #tpu.memory_space<vmem>>
      %dma_start3A_1074 = tpu.memref_squeeze %dma_start3A_1073 : memref<1x200xi32, #tpu.memory_space<vmem>> -> memref<200xi32, #tpu.memory_space<vmem>>
      %dma_start3A_1075 = arith.constant 0 : i32
      %dma_start3A_1076 = tpu.memref_slice %arg2[%add3A_1069, %dma_start3A_1075] : memref<4096x200xi32, #tpu.memory_space<hbm>> -> memref<1x200xi32, #tpu.memory_space<hbm>>
      %dma_start3A_1077 = tpu.memref_squeeze %dma_start3A_1076 : memref<1x200xi32, #tpu.memory_space<hbm>> -> memref<200xi32, #tpu.memory_space<hbm>>
      %dma_start3A_1078 = tpu.memref_slice %arg7[%dma_start3A_1071] : memref<8x!tpu.dma_semaphore, #tpu.memory_space<semaphore_mem>> -> memref<1x!tpu.dma_semaphore, #tpu.memory_space<semaphore_mem>>
      %dma_start3A_1079 = tpu.memref_squeeze %dma_start3A_1078 : memref<1x!tpu.dma_semaphore, #tpu.memory_space<semaphore_mem>> -> memref<!tpu.dma_semaphore, #tpu.memory_space<semaphore_mem>>
      %dma_start3A_1080 = arith.constant 0 : i32
      %dma_start3A_1081 = tpu.memref_slice %arg5[%dma_start3A_1070, %dma_start3A_1080] : memref<8x200xi32, #tpu.memory_space<vmem>> -> memref<1x200xi32, #tpu.memory_space<vmem>>
      %dma_start3A_1082 = tpu.memref_squeeze %dma_start3A_1081 : memref<1x200xi32, #tpu.memory_space<vmem>> -> memref<200xi32, #tpu.memory_space<vmem>>
      %dma_start3A_1083 = arith.constant 0 : i32
      %dma_start3A_1084 = tpu.memref_slice %arg2[%add3A_1069, %dma_start3A_1083] : memref<4096x200xi32, #tpu.memory_space<hbm>> -> memref<1x200xi32, #tpu.memory_space<hbm>>
      %dma_start3A_1085 = tpu.memref_squeeze %dma_start3A_1084 : memref<1x200xi32, #tpu.memory_space<hbm>> -> memref<200xi32, #tpu.memory_space<hbm>>
      tpu.enqueue_dma source(%dma_start3A_1085 : memref<200xi32, #tpu.memory_space<hbm>>) target(%dma_start3A_1082 : memref<200xi32, #tpu.memory_space<vmem>>) target_semaphore(%dma_start3A_1079 : memref<!tpu.dma_semaphore, #tpu.memory_space<semaphore_mem>>)
      %dma_wait3A_1086 = arith.constant 3 : i32
      %dma_wait3A_1087 = arith.constant 3 : i32
      %dma_wait3A_1088 = arith.constant 0 : i32
      %dma_wait3A_1089 = arith.constant 0 : i32
      %dma_wait3A_1090 = tpu.memref_slice %arg6[%dma_wait3A_1086, %dma_wait3A_1088, %dma_wait3A_1089] : memref<8x200x64xf32, #tpu.memory_space<vmem>> -> memref<1x128x64xf32, #tpu.memory_space<vmem>>
      %dma_wait3A_1091 = tpu.memref_squeeze %dma_wait3A_1090 : memref<1x128x64xf32, #tpu.memory_space<vmem>> -> memref<128x64xf32, #tpu.memory_space<vmem>>
      %dma_wait3A_1092 = arith.constant 0 : i32
      %dma_wait3A_1093 = arith.constant 0 : i32
      %dma_wait3A_1094 = tpu.memref_slice %arg3[%dma_wait3A_1092, %dma_wait3A_1093] : memref<1000000x64xf32, #tpu.memory_space<hbm>> -> memref<128x64xf32, #tpu.memory_space<hbm>>
      %dma_wait3A_1095 = tpu.memref_slice %arg8[%dma_wait3A_1087] : memref<8x!tpu.dma_semaphore, #tpu.memory_space<semaphore_mem>> -> memref<1x!tpu.dma_semaphore, #tpu.memory_space<semaphore_mem>>
      %dma_wait3A_1096 = tpu.memref_squeeze %dma_wait3A_1095 : memref<1x!tpu.dma_semaphore, #tpu.memory_space<semaphore_mem>> -> memref<!tpu.dma_semaphore, #tpu.memory_space<semaphore_mem>>
      %dma_wait3A_1097 = arith.constant 0 : i32
      %dma_wait3A_1098 = arith.constant 0 : i32
      %dma_wait3A_1099 = tpu.memref_slice %arg6[%dma_wait3A_1086, %dma_wait3A_1097, %dma_wait3A_1098] : memref<8x200x64xf32, #tpu.memory_space<vmem>> -> memref<1x128x64xf32, #tpu.memory_space<vmem>>
      %dma_wait3A_1100 = tpu.memref_squeeze %dma_wait3A_1099 : memref<1x128x64xf32, #tpu.memory_space<vmem>> -> memref<128x64xf32, #tpu.memory_space<vmem>>
      %dma_wait3A_1101 = arith.constant 0 : i32
      %dma_wait3A_1102 = arith.constant 0 : i32
      %dma_wait3A_1103 = tpu.memref_slice %arg3[%dma_wait3A_1101, %dma_wait3A_1102] : memref<1000000x64xf32, #tpu.memory_space<hbm>> -> memref<128x64xf32, #tpu.memory_space<hbm>>
      tpu.wait_dma2 semaphore(%dma_wait3A_1096 : memref<!tpu.dma_semaphore, #tpu.memory_space<semaphore_mem>>) src(%dma_wait3A_1103 : memref<128x64xf32, #tpu.memory_space<hbm>>) dst(%dma_wait3A_1100 : memref<128x64xf32, #tpu.memory_space<vmem>>)
      %dma_wait3A_1104 = arith.constant 3 : i32
      %dma_wait3A_1105 = arith.constant 3 : i32
      %dma_wait3A_1106 = arith.constant 128 : i32
      %dma_wait3A_1107 = arith.constant 0 : i32
      %dma_wait3A_1108 = tpu.memref_slice %arg6[%dma_wait3A_1104, %dma_wait3A_1106, %dma_wait3A_1107] : memref<8x200x64xf32, #tpu.memory_space<vmem>> -> memref<1x72x64xf32, #tpu.memory_space<vmem>>
      %dma_wait3A_1109 = tpu.memref_squeeze %dma_wait3A_1108 : memref<1x72x64xf32, #tpu.memory_space<vmem>> -> memref<72x64xf32, #tpu.memory_space<vmem>>
      %dma_wait3A_1110 = arith.constant 0 : i32
      %dma_wait3A_1111 = arith.constant 0 : i32
      %dma_wait3A_1112 = tpu.memref_slice %arg3[%dma_wait3A_1110, %dma_wait3A_1111] : memref<1000000x64xf32, #tpu.memory_space<hbm>> -> memref<72x64xf32, #tpu.memory_space<hbm>>
      %dma_wait3A_1113 = tpu.memref_slice %arg8[%dma_wait3A_1105] : memref<8x!tpu.dma_semaphore, #tpu.memory_space<semaphore_mem>> -> memref<1x!tpu.dma_semaphore, #tpu.memory_space<semaphore_mem>>
      %dma_wait3A_1114 = tpu.memref_squeeze %dma_wait3A_1113 : memref<1x!tpu.dma_semaphore, #tpu.memory_space<semaphore_mem>> -> memref<!tpu.dma_semaphore, #tpu.memory_space<semaphore_mem>>
      %dma_wait3A_1115 = arith.constant 128 : i32
      %dma_wait3A_1116 = arith.constant 0 : i32
      %dma_wait3A_1117 = tpu.memref_slice %arg6[%dma_wait3A_1104, %dma_wait3A_1115, %dma_wait3A_1116] : memref<8x200x64xf32, #tpu.memory_space<vmem>> -> memref<1x72x64xf32, #tpu.memory_space<vmem>>
      %dma_wait3A_1118 = tpu.memref_squeeze %dma_wait3A_1117 : memref<1x72x64xf32, #tpu.memory_space<vmem>> -> memref<72x64xf32, #tpu.memory_space<vmem>>
      %dma_wait3A_1119 = arith.constant 0 : i32
      %dma_wait3A_1120 = arith.constant 0 : i32
      %dma_wait3A_1121 = tpu.memref_slice %arg3[%dma_wait3A_1119, %dma_wait3A_1120] : memref<1000000x64xf32, #tpu.memory_space<hbm>> -> memref<72x64xf32, #tpu.memory_space<hbm>>
      tpu.wait_dma2 semaphore(%dma_wait3A_1114 : memref<!tpu.dma_semaphore, #tpu.memory_space<semaphore_mem>>) src(%dma_wait3A_1121 : memref<72x64xf32, #tpu.memory_space<hbm>>) dst(%dma_wait3A_1118 : memref<72x64xf32, #tpu.memory_space<vmem>>)
      %add3A_1122 = arith.constant 3 : i32
      %add3A_1123 = arith.addi %add3A_444, %add3A_1122 : i32
      %dma_start3A_1124 = arith.constant 3 : i32
      %dma_start3A_1125 = arith.constant 3 : i32
      %dma_start3A_1126 = arith.constant 0 : i32
      %dma_start3A_1127 = arith.constant 0 : i32
      %dma_start3A_1128 = tpu.memref_slice %arg6[%dma_start3A_1124, %dma_start3A_1126, %dma_start3A_1127] : memref<8x200x64xf32, #tpu.memory_space<vmem>> -> memref<1x200x64xf32, #tpu.memory_space<vmem>>
      %dma_start3A_1129 = tpu.memref_squeeze %dma_start3A_1128 : memref<1x200x64xf32, #tpu.memory_space<vmem>> -> memref<200x64xf32, #tpu.memory_space<vmem>>
      %dma_start3A_1130 = arith.constant 0 : i32
      %dma_start3A_1131 = arith.constant 0 : i32
      %dma_start3A_1132 = tpu.memref_slice %arg4[%add3A_1123, %dma_start3A_1130, %dma_start3A_1131] : memref<4096x200x64xf32, #tpu.memory_space<hbm>> -> memref<1x200x64xf32, #tpu.memory_space<hbm>>
      %dma_start3A_1133 = tpu.memref_squeeze %dma_start3A_1132 : memref<1x200x64xf32, #tpu.memory_space<hbm>> -> memref<200x64xf32, #tpu.memory_space<hbm>>
      %dma_start3A_1134 = tpu.memref_slice %arg9[%dma_start3A_1125] : memref<8x!tpu.dma_semaphore, #tpu.memory_space<semaphore_mem>> -> memref<1x!tpu.dma_semaphore, #tpu.memory_space<semaphore_mem>>
      %dma_start3A_1135 = tpu.memref_squeeze %dma_start3A_1134 : memref<1x!tpu.dma_semaphore, #tpu.memory_space<semaphore_mem>> -> memref<!tpu.dma_semaphore, #tpu.memory_space<semaphore_mem>>
      %dma_start3A_1136 = arith.constant 0 : i32
      %dma_start3A_1137 = arith.constant 0 : i32
      %dma_start3A_1138 = tpu.memref_slice %arg4[%add3A_1123, %dma_start3A_1136, %dma_start3A_1137] : memref<4096x200x64xf32, #tpu.memory_space<hbm>> -> memref<1x200x64xf32, #tpu.memory_space<hbm>>
      %dma_start3A_1139 = tpu.memref_squeeze %dma_start3A_1138 : memref<1x200x64xf32, #tpu.memory_space<hbm>> -> memref<200x64xf32, #tpu.memory_space<hbm>>
      %dma_start3A_1140 = arith.constant 0 : i32
      %dma_start3A_1141 = arith.constant 0 : i32
      %dma_start3A_1142 = tpu.memref_slice %arg6[%dma_start3A_1124, %dma_start3A_1140, %dma_start3A_1141] : memref<8x200x64xf32, #tpu.memory_space<vmem>> -> memref<1x200x64xf32, #tpu.memory_space<vmem>>
      %dma_start3A_1143 = tpu.memref_squeeze %dma_start3A_1142 : memref<1x200x64xf32, #tpu.memory_space<vmem>> -> memref<200x64xf32, #tpu.memory_space<vmem>>
      tpu.enqueue_dma source(%dma_start3A_1143 : memref<200x64xf32, #tpu.memory_space<vmem>>) target(%dma_start3A_1139 : memref<200x64xf32, #tpu.memory_space<hbm>>) target_semaphore(%dma_start3A_1135 : memref<!tpu.dma_semaphore, #tpu.memory_space<semaphore_mem>>)
      %add3A_1144 = arith.constant 8 : i32
      %add3A_1145 = arith.addi %add3A_444, %add3A_1144 : i32
      %min3A_1146 = arith.minsi %add3A_1145, %sub3A_5 : i32
      %add3A_1147 = arith.constant 3 : i32
      %add3A_1148 = arith.addi %min3A_1146, %add3A_1147 : i32
      %dma_start3A_1149 = arith.constant 3 : i32
      %dma_start3A_1150 = arith.constant 3 : i32
      %dma_start3A_1151 = arith.constant 0 : i32
      %dma_start3A_1152 = tpu.memref_slice %arg5[%dma_start3A_1149, %dma_start3A_1151] : memref<8x200xi32, #tpu.memory_space<vmem>> -> memref<1x200xi32, #tpu.memory_space<vmem>>
      %dma_start3A_1153 = tpu.memref_squeeze %dma_start3A_1152 : memref<1x200xi32, #tpu.memory_space<vmem>> -> memref<200xi32, #tpu.memory_space<vmem>>
      %dma_start3A_1154 = arith.constant 0 : i32
      %dma_start3A_1155 = tpu.memref_slice %arg2[%add3A_1148, %dma_start3A_1154] : memref<4096x200xi32, #tpu.memory_space<hbm>> -> memref<1x200xi32, #tpu.memory_space<hbm>>
      %dma_start3A_1156 = tpu.memref_squeeze %dma_start3A_1155 : memref<1x200xi32, #tpu.memory_space<hbm>> -> memref<200xi32, #tpu.memory_space<hbm>>
      %dma_start3A_1157 = tpu.memref_slice %arg7[%dma_start3A_1150] : memref<8x!tpu.dma_semaphore, #tpu.memory_space<semaphore_mem>> -> memref<1x!tpu.dma_semaphore, #tpu.memory_space<semaphore_mem>>
      %dma_start3A_1158 = tpu.memref_squeeze %dma_start3A_1157 : memref<1x!tpu.dma_semaphore, #tpu.memory_space<semaphore_mem>> -> memref<!tpu.dma_semaphore, #tpu.memory_space<semaphore_mem>>
      %dma_start3A_1159 = arith.constant 0 : i32
      %dma_start3A_1160 = tpu.memref_slice %arg5[%dma_start3A_1149, %dma_start3A_1159] : memref<8x200xi32, #tpu.memory_space<vmem>> -> memref<1x200xi32, #tpu.memory_space<vmem>>
      %dma_start3A_1161 = tpu.memref_squeeze %dma_start3A_1160 : memref<1x200xi32, #tpu.memory_space<vmem>> -> memref<200xi32, #tpu.memory_space<vmem>>
      %dma_start3A_1162 = arith.constant 0 : i32
      %dma_start3A_1163 = tpu.memref_slice %arg2[%add3A_1148, %dma_start3A_1162] : memref<4096x200xi32, #tpu.memory_space<hbm>> -> memref<1x200xi32, #tpu.memory_space<hbm>>
      %dma_start3A_1164 = tpu.memref_squeeze %dma_start3A_1163 : memref<1x200xi32, #tpu.memory_space<hbm>> -> memref<200xi32, #tpu.memory_space<hbm>>
      tpu.enqueue_dma source(%dma_start3A_1164 : memref<200xi32, #tpu.memory_space<hbm>>) target(%dma_start3A_1161 : memref<200xi32, #tpu.memory_space<vmem>>) target_semaphore(%dma_start3A_1158 : memref<!tpu.dma_semaphore, #tpu.memory_space<semaphore_mem>>)
      %dma_wait3A_1165 = arith.constant 4 : i32
      %dma_wait3A_1166 = arith.constant 4 : i32
      %dma_wait3A_1167 = arith.constant 0 : i32
      %dma_wait3A_1168 = arith.constant 0 : i32
      %dma_wait3A_1169 = tpu.memref_slice %arg6[%dma_wait3A_1165, %dma_wait3A_1167, %dma_wait3A_1168] : memref<8x200x64xf32, #tpu.memory_space<vmem>> -> memref<1x128x64xf32, #tpu.memory_space<vmem>>
      %dma_wait3A_1170 = tpu.memref_squeeze %dma_wait3A_1169 : memref<1x128x64xf32, #tpu.memory_space<vmem>> -> memref<128x64xf32, #tpu.memory_space<vmem>>
      %dma_wait3A_1171 = arith.constant 0 : i32
      %dma_wait3A_1172 = arith.constant 0 : i32
      %dma_wait3A_1173 = tpu.memref_slice %arg3[%dma_wait3A_1171, %dma_wait3A_1172] : memref<1000000x64xf32, #tpu.memory_space<hbm>> -> memref<128x64xf32, #tpu.memory_space<hbm>>
      %dma_wait3A_1174 = tpu.memref_slice %arg8[%dma_wait3A_1166] : memref<8x!tpu.dma_semaphore, #tpu.memory_space<semaphore_mem>> -> memref<1x!tpu.dma_semaphore, #tpu.memory_space<semaphore_mem>>
      %dma_wait3A_1175 = tpu.memref_squeeze %dma_wait3A_1174 : memref<1x!tpu.dma_semaphore, #tpu.memory_space<semaphore_mem>> -> memref<!tpu.dma_semaphore, #tpu.memory_space<semaphore_mem>>
      %dma_wait3A_1176 = arith.constant 0 : i32
      %dma_wait3A_1177 = arith.constant 0 : i32
      %dma_wait3A_1178 = tpu.memref_slice %arg6[%dma_wait3A_1165, %dma_wait3A_1176, %dma_wait3A_1177] : memref<8x200x64xf32, #tpu.memory_space<vmem>> -> memref<1x128x64xf32, #tpu.memory_space<vmem>>
      %dma_wait3A_1179 = tpu.memref_squeeze %dma_wait3A_1178 : memref<1x128x64xf32, #tpu.memory_space<vmem>> -> memref<128x64xf32, #tpu.memory_space<vmem>>
      %dma_wait3A_1180 = arith.constant 0 : i32
      %dma_wait3A_1181 = arith.constant 0 : i32
      %dma_wait3A_1182 = tpu.memref_slice %arg3[%dma_wait3A_1180, %dma_wait3A_1181] : memref<1000000x64xf32, #tpu.memory_space<hbm>> -> memref<128x64xf32, #tpu.memory_space<hbm>>
      tpu.wait_dma2 semaphore(%dma_wait3A_1175 : memref<!tpu.dma_semaphore, #tpu.memory_space<semaphore_mem>>) src(%dma_wait3A_1182 : memref<128x64xf32, #tpu.memory_space<hbm>>) dst(%dma_wait3A_1179 : memref<128x64xf32, #tpu.memory_space<vmem>>)
      %dma_wait3A_1183 = arith.constant 4 : i32
      %dma_wait3A_1184 = arith.constant 4 : i32
      %dma_wait3A_1185 = arith.constant 128 : i32
      %dma_wait3A_1186 = arith.constant 0 : i32
      %dma_wait3A_1187 = tpu.memref_slice %arg6[%dma_wait3A_1183, %dma_wait3A_1185, %dma_wait3A_1186] : memref<8x200x64xf32, #tpu.memory_space<vmem>> -> memref<1x72x64xf32, #tpu.memory_space<vmem>>
      %dma_wait3A_1188 = tpu.memref_squeeze %dma_wait3A_1187 : memref<1x72x64xf32, #tpu.memory_space<vmem>> -> memref<72x64xf32, #tpu.memory_space<vmem>>
      %dma_wait3A_1189 = arith.constant 0 : i32
      %dma_wait3A_1190 = arith.constant 0 : i32
      %dma_wait3A_1191 = tpu.memref_slice %arg3[%dma_wait3A_1189, %dma_wait3A_1190] : memref<1000000x64xf32, #tpu.memory_space<hbm>> -> memref<72x64xf32, #tpu.memory_space<hbm>>
      %dma_wait3A_1192 = tpu.memref_slice %arg8[%dma_wait3A_1184] : memref<8x!tpu.dma_semaphore, #tpu.memory_space<semaphore_mem>> -> memref<1x!tpu.dma_semaphore, #tpu.memory_space<semaphore_mem>>
      %dma_wait3A_1193 = tpu.memref_squeeze %dma_wait3A_1192 : memref<1x!tpu.dma_semaphore, #tpu.memory_space<semaphore_mem>> -> memref<!tpu.dma_semaphore, #tpu.memory_space<semaphore_mem>>
      %dma_wait3A_1194 = arith.constant 128 : i32
      %dma_wait3A_1195 = arith.constant 0 : i32
      %dma_wait3A_1196 = tpu.memref_slice %arg6[%dma_wait3A_1183, %dma_wait3A_1194, %dma_wait3A_1195] : memref<8x200x64xf32, #tpu.memory_space<vmem>> -> memref<1x72x64xf32, #tpu.memory_space<vmem>>
      %dma_wait3A_1197 = tpu.memref_squeeze %dma_wait3A_1196 : memref<1x72x64xf32, #tpu.memory_space<vmem>> -> memref<72x64xf32, #tpu.memory_space<vmem>>
      %dma_wait3A_1198 = arith.constant 0 : i32
      %dma_wait3A_1199 = arith.constant 0 : i32
      %dma_wait3A_1200 = tpu.memref_slice %arg3[%dma_wait3A_1198, %dma_wait3A_1199] : memref<1000000x64xf32, #tpu.memory_space<hbm>> -> memref<72x64xf32, #tpu.memory_space<hbm>>
      tpu.wait_dma2 semaphore(%dma_wait3A_1193 : memref<!tpu.dma_semaphore, #tpu.memory_space<semaphore_mem>>) src(%dma_wait3A_1200 : memref<72x64xf32, #tpu.memory_space<hbm>>) dst(%dma_wait3A_1197 : memref<72x64xf32, #tpu.memory_space<vmem>>)
      %add3A_1201 = arith.constant 4 : i32
      %add3A_1202 = arith.addi %add3A_444, %add3A_1201 : i32
      %dma_start3A_1203 = arith.constant 4 : i32
      %dma_start3A_1204 = arith.constant 4 : i32
      %dma_start3A_1205 = arith.constant 0 : i32
      %dma_start3A_1206 = arith.constant 0 : i32
      %dma_start3A_1207 = tpu.memref_slice %arg6[%dma_start3A_1203, %dma_start3A_1205, %dma_start3A_1206] : memref<8x200x64xf32, #tpu.memory_space<vmem>> -> memref<1x200x64xf32, #tpu.memory_space<vmem>>
      %dma_start3A_1208 = tpu.memref_squeeze %dma_start3A_1207 : memref<1x200x64xf32, #tpu.memory_space<vmem>> -> memref<200x64xf32, #tpu.memory_space<vmem>>
      %dma_start3A_1209 = arith.constant 0 : i32
      %dma_start3A_1210 = arith.constant 0 : i32
      %dma_start3A_1211 = tpu.memref_slice %arg4[%add3A_1202, %dma_start3A_1209, %dma_start3A_1210] : memref<4096x200x64xf32, #tpu.memory_space<hbm>> -> memref<1x200x64xf32, #tpu.memory_space<hbm>>
      %dma_start3A_1212 = tpu.memref_squeeze %dma_start3A_1211 : memref<1x200x64xf32, #tpu.memory_space<hbm>> -> memref<200x64xf32, #tpu.memory_space<hbm>>
      %dma_start3A_1213 = tpu.memref_slice %arg9[%dma_start3A_1204] : memref<8x!tpu.dma_semaphore, #tpu.memory_space<semaphore_mem>> -> memref<1x!tpu.dma_semaphore, #tpu.memory_space<semaphore_mem>>
      %dma_start3A_1214 = tpu.memref_squeeze %dma_start3A_1213 : memref<1x!tpu.dma_semaphore, #tpu.memory_space<semaphore_mem>> -> memref<!tpu.dma_semaphore, #tpu.memory_space<semaphore_mem>>
      %dma_start3A_1215 = arith.constant 0 : i32
      %dma_start3A_1216 = arith.constant 0 : i32
      %dma_start3A_1217 = tpu.memref_slice %arg4[%add3A_1202, %dma_start3A_1215, %dma_start3A_1216] : memref<4096x200x64xf32, #tpu.memory_space<hbm>> -> memref<1x200x64xf32, #tpu.memory_space<hbm>>
      %dma_start3A_1218 = tpu.memref_squeeze %dma_start3A_1217 : memref<1x200x64xf32, #tpu.memory_space<hbm>> -> memref<200x64xf32, #tpu.memory_space<hbm>>
      %dma_start3A_1219 = arith.constant 0 : i32
      %dma_start3A_1220 = arith.constant 0 : i32
      %dma_start3A_1221 = tpu.memref_slice %arg6[%dma_start3A_1203, %dma_start3A_1219, %dma_start3A_1220] : memref<8x200x64xf32, #tpu.memory_space<vmem>> -> memref<1x200x64xf32, #tpu.memory_space<vmem>>
      %dma_start3A_1222 = tpu.memref_squeeze %dma_start3A_1221 : memref<1x200x64xf32, #tpu.memory_space<vmem>> -> memref<200x64xf32, #tpu.memory_space<vmem>>
      tpu.enqueue_dma source(%dma_start3A_1222 : memref<200x64xf32, #tpu.memory_space<vmem>>) target(%dma_start3A_1218 : memref<200x64xf32, #tpu.memory_space<hbm>>) target_semaphore(%dma_start3A_1214 : memref<!tpu.dma_semaphore, #tpu.memory_space<semaphore_mem>>)
      %add3A_1223 = arith.constant 8 : i32
      %add3A_1224 = arith.addi %add3A_444, %add3A_1223 : i32
      %min3A_1225 = arith.minsi %add3A_1224, %sub3A_5 : i32
      %add3A_1226 = arith.constant 4 : i32
      %add3A_1227 = arith.addi %min3A_1225, %add3A_1226 : i32
      %dma_start3A_1228 = arith.constant 4 : i32
      %dma_start3A_1229 = arith.constant 4 : i32
      %dma_start3A_1230 = arith.constant 0 : i32
      %dma_start3A_1231 = tpu.memref_slice %arg5[%dma_start3A_1228, %dma_start3A_1230] : memref<8x200xi32, #tpu.memory_space<vmem>> -> memref<1x200xi32, #tpu.memory_space<vmem>>
      %dma_start3A_1232 = tpu.memref_squeeze %dma_start3A_1231 : memref<1x200xi32, #tpu.memory_space<vmem>> -> memref<200xi32, #tpu.memory_space<vmem>>
      %dma_start3A_1233 = arith.constant 0 : i32
      %dma_start3A_1234 = tpu.memref_slice %arg2[%add3A_1227, %dma_start3A_1233] : memref<4096x200xi32, #tpu.memory_space<hbm>> -> memref<1x200xi32, #tpu.memory_space<hbm>>
      %dma_start3A_1235 = tpu.memref_squeeze %dma_start3A_1234 : memref<1x200xi32, #tpu.memory_space<hbm>> -> memref<200xi32, #tpu.memory_space<hbm>>
      %dma_start3A_1236 = tpu.memref_slice %arg7[%dma_start3A_1229] : memref<8x!tpu.dma_semaphore, #tpu.memory_space<semaphore_mem>> -> memref<1x!tpu.dma_semaphore, #tpu.memory_space<semaphore_mem>>
      %dma_start3A_1237 = tpu.memref_squeeze %dma_start3A_1236 : memref<1x!tpu.dma_semaphore, #tpu.memory_space<semaphore_mem>> -> memref<!tpu.dma_semaphore, #tpu.memory_space<semaphore_mem>>
      %dma_start3A_1238 = arith.constant 0 : i32
      %dma_start3A_1239 = tpu.memref_slice %arg5[%dma_start3A_1228, %dma_start3A_1238] : memref<8x200xi32, #tpu.memory_space<vmem>> -> memref<1x200xi32, #tpu.memory_space<vmem>>
      %dma_start3A_1240 = tpu.memref_squeeze %dma_start3A_1239 : memref<1x200xi32, #tpu.memory_space<vmem>> -> memref<200xi32, #tpu.memory_space<vmem>>
      %dma_start3A_1241 = arith.constant 0 : i32
      %dma_start3A_1242 = tpu.memref_slice %arg2[%add3A_1227, %dma_start3A_1241] : memref<4096x200xi32, #tpu.memory_space<hbm>> -> memref<1x200xi32, #tpu.memory_space<hbm>>
      %dma_start3A_1243 = tpu.memref_squeeze %dma_start3A_1242 : memref<1x200xi32, #tpu.memory_space<hbm>> -> memref<200xi32, #tpu.memory_space<hbm>>
      tpu.enqueue_dma source(%dma_start3A_1243 : memref<200xi32, #tpu.memory_space<hbm>>) target(%dma_start3A_1240 : memref<200xi32, #tpu.memory_space<vmem>>) target_semaphore(%dma_start3A_1237 : memref<!tpu.dma_semaphore, #tpu.memory_space<semaphore_mem>>)
      %dma_wait3A_1244 = arith.constant 5 : i32
      %dma_wait3A_1245 = arith.constant 5 : i32
      %dma_wait3A_1246 = arith.constant 0 : i32
      %dma_wait3A_1247 = arith.constant 0 : i32
      %dma_wait3A_1248 = tpu.memref_slice %arg6[%dma_wait3A_1244, %dma_wait3A_1246, %dma_wait3A_1247] : memref<8x200x64xf32, #tpu.memory_space<vmem>> -> memref<1x128x64xf32, #tpu.memory_space<vmem>>
      %dma_wait3A_1249 = tpu.memref_squeeze %dma_wait3A_1248 : memref<1x128x64xf32, #tpu.memory_space<vmem>> -> memref<128x64xf32, #tpu.memory_space<vmem>>
      %dma_wait3A_1250 = arith.constant 0 : i32
      %dma_wait3A_1251 = arith.constant 0 : i32
      %dma_wait3A_1252 = tpu.memref_slice %arg3[%dma_wait3A_1250, %dma_wait3A_1251] : memref<1000000x64xf32, #tpu.memory_space<hbm>> -> memref<128x64xf32, #tpu.memory_space<hbm>>
      %dma_wait3A_1253 = tpu.memref_slice %arg8[%dma_wait3A_1245] : memref<8x!tpu.dma_semaphore, #tpu.memory_space<semaphore_mem>> -> memref<1x!tpu.dma_semaphore, #tpu.memory_space<semaphore_mem>>
      %dma_wait3A_1254 = tpu.memref_squeeze %dma_wait3A_1253 : memref<1x!tpu.dma_semaphore, #tpu.memory_space<semaphore_mem>> -> memref<!tpu.dma_semaphore, #tpu.memory_space<semaphore_mem>>
      %dma_wait3A_1255 = arith.constant 0 : i32
      %dma_wait3A_1256 = arith.constant 0 : i32
      %dma_wait3A_1257 = tpu.memref_slice %arg6[%dma_wait3A_1244, %dma_wait3A_1255, %dma_wait3A_1256] : memref<8x200x64xf32, #tpu.memory_space<vmem>> -> memref<1x128x64xf32, #tpu.memory_space<vmem>>
      %dma_wait3A_1258 = tpu.memref_squeeze %dma_wait3A_1257 : memref<1x128x64xf32, #tpu.memory_space<vmem>> -> memref<128x64xf32, #tpu.memory_space<vmem>>
      %dma_wait3A_1259 = arith.constant 0 : i32
      %dma_wait3A_1260 = arith.constant 0 : i32
      %dma_wait3A_1261 = tpu.memref_slice %arg3[%dma_wait3A_1259, %dma_wait3A_1260] : memref<1000000x64xf32, #tpu.memory_space<hbm>> -> memref<128x64xf32, #tpu.memory_space<hbm>>
      tpu.wait_dma2 semaphore(%dma_wait3A_1254 : memref<!tpu.dma_semaphore, #tpu.memory_space<semaphore_mem>>) src(%dma_wait3A_1261 : memref<128x64xf32, #tpu.memory_space<hbm>>) dst(%dma_wait3A_1258 : memref<128x64xf32, #tpu.memory_space<vmem>>)
      %dma_wait3A_1262 = arith.constant 5 : i32
      %dma_wait3A_1263 = arith.constant 5 : i32
      %dma_wait3A_1264 = arith.constant 128 : i32
      %dma_wait3A_1265 = arith.constant 0 : i32
      %dma_wait3A_1266 = tpu.memref_slice %arg6[%dma_wait3A_1262, %dma_wait3A_1264, %dma_wait3A_1265] : memref<8x200x64xf32, #tpu.memory_space<vmem>> -> memref<1x72x64xf32, #tpu.memory_space<vmem>>
      %dma_wait3A_1267 = tpu.memref_squeeze %dma_wait3A_1266 : memref<1x72x64xf32, #tpu.memory_space<vmem>> -> memref<72x64xf32, #tpu.memory_space<vmem>>
      %dma_wait3A_1268 = arith.constant 0 : i32
      %dma_wait3A_1269 = arith.constant 0 : i32
      %dma_wait3A_1270 = tpu.memref_slice %arg3[%dma_wait3A_1268, %dma_wait3A_1269] : memref<1000000x64xf32, #tpu.memory_space<hbm>> -> memref<72x64xf32, #tpu.memory_space<hbm>>
      %dma_wait3A_1271 = tpu.memref_slice %arg8[%dma_wait3A_1263] : memref<8x!tpu.dma_semaphore, #tpu.memory_space<semaphore_mem>> -> memref<1x!tpu.dma_semaphore, #tpu.memory_space<semaphore_mem>>
      %dma_wait3A_1272 = tpu.memref_squeeze %dma_wait3A_1271 : memref<1x!tpu.dma_semaphore, #tpu.memory_space<semaphore_mem>> -> memref<!tpu.dma_semaphore, #tpu.memory_space<semaphore_mem>>
      %dma_wait3A_1273 = arith.constant 128 : i32
      %dma_wait3A_1274 = arith.constant 0 : i32
      %dma_wait3A_1275 = tpu.memref_slice %arg6[%dma_wait3A_1262, %dma_wait3A_1273, %dma_wait3A_1274] : memref<8x200x64xf32, #tpu.memory_space<vmem>> -> memref<1x72x64xf32, #tpu.memory_space<vmem>>
      %dma_wait3A_1276 = tpu.memref_squeeze %dma_wait3A_1275 : memref<1x72x64xf32, #tpu.memory_space<vmem>> -> memref<72x64xf32, #tpu.memory_space<vmem>>
      %dma_wait3A_1277 = arith.constant 0 : i32
      %dma_wait3A_1278 = arith.constant 0 : i32
      %dma_wait3A_1279 = tpu.memref_slice %arg3[%dma_wait3A_1277, %dma_wait3A_1278] : memref<1000000x64xf32, #tpu.memory_space<hbm>> -> memref<72x64xf32, #tpu.memory_space<hbm>>
      tpu.wait_dma2 semaphore(%dma_wait3A_1272 : memref<!tpu.dma_semaphore, #tpu.memory_space<semaphore_mem>>) src(%dma_wait3A_1279 : memref<72x64xf32, #tpu.memory_space<hbm>>) dst(%dma_wait3A_1276 : memref<72x64xf32, #tpu.memory_space<vmem>>)
      %add3A_1280 = arith.constant 5 : i32
      %add3A_1281 = arith.addi %add3A_444, %add3A_1280 : i32
      %dma_start3A_1282 = arith.constant 5 : i32
      %dma_start3A_1283 = arith.constant 5 : i32
      %dma_start3A_1284 = arith.constant 0 : i32
      %dma_start3A_1285 = arith.constant 0 : i32
      %dma_start3A_1286 = tpu.memref_slice %arg6[%dma_start3A_1282, %dma_start3A_1284, %dma_start3A_1285] : memref<8x200x64xf32, #tpu.memory_space<vmem>> -> memref<1x200x64xf32, #tpu.memory_space<vmem>>
      %dma_start3A_1287 = tpu.memref_squeeze %dma_start3A_1286 : memref<1x200x64xf32, #tpu.memory_space<vmem>> -> memref<200x64xf32, #tpu.memory_space<vmem>>
      %dma_start3A_1288 = arith.constant 0 : i32
      %dma_start3A_1289 = arith.constant 0 : i32
      %dma_start3A_1290 = tpu.memref_slice %arg4[%add3A_1281, %dma_start3A_1288, %dma_start3A_1289] : memref<4096x200x64xf32, #tpu.memory_space<hbm>> -> memref<1x200x64xf32, #tpu.memory_space<hbm>>
      %dma_start3A_1291 = tpu.memref_squeeze %dma_start3A_1290 : memref<1x200x64xf32, #tpu.memory_space<hbm>> -> memref<200x64xf32, #tpu.memory_space<hbm>>
      %dma_start3A_1292 = tpu.memref_slice %arg9[%dma_start3A_1283] : memref<8x!tpu.dma_semaphore, #tpu.memory_space<semaphore_mem>> -> memref<1x!tpu.dma_semaphore, #tpu.memory_space<semaphore_mem>>
      %dma_start3A_1293 = tpu.memref_squeeze %dma_start3A_1292 : memref<1x!tpu.dma_semaphore, #tpu.memory_space<semaphore_mem>> -> memref<!tpu.dma_semaphore, #tpu.memory_space<semaphore_mem>>
      %dma_start3A_1294 = arith.constant 0 : i32
      %dma_start3A_1295 = arith.constant 0 : i32
      %dma_start3A_1296 = tpu.memref_slice %arg4[%add3A_1281, %dma_start3A_1294, %dma_start3A_1295] : memref<4096x200x64xf32, #tpu.memory_space<hbm>> -> memref<1x200x64xf32, #tpu.memory_space<hbm>>
      %dma_start3A_1297 = tpu.memref_squeeze %dma_start3A_1296 : memref<1x200x64xf32, #tpu.memory_space<hbm>> -> memref<200x64xf32, #tpu.memory_space<hbm>>
      %dma_start3A_1298 = arith.constant 0 : i32
      %dma_start3A_1299 = arith.constant 0 : i32
      %dma_start3A_1300 = tpu.memref_slice %arg6[%dma_start3A_1282, %dma_start3A_1298, %dma_start3A_1299] : memref<8x200x64xf32, #tpu.memory_space<vmem>> -> memref<1x200x64xf32, #tpu.memory_space<vmem>>
      %dma_start3A_1301 = tpu.memref_squeeze %dma_start3A_1300 : memref<1x200x64xf32, #tpu.memory_space<vmem>> -> memref<200x64xf32, #tpu.memory_space<vmem>>
      tpu.enqueue_dma source(%dma_start3A_1301 : memref<200x64xf32, #tpu.memory_space<vmem>>) target(%dma_start3A_1297 : memref<200x64xf32, #tpu.memory_space<hbm>>) target_semaphore(%dma_start3A_1293 : memref<!tpu.dma_semaphore, #tpu.memory_space<semaphore_mem>>)
      %add3A_1302 = arith.constant 8 : i32
      %add3A_1303 = arith.addi %add3A_444, %add3A_1302 : i32
      %min3A_1304 = arith.minsi %add3A_1303, %sub3A_5 : i32
      %add3A_1305 = arith.constant 5 : i32
      %add3A_1306 = arith.addi %min3A_1304, %add3A_1305 : i32
      %dma_start3A_1307 = arith.constant 5 : i32
      %dma_start3A_1308 = arith.constant 5 : i32
      %dma_start3A_1309 = arith.constant 0 : i32
      %dma_start3A_1310 = tpu.memref_slice %arg5[%dma_start3A_1307, %dma_start3A_1309] : memref<8x200xi32, #tpu.memory_space<vmem>> -> memref<1x200xi32, #tpu.memory_space<vmem>>
      %dma_start3A_1311 = tpu.memref_squeeze %dma_start3A_1310 : memref<1x200xi32, #tpu.memory_space<vmem>> -> memref<200xi32, #tpu.memory_space<vmem>>
      %dma_start3A_1312 = arith.constant 0 : i32
      %dma_start3A_1313 = tpu.memref_slice %arg2[%add3A_1306, %dma_start3A_1312] : memref<4096x200xi32, #tpu.memory_space<hbm>> -> memref<1x200xi32, #tpu.memory_space<hbm>>
      %dma_start3A_1314 = tpu.memref_squeeze %dma_start3A_1313 : memref<1x200xi32, #tpu.memory_space<hbm>> -> memref<200xi32, #tpu.memory_space<hbm>>
      %dma_start3A_1315 = tpu.memref_slice %arg7[%dma_start3A_1308] : memref<8x!tpu.dma_semaphore, #tpu.memory_space<semaphore_mem>> -> memref<1x!tpu.dma_semaphore, #tpu.memory_space<semaphore_mem>>
      %dma_start3A_1316 = tpu.memref_squeeze %dma_start3A_1315 : memref<1x!tpu.dma_semaphore, #tpu.memory_space<semaphore_mem>> -> memref<!tpu.dma_semaphore, #tpu.memory_space<semaphore_mem>>
      %dma_start3A_1317 = arith.constant 0 : i32
      %dma_start3A_1318 = tpu.memref_slice %arg5[%dma_start3A_1307, %dma_start3A_1317] : memref<8x200xi32, #tpu.memory_space<vmem>> -> memref<1x200xi32, #tpu.memory_space<vmem>>
      %dma_start3A_1319 = tpu.memref_squeeze %dma_start3A_1318 : memref<1x200xi32, #tpu.memory_space<vmem>> -> memref<200xi32, #tpu.memory_space<vmem>>
      %dma_start3A_1320 = arith.constant 0 : i32
      %dma_start3A_1321 = tpu.memref_slice %arg2[%add3A_1306, %dma_start3A_1320] : memref<4096x200xi32, #tpu.memory_space<hbm>> -> memref<1x200xi32, #tpu.memory_space<hbm>>
      %dma_start3A_1322 = tpu.memref_squeeze %dma_start3A_1321 : memref<1x200xi32, #tpu.memory_space<hbm>> -> memref<200xi32, #tpu.memory_space<hbm>>
      tpu.enqueue_dma source(%dma_start3A_1322 : memref<200xi32, #tpu.memory_space<hbm>>) target(%dma_start3A_1319 : memref<200xi32, #tpu.memory_space<vmem>>) target_semaphore(%dma_start3A_1316 : memref<!tpu.dma_semaphore, #tpu.memory_space<semaphore_mem>>)
      %dma_wait3A_1323 = arith.constant 6 : i32
      %dma_wait3A_1324 = arith.constant 6 : i32
      %dma_wait3A_1325 = arith.constant 0 : i32
      %dma_wait3A_1326 = arith.constant 0 : i32
      %dma_wait3A_1327 = tpu.memref_slice %arg6[%dma_wait3A_1323, %dma_wait3A_1325, %dma_wait3A_1326] : memref<8x200x64xf32, #tpu.memory_space<vmem>> -> memref<1x128x64xf32, #tpu.memory_space<vmem>>
      %dma_wait3A_1328 = tpu.memref_squeeze %dma_wait3A_1327 : memref<1x128x64xf32, #tpu.memory_space<vmem>> -> memref<128x64xf32, #tpu.memory_space<vmem>>
      %dma_wait3A_1329 = arith.constant 0 : i32
      %dma_wait3A_1330 = arith.constant 0 : i32
      %dma_wait3A_1331 = tpu.memref_slice %arg3[%dma_wait3A_1329, %dma_wait3A_1330] : memref<1000000x64xf32, #tpu.memory_space<hbm>> -> memref<128x64xf32, #tpu.memory_space<hbm>>
      %dma_wait3A_1332 = tpu.memref_slice %arg8[%dma_wait3A_1324] : memref<8x!tpu.dma_semaphore, #tpu.memory_space<semaphore_mem>> -> memref<1x!tpu.dma_semaphore, #tpu.memory_space<semaphore_mem>>
      %dma_wait3A_1333 = tpu.memref_squeeze %dma_wait3A_1332 : memref<1x!tpu.dma_semaphore, #tpu.memory_space<semaphore_mem>> -> memref<!tpu.dma_semaphore, #tpu.memory_space<semaphore_mem>>
      %dma_wait3A_1334 = arith.constant 0 : i32
      %dma_wait3A_1335 = arith.constant 0 : i32
      %dma_wait3A_1336 = tpu.memref_slice %arg6[%dma_wait3A_1323, %dma_wait3A_1334, %dma_wait3A_1335] : memref<8x200x64xf32, #tpu.memory_space<vmem>> -> memref<1x128x64xf32, #tpu.memory_space<vmem>>
      %dma_wait3A_1337 = tpu.memref_squeeze %dma_wait3A_1336 : memref<1x128x64xf32, #tpu.memory_space<vmem>> -> memref<128x64xf32, #tpu.memory_space<vmem>>
      %dma_wait3A_1338 = arith.constant 0 : i32
      %dma_wait3A_1339 = arith.constant 0 : i32
      %dma_wait3A_1340 = tpu.memref_slice %arg3[%dma_wait3A_1338, %dma_wait3A_1339] : memref<1000000x64xf32, #tpu.memory_space<hbm>> -> memref<128x64xf32, #tpu.memory_space<hbm>>
      tpu.wait_dma2 semaphore(%dma_wait3A_1333 : memref<!tpu.dma_semaphore, #tpu.memory_space<semaphore_mem>>) src(%dma_wait3A_1340 : memref<128x64xf32, #tpu.memory_space<hbm>>) dst(%dma_wait3A_1337 : memref<128x64xf32, #tpu.memory_space<vmem>>)
      %dma_wait3A_1341 = arith.constant 6 : i32
      %dma_wait3A_1342 = arith.constant 6 : i32
      %dma_wait3A_1343 = arith.constant 128 : i32
      %dma_wait3A_1344 = arith.constant 0 : i32
      %dma_wait3A_1345 = tpu.memref_slice %arg6[%dma_wait3A_1341, %dma_wait3A_1343, %dma_wait3A_1344] : memref<8x200x64xf32, #tpu.memory_space<vmem>> -> memref<1x72x64xf32, #tpu.memory_space<vmem>>
      %dma_wait3A_1346 = tpu.memref_squeeze %dma_wait3A_1345 : memref<1x72x64xf32, #tpu.memory_space<vmem>> -> memref<72x64xf32, #tpu.memory_space<vmem>>
      %dma_wait3A_1347 = arith.constant 0 : i32
      %dma_wait3A_1348 = arith.constant 0 : i32
      %dma_wait3A_1349 = tpu.memref_slice %arg3[%dma_wait3A_1347, %dma_wait3A_1348] : memref<1000000x64xf32, #tpu.memory_space<hbm>> -> memref<72x64xf32, #tpu.memory_space<hbm>>
      %dma_wait3A_1350 = tpu.memref_slice %arg8[%dma_wait3A_1342] : memref<8x!tpu.dma_semaphore, #tpu.memory_space<semaphore_mem>> -> memref<1x!tpu.dma_semaphore, #tpu.memory_space<semaphore_mem>>
      %dma_wait3A_1351 = tpu.memref_squeeze %dma_wait3A_1350 : memref<1x!tpu.dma_semaphore, #tpu.memory_space<semaphore_mem>> -> memref<!tpu.dma_semaphore, #tpu.memory_space<semaphore_mem>>
      %dma_wait3A_1352 = arith.constant 128 : i32
      %dma_wait3A_1353 = arith.constant 0 : i32
      %dma_wait3A_1354 = tpu.memref_slice %arg6[%dma_wait3A_1341, %dma_wait3A_1352, %dma_wait3A_1353] : memref<8x200x64xf32, #tpu.memory_space<vmem>> -> memref<1x72x64xf32, #tpu.memory_space<vmem>>
      %dma_wait3A_1355 = tpu.memref_squeeze %dma_wait3A_1354 : memref<1x72x64xf32, #tpu.memory_space<vmem>> -> memref<72x64xf32, #tpu.memory_space<vmem>>
      %dma_wait3A_1356 = arith.constant 0 : i32
      %dma_wait3A_1357 = arith.constant 0 : i32
      %dma_wait3A_1358 = tpu.memref_slice %arg3[%dma_wait3A_1356, %dma_wait3A_1357] : memref<1000000x64xf32, #tpu.memory_space<hbm>> -> memref<72x64xf32, #tpu.memory_space<hbm>>
      tpu.wait_dma2 semaphore(%dma_wait3A_1351 : memref<!tpu.dma_semaphore, #tpu.memory_space<semaphore_mem>>) src(%dma_wait3A_1358 : memref<72x64xf32, #tpu.memory_space<hbm>>) dst(%dma_wait3A_1355 : memref<72x64xf32, #tpu.memory_space<vmem>>)
      %add3A_1359 = arith.constant 6 : i32
      %add3A_1360 = arith.addi %add3A_444, %add3A_1359 : i32
      %dma_start3A_1361 = arith.constant 6 : i32
      %dma_start3A_1362 = arith.constant 6 : i32
      %dma_start3A_1363 = arith.constant 0 : i32
      %dma_start3A_1364 = arith.constant 0 : i32
      %dma_start3A_1365 = tpu.memref_slice %arg6[%dma_start3A_1361, %dma_start3A_1363, %dma_start3A_1364] : memref<8x200x64xf32, #tpu.memory_space<vmem>> -> memref<1x200x64xf32, #tpu.memory_space<vmem>>
      %dma_start3A_1366 = tpu.memref_squeeze %dma_start3A_1365 : memref<1x200x64xf32, #tpu.memory_space<vmem>> -> memref<200x64xf32, #tpu.memory_space<vmem>>
      %dma_start3A_1367 = arith.constant 0 : i32
      %dma_start3A_1368 = arith.constant 0 : i32
      %dma_start3A_1369 = tpu.memref_slice %arg4[%add3A_1360, %dma_start3A_1367, %dma_start3A_1368] : memref<4096x200x64xf32, #tpu.memory_space<hbm>> -> memref<1x200x64xf32, #tpu.memory_space<hbm>>
      %dma_start3A_1370 = tpu.memref_squeeze %dma_start3A_1369 : memref<1x200x64xf32, #tpu.memory_space<hbm>> -> memref<200x64xf32, #tpu.memory_space<hbm>>
      %dma_start3A_1371 = tpu.memref_slice %arg9[%dma_start3A_1362] : memref<8x!tpu.dma_semaphore, #tpu.memory_space<semaphore_mem>> -> memref<1x!tpu.dma_semaphore, #tpu.memory_space<semaphore_mem>>
      %dma_start3A_1372 = tpu.memref_squeeze %dma_start3A_1371 : memref<1x!tpu.dma_semaphore, #tpu.memory_space<semaphore_mem>> -> memref<!tpu.dma_semaphore, #tpu.memory_space<semaphore_mem>>
      %dma_start3A_1373 = arith.constant 0 : i32
      %dma_start3A_1374 = arith.constant 0 : i32
      %dma_start3A_1375 = tpu.memref_slice %arg4[%add3A_1360, %dma_start3A_1373, %dma_start3A_1374] : memref<4096x200x64xf32, #tpu.memory_space<hbm>> -> memref<1x200x64xf32, #tpu.memory_space<hbm>>
      %dma_start3A_1376 = tpu.memref_squeeze %dma_start3A_1375 : memref<1x200x64xf32, #tpu.memory_space<hbm>> -> memref<200x64xf32, #tpu.memory_space<hbm>>
      %dma_start3A_1377 = arith.constant 0 : i32
      %dma_start3A_1378 = arith.constant 0 : i32
      %dma_start3A_1379 = tpu.memref_slice %arg6[%dma_start3A_1361, %dma_start3A_1377, %dma_start3A_1378] : memref<8x200x64xf32, #tpu.memory_space<vmem>> -> memref<1x200x64xf32, #tpu.memory_space<vmem>>
      %dma_start3A_1380 = tpu.memref_squeeze %dma_start3A_1379 : memref<1x200x64xf32, #tpu.memory_space<vmem>> -> memref<200x64xf32, #tpu.memory_space<vmem>>
      tpu.enqueue_dma source(%dma_start3A_1380 : memref<200x64xf32, #tpu.memory_space<vmem>>) target(%dma_start3A_1376 : memref<200x64xf32, #tpu.memory_space<hbm>>) target_semaphore(%dma_start3A_1372 : memref<!tpu.dma_semaphore, #tpu.memory_space<semaphore_mem>>)
      %add3A_1381 = arith.constant 8 : i32
      %add3A_1382 = arith.addi %add3A_444, %add3A_1381 : i32
      %min3A_1383 = arith.minsi %add3A_1382, %sub3A_5 : i32
      %add3A_1384 = arith.constant 6 : i32
      %add3A_1385 = arith.addi %min3A_1383, %add3A_1384 : i32
      %dma_start3A_1386 = arith.constant 6 : i32
      %dma_start3A_1387 = arith.constant 6 : i32
      %dma_start3A_1388 = arith.constant 0 : i32
      %dma_start3A_1389 = tpu.memref_slice %arg5[%dma_start3A_1386, %dma_start3A_1388] : memref<8x200xi32, #tpu.memory_space<vmem>> -> memref<1x200xi32, #tpu.memory_space<vmem>>
      %dma_start3A_1390 = tpu.memref_squeeze %dma_start3A_1389 : memref<1x200xi32, #tpu.memory_space<vmem>> -> memref<200xi32, #tpu.memory_space<vmem>>
      %dma_start3A_1391 = arith.constant 0 : i32
      %dma_start3A_1392 = tpu.memref_slice %arg2[%add3A_1385, %dma_start3A_1391] : memref<4096x200xi32, #tpu.memory_space<hbm>> -> memref<1x200xi32, #tpu.memory_space<hbm>>
      %dma_start3A_1393 = tpu.memref_squeeze %dma_start3A_1392 : memref<1x200xi32, #tpu.memory_space<hbm>> -> memref<200xi32, #tpu.memory_space<hbm>>
      %dma_start3A_1394 = tpu.memref_slice %arg7[%dma_start3A_1387] : memref<8x!tpu.dma_semaphore, #tpu.memory_space<semaphore_mem>> -> memref<1x!tpu.dma_semaphore, #tpu.memory_space<semaphore_mem>>
      %dma_start3A_1395 = tpu.memref_squeeze %dma_start3A_1394 : memref<1x!tpu.dma_semaphore, #tpu.memory_space<semaphore_mem>> -> memref<!tpu.dma_semaphore, #tpu.memory_space<semaphore_mem>>
      %dma_start3A_1396 = arith.constant 0 : i32
      %dma_start3A_1397 = tpu.memref_slice %arg5[%dma_start3A_1386, %dma_start3A_1396] : memref<8x200xi32, #tpu.memory_space<vmem>> -> memref<1x200xi32, #tpu.memory_space<vmem>>
      %dma_start3A_1398 = tpu.memref_squeeze %dma_start3A_1397 : memref<1x200xi32, #tpu.memory_space<vmem>> -> memref<200xi32, #tpu.memory_space<vmem>>
      %dma_start3A_1399 = arith.constant 0 : i32
      %dma_start3A_1400 = tpu.memref_slice %arg2[%add3A_1385, %dma_start3A_1399] : memref<4096x200xi32, #tpu.memory_space<hbm>> -> memref<1x200xi32, #tpu.memory_space<hbm>>
      %dma_start3A_1401 = tpu.memref_squeeze %dma_start3A_1400 : memref<1x200xi32, #tpu.memory_space<hbm>> -> memref<200xi32, #tpu.memory_space<hbm>>
      tpu.enqueue_dma source(%dma_start3A_1401 : memref<200xi32, #tpu.memory_space<hbm>>) target(%dma_start3A_1398 : memref<200xi32, #tpu.memory_space<vmem>>) target_semaphore(%dma_start3A_1395 : memref<!tpu.dma_semaphore, #tpu.memory_space<semaphore_mem>>)
      %dma_wait3A_1402 = arith.constant 7 : i32
      %dma_wait3A_1403 = arith.constant 7 : i32
      %dma_wait3A_1404 = arith.constant 0 : i32
      %dma_wait3A_1405 = arith.constant 0 : i32
      %dma_wait3A_1406 = tpu.memref_slice %arg6[%dma_wait3A_1402, %dma_wait3A_1404, %dma_wait3A_1405] : memref<8x200x64xf32, #tpu.memory_space<vmem>> -> memref<1x128x64xf32, #tpu.memory_space<vmem>>
      %dma_wait3A_1407 = tpu.memref_squeeze %dma_wait3A_1406 : memref<1x128x64xf32, #tpu.memory_space<vmem>> -> memref<128x64xf32, #tpu.memory_space<vmem>>
      %dma_wait3A_1408 = arith.constant 0 : i32
      %dma_wait3A_1409 = arith.constant 0 : i32
      %dma_wait3A_1410 = tpu.memref_slice %arg3[%dma_wait3A_1408, %dma_wait3A_1409] : memref<1000000x64xf32, #tpu.memory_space<hbm>> -> memref<128x64xf32, #tpu.memory_space<hbm>>
      %dma_wait3A_1411 = tpu.memref_slice %arg8[%dma_wait3A_1403] : memref<8x!tpu.dma_semaphore, #tpu.memory_space<semaphore_mem>> -> memref<1x!tpu.dma_semaphore, #tpu.memory_space<semaphore_mem>>
      %dma_wait3A_1412 = tpu.memref_squeeze %dma_wait3A_1411 : memref<1x!tpu.dma_semaphore, #tpu.memory_space<semaphore_mem>> -> memref<!tpu.dma_semaphore, #tpu.memory_space<semaphore_mem>>
      %dma_wait3A_1413 = arith.constant 0 : i32
      %dma_wait3A_1414 = arith.constant 0 : i32
      %dma_wait3A_1415 = tpu.memref_slice %arg6[%dma_wait3A_1402, %dma_wait3A_1413, %dma_wait3A_1414] : memref<8x200x64xf32, #tpu.memory_space<vmem>> -> memref<1x128x64xf32, #tpu.memory_space<vmem>>
      %dma_wait3A_1416 = tpu.memref_squeeze %dma_wait3A_1415 : memref<1x128x64xf32, #tpu.memory_space<vmem>> -> memref<128x64xf32, #tpu.memory_space<vmem>>
      %dma_wait3A_1417 = arith.constant 0 : i32
      %dma_wait3A_1418 = arith.constant 0 : i32
      %dma_wait3A_1419 = tpu.memref_slice %arg3[%dma_wait3A_1417, %dma_wait3A_1418] : memref<1000000x64xf32, #tpu.memory_space<hbm>> -> memref<128x64xf32, #tpu.memory_space<hbm>>
      tpu.wait_dma2 semaphore(%dma_wait3A_1412 : memref<!tpu.dma_semaphore, #tpu.memory_space<semaphore_mem>>) src(%dma_wait3A_1419 : memref<128x64xf32, #tpu.memory_space<hbm>>) dst(%dma_wait3A_1416 : memref<128x64xf32, #tpu.memory_space<vmem>>)
      %dma_wait3A_1420 = arith.constant 7 : i32
      %dma_wait3A_1421 = arith.constant 7 : i32
      %dma_wait3A_1422 = arith.constant 128 : i32
      %dma_wait3A_1423 = arith.constant 0 : i32
      %dma_wait3A_1424 = tpu.memref_slice %arg6[%dma_wait3A_1420, %dma_wait3A_1422, %dma_wait3A_1423] : memref<8x200x64xf32, #tpu.memory_space<vmem>> -> memref<1x72x64xf32, #tpu.memory_space<vmem>>
      %dma_wait3A_1425 = tpu.memref_squeeze %dma_wait3A_1424 : memref<1x72x64xf32, #tpu.memory_space<vmem>> -> memref<72x64xf32, #tpu.memory_space<vmem>>
      %dma_wait3A_1426 = arith.constant 0 : i32
      %dma_wait3A_1427 = arith.constant 0 : i32
      %dma_wait3A_1428 = tpu.memref_slice %arg3[%dma_wait3A_1426, %dma_wait3A_1427] : memref<1000000x64xf32, #tpu.memory_space<hbm>> -> memref<72x64xf32, #tpu.memory_space<hbm>>
      %dma_wait3A_1429 = tpu.memref_slice %arg8[%dma_wait3A_1421] : memref<8x!tpu.dma_semaphore, #tpu.memory_space<semaphore_mem>> -> memref<1x!tpu.dma_semaphore, #tpu.memory_space<semaphore_mem>>
      %dma_wait3A_1430 = tpu.memref_squeeze %dma_wait3A_1429 : memref<1x!tpu.dma_semaphore, #tpu.memory_space<semaphore_mem>> -> memref<!tpu.dma_semaphore, #tpu.memory_space<semaphore_mem>>
      %dma_wait3A_1431 = arith.constant 128 : i32
      %dma_wait3A_1432 = arith.constant 0 : i32
      %dma_wait3A_1433 = tpu.memref_slice %arg6[%dma_wait3A_1420, %dma_wait3A_1431, %dma_wait3A_1432] : memref<8x200x64xf32, #tpu.memory_space<vmem>> -> memref<1x72x64xf32, #tpu.memory_space<vmem>>
      %dma_wait3A_1434 = tpu.memref_squeeze %dma_wait3A_1433 : memref<1x72x64xf32, #tpu.memory_space<vmem>> -> memref<72x64xf32, #tpu.memory_space<vmem>>
      %dma_wait3A_1435 = arith.constant 0 : i32
      %dma_wait3A_1436 = arith.constant 0 : i32
      %dma_wait3A_1437 = tpu.memref_slice %arg3[%dma_wait3A_1435, %dma_wait3A_1436] : memref<1000000x64xf32, #tpu.memory_space<hbm>> -> memref<72x64xf32, #tpu.memory_space<hbm>>
      tpu.wait_dma2 semaphore(%dma_wait3A_1430 : memref<!tpu.dma_semaphore, #tpu.memory_space<semaphore_mem>>) src(%dma_wait3A_1437 : memref<72x64xf32, #tpu.memory_space<hbm>>) dst(%dma_wait3A_1434 : memref<72x64xf32, #tpu.memory_space<vmem>>)
      %add3A_1438 = arith.constant 7 : i32
      %add3A_1439 = arith.addi %add3A_444, %add3A_1438 : i32
      %dma_start3A_1440 = arith.constant 7 : i32
      %dma_start3A_1441 = arith.constant 7 : i32
      %dma_start3A_1442 = arith.constant 0 : i32
      %dma_start3A_1443 = arith.constant 0 : i32
      %dma_start3A_1444 = tpu.memref_slice %arg6[%dma_start3A_1440, %dma_start3A_1442, %dma_start3A_1443] : memref<8x200x64xf32, #tpu.memory_space<vmem>> -> memref<1x200x64xf32, #tpu.memory_space<vmem>>
      %dma_start3A_1445 = tpu.memref_squeeze %dma_start3A_1444 : memref<1x200x64xf32, #tpu.memory_space<vmem>> -> memref<200x64xf32, #tpu.memory_space<vmem>>
      %dma_start3A_1446 = arith.constant 0 : i32
      %dma_start3A_1447 = arith.constant 0 : i32
      %dma_start3A_1448 = tpu.memref_slice %arg4[%add3A_1439, %dma_start3A_1446, %dma_start3A_1447] : memref<4096x200x64xf32, #tpu.memory_space<hbm>> -> memref<1x200x64xf32, #tpu.memory_space<hbm>>
      %dma_start3A_1449 = tpu.memref_squeeze %dma_start3A_1448 : memref<1x200x64xf32, #tpu.memory_space<hbm>> -> memref<200x64xf32, #tpu.memory_space<hbm>>
      %dma_start3A_1450 = tpu.memref_slice %arg9[%dma_start3A_1441] : memref<8x!tpu.dma_semaphore, #tpu.memory_space<semaphore_mem>> -> memref<1x!tpu.dma_semaphore, #tpu.memory_space<semaphore_mem>>
      %dma_start3A_1451 = tpu.memref_squeeze %dma_start3A_1450 : memref<1x!tpu.dma_semaphore, #tpu.memory_space<semaphore_mem>> -> memref<!tpu.dma_semaphore, #tpu.memory_space<semaphore_mem>>
      %dma_start3A_1452 = arith.constant 0 : i32
      %dma_start3A_1453 = arith.constant 0 : i32
      %dma_start3A_1454 = tpu.memref_slice %arg4[%add3A_1439, %dma_start3A_1452, %dma_start3A_1453] : memref<4096x200x64xf32, #tpu.memory_space<hbm>> -> memref<1x200x64xf32, #tpu.memory_space<hbm>>
      %dma_start3A_1455 = tpu.memref_squeeze %dma_start3A_1454 : memref<1x200x64xf32, #tpu.memory_space<hbm>> -> memref<200x64xf32, #tpu.memory_space<hbm>>
      %dma_start3A_1456 = arith.constant 0 : i32
      %dma_start3A_1457 = arith.constant 0 : i32
      %dma_start3A_1458 = tpu.memref_slice %arg6[%dma_start3A_1440, %dma_start3A_1456, %dma_start3A_1457] : memref<8x200x64xf32, #tpu.memory_space<vmem>> -> memref<1x200x64xf32, #tpu.memory_space<vmem>>
      %dma_start3A_1459 = tpu.memref_squeeze %dma_start3A_1458 : memref<1x200x64xf32, #tpu.memory_space<vmem>> -> memref<200x64xf32, #tpu.memory_space<vmem>>
      tpu.enqueue_dma source(%dma_start3A_1459 : memref<200x64xf32, #tpu.memory_space<vmem>>) target(%dma_start3A_1455 : memref<200x64xf32, #tpu.memory_space<hbm>>) target_semaphore(%dma_start3A_1451 : memref<!tpu.dma_semaphore, #tpu.memory_space<semaphore_mem>>)
      %add3A_1460 = arith.constant 8 : i32
      %add3A_1461 = arith.addi %add3A_444, %add3A_1460 : i32
      %min3A_1462 = arith.minsi %add3A_1461, %sub3A_5 : i32
      %add3A_1463 = arith.constant 7 : i32
      %add3A_1464 = arith.addi %min3A_1462, %add3A_1463 : i32
      %dma_start3A_1465 = arith.constant 7 : i32
      %dma_start3A_1466 = arith.constant 7 : i32
      %dma_start3A_1467 = arith.constant 0 : i32
      %dma_start3A_1468 = tpu.memref_slice %arg5[%dma_start3A_1465, %dma_start3A_1467] : memref<8x200xi32, #tpu.memory_space<vmem>> -> memref<1x200xi32, #tpu.memory_space<vmem>>
      %dma_start3A_1469 = tpu.memref_squeeze %dma_start3A_1468 : memref<1x200xi32, #tpu.memory_space<vmem>> -> memref<200xi32, #tpu.memory_space<vmem>>
      %dma_start3A_1470 = arith.constant 0 : i32
      %dma_start3A_1471 = tpu.memref_slice %arg2[%add3A_1464, %dma_start3A_1470] : memref<4096x200xi32, #tpu.memory_space<hbm>> -> memref<1x200xi32, #tpu.memory_space<hbm>>
      %dma_start3A_1472 = tpu.memref_squeeze %dma_start3A_1471 : memref<1x200xi32, #tpu.memory_space<hbm>> -> memref<200xi32, #tpu.memory_space<hbm>>
      %dma_start3A_1473 = tpu.memref_slice %arg7[%dma_start3A_1466] : memref<8x!tpu.dma_semaphore, #tpu.memory_space<semaphore_mem>> -> memref<1x!tpu.dma_semaphore, #tpu.memory_space<semaphore_mem>>
      %dma_start3A_1474 = tpu.memref_squeeze %dma_start3A_1473 : memref<1x!tpu.dma_semaphore, #tpu.memory_space<semaphore_mem>> -> memref<!tpu.dma_semaphore, #tpu.memory_space<semaphore_mem>>
      %dma_start3A_1475 = arith.constant 0 : i32
      %dma_start3A_1476 = tpu.memref_slice %arg5[%dma_start3A_1465, %dma_start3A_1475] : memref<8x200xi32, #tpu.memory_space<vmem>> -> memref<1x200xi32, #tpu.memory_space<vmem>>
      %dma_start3A_1477 = tpu.memref_squeeze %dma_start3A_1476 : memref<1x200xi32, #tpu.memory_space<vmem>> -> memref<200xi32, #tpu.memory_space<vmem>>
      %dma_start3A_1478 = arith.constant 0 : i32
      %dma_start3A_1479 = tpu.memref_slice %arg2[%add3A_1464, %dma_start3A_1478] : memref<4096x200xi32, #tpu.memory_space<hbm>> -> memref<1x200xi32, #tpu.memory_space<hbm>>
      %dma_start3A_1480 = tpu.memref_squeeze %dma_start3A_1479 : memref<1x200xi32, #tpu.memory_space<hbm>> -> memref<200xi32, #tpu.memory_space<hbm>>
      tpu.enqueue_dma source(%dma_start3A_1480 : memref<200xi32, #tpu.memory_space<hbm>>) target(%dma_start3A_1477 : memref<200xi32, #tpu.memory_space<vmem>>) target_semaphore(%dma_start3A_1474 : memref<!tpu.dma_semaphore, #tpu.memory_space<semaphore_mem>>)
    }
    %scan3A_153 = arith.constant 16 : i32
    %dma_wait3A = arith.constant 0 : i32
    %dma_wait3A_154 = arith.constant 0 : i32
    %dma_wait3A_155 = arith.constant 0 : i32
    %dma_wait3A_156 = arith.constant 0 : i32
    %dma_wait3A_157 = tpu.memref_slice %arg6[%dma_wait3A, %dma_wait3A_155, %dma_wait3A_156] : memref<8x200x64xf32, #tpu.memory_space<vmem>> -> memref<1x200x64xf32, #tpu.memory_space<vmem>>
    %dma_wait3A_158 = tpu.memref_squeeze %dma_wait3A_157 : memref<1x200x64xf32, #tpu.memory_space<vmem>> -> memref<200x64xf32, #tpu.memory_space<vmem>>
    %dma_wait3A_159 = arith.constant 0 : i32
    %dma_wait3A_160 = arith.constant 0 : i32
    %dma_wait3A_161 = tpu.memref_slice %arg4[%mul3A_2, %dma_wait3A_159, %dma_wait3A_160] : memref<4096x200x64xf32, #tpu.memory_space<hbm>> -> memref<1x200x64xf32, #tpu.memory_space<hbm>>
    %dma_wait3A_162 = tpu.memref_squeeze %dma_wait3A_161 : memref<1x200x64xf32, #tpu.memory_space<hbm>> -> memref<200x64xf32, #tpu.memory_space<hbm>>
    %dma_wait3A_163 = tpu.memref_slice %arg9[%dma_wait3A_154] : memref<8x!tpu.dma_semaphore, #tpu.memory_space<semaphore_mem>> -> memref<1x!tpu.dma_semaphore, #tpu.memory_space<semaphore_mem>>
    %dma_wait3A_164 = tpu.memref_squeeze %dma_wait3A_163 : memref<1x!tpu.dma_semaphore, #tpu.memory_space<semaphore_mem>> -> memref<!tpu.dma_semaphore, #tpu.memory_space<semaphore_mem>>
    %dma_wait3A_165 = arith.constant 0 : i32
    %dma_wait3A_166 = arith.constant 0 : i32
    %dma_wait3A_167 = tpu.memref_slice %arg4[%mul3A_2, %dma_wait3A_165, %dma_wait3A_166] : memref<4096x200x64xf32, #tpu.memory_space<hbm>> -> memref<1x200x64xf32, #tpu.memory_space<hbm>>
    %dma_wait3A_168 = tpu.memref_squeeze %dma_wait3A_167 : memref<1x200x64xf32, #tpu.memory_space<hbm>> -> memref<200x64xf32, #tpu.memory_space<hbm>>
    %dma_wait3A_169 = arith.constant 0 : i32
    %dma_wait3A_170 = arith.constant 0 : i32
    %dma_wait3A_171 = tpu.memref_slice %arg6[%dma_wait3A, %dma_wait3A_169, %dma_wait3A_170] : memref<8x200x64xf32, #tpu.memory_space<vmem>> -> memref<1x200x64xf32, #tpu.memory_space<vmem>>
    %dma_wait3A_172 = tpu.memref_squeeze %dma_wait3A_171 : memref<1x200x64xf32, #tpu.memory_space<vmem>> -> memref<200x64xf32, #tpu.memory_space<vmem>>
    tpu.wait_dma2 semaphore(%dma_wait3A_164 : memref<!tpu.dma_semaphore, #tpu.memory_space<semaphore_mem>>) src(%dma_wait3A_172 : memref<200x64xf32, #tpu.memory_space<vmem>>) dst(%dma_wait3A_168 : memref<200x64xf32, #tpu.memory_space<hbm>>)
    %dma_wait3A_173 = arith.constant 0 : i32
    %dma_wait3A_174 = arith.constant 0 : i32
    %dma_wait3A_175 = arith.constant 0 : i32
    %dma_wait3A_176 = tpu.memref_slice %arg5[%dma_wait3A_173, %dma_wait3A_175] : memref<8x200xi32, #tpu.memory_space<vmem>> -> memref<1x200xi32, #tpu.memory_space<vmem>>
    %dma_wait3A_177 = tpu.memref_squeeze %dma_wait3A_176 : memref<1x200xi32, #tpu.memory_space<vmem>> -> memref<200xi32, #tpu.memory_space<vmem>>
    %dma_wait3A_178 = arith.constant 0 : i32
    %dma_wait3A_179 = tpu.memref_slice %arg2[%mul3A_2, %dma_wait3A_178] : memref<4096x200xi32, #tpu.memory_space<hbm>> -> memref<1x200xi32, #tpu.memory_space<hbm>>
    %dma_wait3A_180 = tpu.memref_squeeze %dma_wait3A_179 : memref<1x200xi32, #tpu.memory_space<hbm>> -> memref<200xi32, #tpu.memory_space<hbm>>
    %dma_wait3A_181 = tpu.memref_slice %arg7[%dma_wait3A_174] : memref<8x!tpu.dma_semaphore, #tpu.memory_space<semaphore_mem>> -> memref<1x!tpu.dma_semaphore, #tpu.memory_space<semaphore_mem>>
    %dma_wait3A_182 = tpu.memref_squeeze %dma_wait3A_181 : memref<1x!tpu.dma_semaphore, #tpu.memory_space<semaphore_mem>> -> memref<!tpu.dma_semaphore, #tpu.memory_space<semaphore_mem>>
    %dma_wait3A_183 = arith.constant 0 : i32
    %dma_wait3A_184 = tpu.memref_slice %arg5[%dma_wait3A_173, %dma_wait3A_183] : memref<8x200xi32, #tpu.memory_space<vmem>> -> memref<1x200xi32, #tpu.memory_space<vmem>>
    %dma_wait3A_185 = tpu.memref_squeeze %dma_wait3A_184 : memref<1x200xi32, #tpu.memory_space<vmem>> -> memref<200xi32, #tpu.memory_space<vmem>>
    %dma_wait3A_186 = arith.constant 0 : i32
    %dma_wait3A_187 = tpu.memref_slice %arg2[%mul3A_2, %dma_wait3A_186] : memref<4096x200xi32, #tpu.memory_space<hbm>> -> memref<1x200xi32, #tpu.memory_space<hbm>>
    %dma_wait3A_188 = tpu.memref_squeeze %dma_wait3A_187 : memref<1x200xi32, #tpu.memory_space<hbm>> -> memref<200xi32, #tpu.memory_space<hbm>>
    tpu.wait_dma2 semaphore(%dma_wait3A_182 : memref<!tpu.dma_semaphore, #tpu.memory_space<semaphore_mem>>) src(%dma_wait3A_188 : memref<200xi32, #tpu.memory_space<hbm>>) dst(%dma_wait3A_185 : memref<200xi32, #tpu.memory_space<vmem>>)
    %dma_wait3A_189 = arith.constant 1 : i32
    %dma_wait3A_190 = arith.constant 1 : i32
    %dma_wait3A_191 = arith.constant 0 : i32
    %dma_wait3A_192 = arith.constant 0 : i32
    %dma_wait3A_193 = tpu.memref_slice %arg6[%dma_wait3A_189, %dma_wait3A_191, %dma_wait3A_192] : memref<8x200x64xf32, #tpu.memory_space<vmem>> -> memref<1x200x64xf32, #tpu.memory_space<vmem>>
    %dma_wait3A_194 = tpu.memref_squeeze %dma_wait3A_193 : memref<1x200x64xf32, #tpu.memory_space<vmem>> -> memref<200x64xf32, #tpu.memory_space<vmem>>
    %dma_wait3A_195 = arith.constant 0 : i32
    %dma_wait3A_196 = arith.constant 0 : i32
    %dma_wait3A_197 = tpu.memref_slice %arg4[%mul3A_2, %dma_wait3A_195, %dma_wait3A_196] : memref<4096x200x64xf32, #tpu.memory_space<hbm>> -> memref<1x200x64xf32, #tpu.memory_space<hbm>>
    %dma_wait3A_198 = tpu.memref_squeeze %dma_wait3A_197 : memref<1x200x64xf32, #tpu.memory_space<hbm>> -> memref<200x64xf32, #tpu.memory_space<hbm>>
    %dma_wait3A_199 = tpu.memref_slice %arg9[%dma_wait3A_190] : memref<8x!tpu.dma_semaphore, #tpu.memory_space<semaphore_mem>> -> memref<1x!tpu.dma_semaphore, #tpu.memory_space<semaphore_mem>>
    %dma_wait3A_200 = tpu.memref_squeeze %dma_wait3A_199 : memref<1x!tpu.dma_semaphore, #tpu.memory_space<semaphore_mem>> -> memref<!tpu.dma_semaphore, #tpu.memory_space<semaphore_mem>>
    %dma_wait3A_201 = arith.constant 0 : i32
    %dma_wait3A_202 = arith.constant 0 : i32
    %dma_wait3A_203 = tpu.memref_slice %arg4[%mul3A_2, %dma_wait3A_201, %dma_wait3A_202] : memref<4096x200x64xf32, #tpu.memory_space<hbm>> -> memref<1x200x64xf32, #tpu.memory_space<hbm>>
    %dma_wait3A_204 = tpu.memref_squeeze %dma_wait3A_203 : memref<1x200x64xf32, #tpu.memory_space<hbm>> -> memref<200x64xf32, #tpu.memory_space<hbm>>
    %dma_wait3A_205 = arith.constant 0 : i32
    %dma_wait3A_206 = arith.constant 0 : i32
    %dma_wait3A_207 = tpu.memref_slice %arg6[%dma_wait3A_189, %dma_wait3A_205, %dma_wait3A_206] : memref<8x200x64xf32, #tpu.memory_space<vmem>> -> memref<1x200x64xf32, #tpu.memory_space<vmem>>
    %dma_wait3A_208 = tpu.memref_squeeze %dma_wait3A_207 : memref<1x200x64xf32, #tpu.memory_space<vmem>> -> memref<200x64xf32, #tpu.memory_space<vmem>>
    tpu.wait_dma2 semaphore(%dma_wait3A_200 : memref<!tpu.dma_semaphore, #tpu.memory_space<semaphore_mem>>) src(%dma_wait3A_208 : memref<200x64xf32, #tpu.memory_space<vmem>>) dst(%dma_wait3A_204 : memref<200x64xf32, #tpu.memory_space<hbm>>)
    %dma_wait3A_209 = arith.constant 1 : i32
    %dma_wait3A_210 = arith.constant 1 : i32
    %dma_wait3A_211 = arith.constant 0 : i32
    %dma_wait3A_212 = tpu.memref_slice %arg5[%dma_wait3A_209, %dma_wait3A_211] : memref<8x200xi32, #tpu.memory_space<vmem>> -> memref<1x200xi32, #tpu.memory_space<vmem>>
    %dma_wait3A_213 = tpu.memref_squeeze %dma_wait3A_212 : memref<1x200xi32, #tpu.memory_space<vmem>> -> memref<200xi32, #tpu.memory_space<vmem>>
    %dma_wait3A_214 = arith.constant 0 : i32
    %dma_wait3A_215 = tpu.memref_slice %arg2[%mul3A_2, %dma_wait3A_214] : memref<4096x200xi32, #tpu.memory_space<hbm>> -> memref<1x200xi32, #tpu.memory_space<hbm>>
    %dma_wait3A_216 = tpu.memref_squeeze %dma_wait3A_215 : memref<1x200xi32, #tpu.memory_space<hbm>> -> memref<200xi32, #tpu.memory_space<hbm>>
    %dma_wait3A_217 = tpu.memref_slice %arg7[%dma_wait3A_210] : memref<8x!tpu.dma_semaphore, #tpu.memory_space<semaphore_mem>> -> memref<1x!tpu.dma_semaphore, #tpu.memory_space<semaphore_mem>>
    %dma_wait3A_218 = tpu.memref_squeeze %dma_wait3A_217 : memref<1x!tpu.dma_semaphore, #tpu.memory_space<semaphore_mem>> -> memref<!tpu.dma_semaphore, #tpu.memory_space<semaphore_mem>>
    %dma_wait3A_219 = arith.constant 0 : i32
    %dma_wait3A_220 = tpu.memref_slice %arg5[%dma_wait3A_209, %dma_wait3A_219] : memref<8x200xi32, #tpu.memory_space<vmem>> -> memref<1x200xi32, #tpu.memory_space<vmem>>
    %dma_wait3A_221 = tpu.memref_squeeze %dma_wait3A_220 : memref<1x200xi32, #tpu.memory_space<vmem>> -> memref<200xi32, #tpu.memory_space<vmem>>
    %dma_wait3A_222 = arith.constant 0 : i32
    %dma_wait3A_223 = tpu.memref_slice %arg2[%mul3A_2, %dma_wait3A_222] : memref<4096x200xi32, #tpu.memory_space<hbm>> -> memref<1x200xi32, #tpu.memory_space<hbm>>
    %dma_wait3A_224 = tpu.memref_squeeze %dma_wait3A_223 : memref<1x200xi32, #tpu.memory_space<hbm>> -> memref<200xi32, #tpu.memory_space<hbm>>
    tpu.wait_dma2 semaphore(%dma_wait3A_218 : memref<!tpu.dma_semaphore, #tpu.memory_space<semaphore_mem>>) src(%dma_wait3A_224 : memref<200xi32, #tpu.memory_space<hbm>>) dst(%dma_wait3A_221 : memref<200xi32, #tpu.memory_space<vmem>>)
    %dma_wait3A_225 = arith.constant 2 : i32
    %dma_wait3A_226 = arith.constant 2 : i32
    %dma_wait3A_227 = arith.constant 0 : i32
    %dma_wait3A_228 = arith.constant 0 : i32
    %dma_wait3A_229 = tpu.memref_slice %arg6[%dma_wait3A_225, %dma_wait3A_227, %dma_wait3A_228] : memref<8x200x64xf32, #tpu.memory_space<vmem>> -> memref<1x200x64xf32, #tpu.memory_space<vmem>>
    %dma_wait3A_230 = tpu.memref_squeeze %dma_wait3A_229 : memref<1x200x64xf32, #tpu.memory_space<vmem>> -> memref<200x64xf32, #tpu.memory_space<vmem>>
    %dma_wait3A_231 = arith.constant 0 : i32
    %dma_wait3A_232 = arith.constant 0 : i32
    %dma_wait3A_233 = tpu.memref_slice %arg4[%mul3A_2, %dma_wait3A_231, %dma_wait3A_232] : memref<4096x200x64xf32, #tpu.memory_space<hbm>> -> memref<1x200x64xf32, #tpu.memory_space<hbm>>
    %dma_wait3A_234 = tpu.memref_squeeze %dma_wait3A_233 : memref<1x200x64xf32, #tpu.memory_space<hbm>> -> memref<200x64xf32, #tpu.memory_space<hbm>>
    %dma_wait3A_235 = tpu.memref_slice %arg9[%dma_wait3A_226] : memref<8x!tpu.dma_semaphore, #tpu.memory_space<semaphore_mem>> -> memref<1x!tpu.dma_semaphore, #tpu.memory_space<semaphore_mem>>
    %dma_wait3A_236 = tpu.memref_squeeze %dma_wait3A_235 : memref<1x!tpu.dma_semaphore, #tpu.memory_space<semaphore_mem>> -> memref<!tpu.dma_semaphore, #tpu.memory_space<semaphore_mem>>
    %dma_wait3A_237 = arith.constant 0 : i32
    %dma_wait3A_238 = arith.constant 0 : i32
    %dma_wait3A_239 = tpu.memref_slice %arg4[%mul3A_2, %dma_wait3A_237, %dma_wait3A_238] : memref<4096x200x64xf32, #tpu.memory_space<hbm>> -> memref<1x200x64xf32, #tpu.memory_space<hbm>>
    %dma_wait3A_240 = tpu.memref_squeeze %dma_wait3A_239 : memref<1x200x64xf32, #tpu.memory_space<hbm>> -> memref<200x64xf32, #tpu.memory_space<hbm>>
    %dma_wait3A_241 = arith.constant 0 : i32
    %dma_wait3A_242 = arith.constant 0 : i32
    %dma_wait3A_243 = tpu.memref_slice %arg6[%dma_wait3A_225, %dma_wait3A_241, %dma_wait3A_242] : memref<8x200x64xf32, #tpu.memory_space<vmem>> -> memref<1x200x64xf32, #tpu.memory_space<vmem>>
    %dma_wait3A_244 = tpu.memref_squeeze %dma_wait3A_243 : memref<1x200x64xf32, #tpu.memory_space<vmem>> -> memref<200x64xf32, #tpu.memory_space<vmem>>
    tpu.wait_dma2 semaphore(%dma_wait3A_236 : memref<!tpu.dma_semaphore, #tpu.memory_space<semaphore_mem>>) src(%dma_wait3A_244 : memref<200x64xf32, #tpu.memory_space<vmem>>) dst(%dma_wait3A_240 : memref<200x64xf32, #tpu.memory_space<hbm>>)
    %dma_wait3A_245 = arith.constant 2 : i32
    %dma_wait3A_246 = arith.constant 2 : i32
    %dma_wait3A_247 = arith.constant 0 : i32
    %dma_wait3A_248 = tpu.memref_slice %arg5[%dma_wait3A_245, %dma_wait3A_247] : memref<8x200xi32, #tpu.memory_space<vmem>> -> memref<1x200xi32, #tpu.memory_space<vmem>>
    %dma_wait3A_249 = tpu.memref_squeeze %dma_wait3A_248 : memref<1x200xi32, #tpu.memory_space<vmem>> -> memref<200xi32, #tpu.memory_space<vmem>>
    %dma_wait3A_250 = arith.constant 0 : i32
    %dma_wait3A_251 = tpu.memref_slice %arg2[%mul3A_2, %dma_wait3A_250] : memref<4096x200xi32, #tpu.memory_space<hbm>> -> memref<1x200xi32, #tpu.memory_space<hbm>>
    %dma_wait3A_252 = tpu.memref_squeeze %dma_wait3A_251 : memref<1x200xi32, #tpu.memory_space<hbm>> -> memref<200xi32, #tpu.memory_space<hbm>>
    %dma_wait3A_253 = tpu.memref_slice %arg7[%dma_wait3A_246] : memref<8x!tpu.dma_semaphore, #tpu.memory_space<semaphore_mem>> -> memref<1x!tpu.dma_semaphore, #tpu.memory_space<semaphore_mem>>
    %dma_wait3A_254 = tpu.memref_squeeze %dma_wait3A_253 : memref<1x!tpu.dma_semaphore, #tpu.memory_space<semaphore_mem>> -> memref<!tpu.dma_semaphore, #tpu.memory_space<semaphore_mem>>
    %dma_wait3A_255 = arith.constant 0 : i32
    %dma_wait3A_256 = tpu.memref_slice %arg5[%dma_wait3A_245, %dma_wait3A_255] : memref<8x200xi32, #tpu.memory_space<vmem>> -> memref<1x200xi32, #tpu.memory_space<vmem>>
    %dma_wait3A_257 = tpu.memref_squeeze %dma_wait3A_256 : memref<1x200xi32, #tpu.memory_space<vmem>> -> memref<200xi32, #tpu.memory_space<vmem>>
    %dma_wait3A_258 = arith.constant 0 : i32
    %dma_wait3A_259 = tpu.memref_slice %arg2[%mul3A_2, %dma_wait3A_258] : memref<4096x200xi32, #tpu.memory_space<hbm>> -> memref<1x200xi32, #tpu.memory_space<hbm>>
    %dma_wait3A_260 = tpu.memref_squeeze %dma_wait3A_259 : memref<1x200xi32, #tpu.memory_space<hbm>> -> memref<200xi32, #tpu.memory_space<hbm>>
    tpu.wait_dma2 semaphore(%dma_wait3A_254 : memref<!tpu.dma_semaphore, #tpu.memory_space<semaphore_mem>>) src(%dma_wait3A_260 : memref<200xi32, #tpu.memory_space<hbm>>) dst(%dma_wait3A_257 : memref<200xi32, #tpu.memory_space<vmem>>)
    %dma_wait3A_261 = arith.constant 3 : i32
    %dma_wait3A_262 = arith.constant 3 : i32
    %dma_wait3A_263 = arith.constant 0 : i32
    %dma_wait3A_264 = arith.constant 0 : i32
    %dma_wait3A_265 = tpu.memref_slice %arg6[%dma_wait3A_261, %dma_wait3A_263, %dma_wait3A_264] : memref<8x200x64xf32, #tpu.memory_space<vmem>> -> memref<1x200x64xf32, #tpu.memory_space<vmem>>
    %dma_wait3A_266 = tpu.memref_squeeze %dma_wait3A_265 : memref<1x200x64xf32, #tpu.memory_space<vmem>> -> memref<200x64xf32, #tpu.memory_space<vmem>>
    %dma_wait3A_267 = arith.constant 0 : i32
    %dma_wait3A_268 = arith.constant 0 : i32
    %dma_wait3A_269 = tpu.memref_slice %arg4[%mul3A_2, %dma_wait3A_267, %dma_wait3A_268] : memref<4096x200x64xf32, #tpu.memory_space<hbm>> -> memref<1x200x64xf32, #tpu.memory_space<hbm>>
    %dma_wait3A_270 = tpu.memref_squeeze %dma_wait3A_269 : memref<1x200x64xf32, #tpu.memory_space<hbm>> -> memref<200x64xf32, #tpu.memory_space<hbm>>
    %dma_wait3A_271 = tpu.memref_slice %arg9[%dma_wait3A_262] : memref<8x!tpu.dma_semaphore, #tpu.memory_space<semaphore_mem>> -> memref<1x!tpu.dma_semaphore, #tpu.memory_space<semaphore_mem>>
    %dma_wait3A_272 = tpu.memref_squeeze %dma_wait3A_271 : memref<1x!tpu.dma_semaphore, #tpu.memory_space<semaphore_mem>> -> memref<!tpu.dma_semaphore, #tpu.memory_space<semaphore_mem>>
    %dma_wait3A_273 = arith.constant 0 : i32
    %dma_wait3A_274 = arith.constant 0 : i32
    %dma_wait3A_275 = tpu.memref_slice %arg4[%mul3A_2, %dma_wait3A_273, %dma_wait3A_274] : memref<4096x200x64xf32, #tpu.memory_space<hbm>> -> memref<1x200x64xf32, #tpu.memory_space<hbm>>
    %dma_wait3A_276 = tpu.memref_squeeze %dma_wait3A_275 : memref<1x200x64xf32, #tpu.memory_space<hbm>> -> memref<200x64xf32, #tpu.memory_space<hbm>>
    %dma_wait3A_277 = arith.constant 0 : i32
    %dma_wait3A_278 = arith.constant 0 : i32
    %dma_wait3A_279 = tpu.memref_slice %arg6[%dma_wait3A_261, %dma_wait3A_277, %dma_wait3A_278] : memref<8x200x64xf32, #tpu.memory_space<vmem>> -> memref<1x200x64xf32, #tpu.memory_space<vmem>>
    %dma_wait3A_280 = tpu.memref_squeeze %dma_wait3A_279 : memref<1x200x64xf32, #tpu.memory_space<vmem>> -> memref<200x64xf32, #tpu.memory_space<vmem>>
    tpu.wait_dma2 semaphore(%dma_wait3A_272 : memref<!tpu.dma_semaphore, #tpu.memory_space<semaphore_mem>>) src(%dma_wait3A_280 : memref<200x64xf32, #tpu.memory_space<vmem>>) dst(%dma_wait3A_276 : memref<200x64xf32, #tpu.memory_space<hbm>>)
    %dma_wait3A_281 = arith.constant 3 : i32
    %dma_wait3A_282 = arith.constant 3 : i32
    %dma_wait3A_283 = arith.constant 0 : i32
    %dma_wait3A_284 = tpu.memref_slice %arg5[%dma_wait3A_281, %dma_wait3A_283] : memref<8x200xi32, #tpu.memory_space<vmem>> -> memref<1x200xi32, #tpu.memory_space<vmem>>
    %dma_wait3A_285 = tpu.memref_squeeze %dma_wait3A_284 : memref<1x200xi32, #tpu.memory_space<vmem>> -> memref<200xi32, #tpu.memory_space<vmem>>
    %dma_wait3A_286 = arith.constant 0 : i32
    %dma_wait3A_287 = tpu.memref_slice %arg2[%mul3A_2, %dma_wait3A_286] : memref<4096x200xi32, #tpu.memory_space<hbm>> -> memref<1x200xi32, #tpu.memory_space<hbm>>
    %dma_wait3A_288 = tpu.memref_squeeze %dma_wait3A_287 : memref<1x200xi32, #tpu.memory_space<hbm>> -> memref<200xi32, #tpu.memory_space<hbm>>
    %dma_wait3A_289 = tpu.memref_slice %arg7[%dma_wait3A_282] : memref<8x!tpu.dma_semaphore, #tpu.memory_space<semaphore_mem>> -> memref<1x!tpu.dma_semaphore, #tpu.memory_space<semaphore_mem>>
    %dma_wait3A_290 = tpu.memref_squeeze %dma_wait3A_289 : memref<1x!tpu.dma_semaphore, #tpu.memory_space<semaphore_mem>> -> memref<!tpu.dma_semaphore, #tpu.memory_space<semaphore_mem>>
    %dma_wait3A_291 = arith.constant 0 : i32
    %dma_wait3A_292 = tpu.memref_slice %arg5[%dma_wait3A_281, %dma_wait3A_291] : memref<8x200xi32, #tpu.memory_space<vmem>> -> memref<1x200xi32, #tpu.memory_space<vmem>>
    %dma_wait3A_293 = tpu.memref_squeeze %dma_wait3A_292 : memref<1x200xi32, #tpu.memory_space<vmem>> -> memref<200xi32, #tpu.memory_space<vmem>>
    %dma_wait3A_294 = arith.constant 0 : i32
    %dma_wait3A_295 = tpu.memref_slice %arg2[%mul3A_2, %dma_wait3A_294] : memref<4096x200xi32, #tpu.memory_space<hbm>> -> memref<1x200xi32, #tpu.memory_space<hbm>>
    %dma_wait3A_296 = tpu.memref_squeeze %dma_wait3A_295 : memref<1x200xi32, #tpu.memory_space<hbm>> -> memref<200xi32, #tpu.memory_space<hbm>>
    tpu.wait_dma2 semaphore(%dma_wait3A_290 : memref<!tpu.dma_semaphore, #tpu.memory_space<semaphore_mem>>) src(%dma_wait3A_296 : memref<200xi32, #tpu.memory_space<hbm>>) dst(%dma_wait3A_293 : memref<200xi32, #tpu.memory_space<vmem>>)
    %dma_wait3A_297 = arith.constant 4 : i32
    %dma_wait3A_298 = arith.constant 4 : i32
    %dma_wait3A_299 = arith.constant 0 : i32
    %dma_wait3A_300 = arith.constant 0 : i32
    %dma_wait3A_301 = tpu.memref_slice %arg6[%dma_wait3A_297, %dma_wait3A_299, %dma_wait3A_300] : memref<8x200x64xf32, #tpu.memory_space<vmem>> -> memref<1x200x64xf32, #tpu.memory_space<vmem>>
    %dma_wait3A_302 = tpu.memref_squeeze %dma_wait3A_301 : memref<1x200x64xf32, #tpu.memory_space<vmem>> -> memref<200x64xf32, #tpu.memory_space<vmem>>
    %dma_wait3A_303 = arith.constant 0 : i32
    %dma_wait3A_304 = arith.constant 0 : i32
    %dma_wait3A_305 = tpu.memref_slice %arg4[%mul3A_2, %dma_wait3A_303, %dma_wait3A_304] : memref<4096x200x64xf32, #tpu.memory_space<hbm>> -> memref<1x200x64xf32, #tpu.memory_space<hbm>>
    %dma_wait3A_306 = tpu.memref_squeeze %dma_wait3A_305 : memref<1x200x64xf32, #tpu.memory_space<hbm>> -> memref<200x64xf32, #tpu.memory_space<hbm>>
    %dma_wait3A_307 = tpu.memref_slice %arg9[%dma_wait3A_298] : memref<8x!tpu.dma_semaphore, #tpu.memory_space<semaphore_mem>> -> memref<1x!tpu.dma_semaphore, #tpu.memory_space<semaphore_mem>>
    %dma_wait3A_308 = tpu.memref_squeeze %dma_wait3A_307 : memref<1x!tpu.dma_semaphore, #tpu.memory_space<semaphore_mem>> -> memref<!tpu.dma_semaphore, #tpu.memory_space<semaphore_mem>>
    %dma_wait3A_309 = arith.constant 0 : i32
    %dma_wait3A_310 = arith.constant 0 : i32
    %dma_wait3A_311 = tpu.memref_slice %arg4[%mul3A_2, %dma_wait3A_309, %dma_wait3A_310] : memref<4096x200x64xf32, #tpu.memory_space<hbm>> -> memref<1x200x64xf32, #tpu.memory_space<hbm>>
    %dma_wait3A_312 = tpu.memref_squeeze %dma_wait3A_311 : memref<1x200x64xf32, #tpu.memory_space<hbm>> -> memref<200x64xf32, #tpu.memory_space<hbm>>
    %dma_wait3A_313 = arith.constant 0 : i32
    %dma_wait3A_314 = arith.constant 0 : i32
    %dma_wait3A_315 = tpu.memref_slice %arg6[%dma_wait3A_297, %dma_wait3A_313, %dma_wait3A_314] : memref<8x200x64xf32, #tpu.memory_space<vmem>> -> memref<1x200x64xf32, #tpu.memory_space<vmem>>
    %dma_wait3A_316 = tpu.memref_squeeze %dma_wait3A_315 : memref<1x200x64xf32, #tpu.memory_space<vmem>> -> memref<200x64xf32, #tpu.memory_space<vmem>>
    tpu.wait_dma2 semaphore(%dma_wait3A_308 : memref<!tpu.dma_semaphore, #tpu.memory_space<semaphore_mem>>) src(%dma_wait3A_316 : memref<200x64xf32, #tpu.memory_space<vmem>>) dst(%dma_wait3A_312 : memref<200x64xf32, #tpu.memory_space<hbm>>)
    %dma_wait3A_317 = arith.constant 4 : i32
    %dma_wait3A_318 = arith.constant 4 : i32
    %dma_wait3A_319 = arith.constant 0 : i32
    %dma_wait3A_320 = tpu.memref_slice %arg5[%dma_wait3A_317, %dma_wait3A_319] : memref<8x200xi32, #tpu.memory_space<vmem>> -> memref<1x200xi32, #tpu.memory_space<vmem>>
    %dma_wait3A_321 = tpu.memref_squeeze %dma_wait3A_320 : memref<1x200xi32, #tpu.memory_space<vmem>> -> memref<200xi32, #tpu.memory_space<vmem>>
    %dma_wait3A_322 = arith.constant 0 : i32
    %dma_wait3A_323 = tpu.memref_slice %arg2[%mul3A_2, %dma_wait3A_322] : memref<4096x200xi32, #tpu.memory_space<hbm>> -> memref<1x200xi32, #tpu.memory_space<hbm>>
    %dma_wait3A_324 = tpu.memref_squeeze %dma_wait3A_323 : memref<1x200xi32, #tpu.memory_space<hbm>> -> memref<200xi32, #tpu.memory_space<hbm>>
    %dma_wait3A_325 = tpu.memref_slice %arg7[%dma_wait3A_318] : memref<8x!tpu.dma_semaphore, #tpu.memory_space<semaphore_mem>> -> memref<1x!tpu.dma_semaphore, #tpu.memory_space<semaphore_mem>>
    %dma_wait3A_326 = tpu.memref_squeeze %dma_wait3A_325 : memref<1x!tpu.dma_semaphore, #tpu.memory_space<semaphore_mem>> -> memref<!tpu.dma_semaphore, #tpu.memory_space<semaphore_mem>>
    %dma_wait3A_327 = arith.constant 0 : i32
    %dma_wait3A_328 = tpu.memref_slice %arg5[%dma_wait3A_317, %dma_wait3A_327] : memref<8x200xi32, #tpu.memory_space<vmem>> -> memref<1x200xi32, #tpu.memory_space<vmem>>
    %dma_wait3A_329 = tpu.memref_squeeze %dma_wait3A_328 : memref<1x200xi32, #tpu.memory_space<vmem>> -> memref<200xi32, #tpu.memory_space<vmem>>
    %dma_wait3A_330 = arith.constant 0 : i32
    %dma_wait3A_331 = tpu.memref_slice %arg2[%mul3A_2, %dma_wait3A_330] : memref<4096x200xi32, #tpu.memory_space<hbm>> -> memref<1x200xi32, #tpu.memory_space<hbm>>
    %dma_wait3A_332 = tpu.memref_squeeze %dma_wait3A_331 : memref<1x200xi32, #tpu.memory_space<hbm>> -> memref<200xi32, #tpu.memory_space<hbm>>
    tpu.wait_dma2 semaphore(%dma_wait3A_326 : memref<!tpu.dma_semaphore, #tpu.memory_space<semaphore_mem>>) src(%dma_wait3A_332 : memref<200xi32, #tpu.memory_space<hbm>>) dst(%dma_wait3A_329 : memref<200xi32, #tpu.memory_space<vmem>>)
    %dma_wait3A_333 = arith.constant 5 : i32
    %dma_wait3A_334 = arith.constant 5 : i32
    %dma_wait3A_335 = arith.constant 0 : i32
    %dma_wait3A_336 = arith.constant 0 : i32
    %dma_wait3A_337 = tpu.memref_slice %arg6[%dma_wait3A_333, %dma_wait3A_335, %dma_wait3A_336] : memref<8x200x64xf32, #tpu.memory_space<vmem>> -> memref<1x200x64xf32, #tpu.memory_space<vmem>>
    %dma_wait3A_338 = tpu.memref_squeeze %dma_wait3A_337 : memref<1x200x64xf32, #tpu.memory_space<vmem>> -> memref<200x64xf32, #tpu.memory_space<vmem>>
    %dma_wait3A_339 = arith.constant 0 : i32
    %dma_wait3A_340 = arith.constant 0 : i32
    %dma_wait3A_341 = tpu.memref_slice %arg4[%mul3A_2, %dma_wait3A_339, %dma_wait3A_340] : memref<4096x200x64xf32, #tpu.memory_space<hbm>> -> memref<1x200x64xf32, #tpu.memory_space<hbm>>
    %dma_wait3A_342 = tpu.memref_squeeze %dma_wait3A_341 : memref<1x200x64xf32, #tpu.memory_space<hbm>> -> memref<200x64xf32, #tpu.memory_space<hbm>>
    %dma_wait3A_343 = tpu.memref_slice %arg9[%dma_wait3A_334] : memref<8x!tpu.dma_semaphore, #tpu.memory_space<semaphore_mem>> -> memref<1x!tpu.dma_semaphore, #tpu.memory_space<semaphore_mem>>
    %dma_wait3A_344 = tpu.memref_squeeze %dma_wait3A_343 : memref<1x!tpu.dma_semaphore, #tpu.memory_space<semaphore_mem>> -> memref<!tpu.dma_semaphore, #tpu.memory_space<semaphore_mem>>
    %dma_wait3A_345 = arith.constant 0 : i32
    %dma_wait3A_346 = arith.constant 0 : i32
    %dma_wait3A_347 = tpu.memref_slice %arg4[%mul3A_2, %dma_wait3A_345, %dma_wait3A_346] : memref<4096x200x64xf32, #tpu.memory_space<hbm>> -> memref<1x200x64xf32, #tpu.memory_space<hbm>>
    %dma_wait3A_348 = tpu.memref_squeeze %dma_wait3A_347 : memref<1x200x64xf32, #tpu.memory_space<hbm>> -> memref<200x64xf32, #tpu.memory_space<hbm>>
    %dma_wait3A_349 = arith.constant 0 : i32
    %dma_wait3A_350 = arith.constant 0 : i32
    %dma_wait3A_351 = tpu.memref_slice %arg6[%dma_wait3A_333, %dma_wait3A_349, %dma_wait3A_350] : memref<8x200x64xf32, #tpu.memory_space<vmem>> -> memref<1x200x64xf32, #tpu.memory_space<vmem>>
    %dma_wait3A_352 = tpu.memref_squeeze %dma_wait3A_351 : memref<1x200x64xf32, #tpu.memory_space<vmem>> -> memref<200x64xf32, #tpu.memory_space<vmem>>
    tpu.wait_dma2 semaphore(%dma_wait3A_344 : memref<!tpu.dma_semaphore, #tpu.memory_space<semaphore_mem>>) src(%dma_wait3A_352 : memref<200x64xf32, #tpu.memory_space<vmem>>) dst(%dma_wait3A_348 : memref<200x64xf32, #tpu.memory_space<hbm>>)
    %dma_wait3A_353 = arith.constant 5 : i32
    %dma_wait3A_354 = arith.constant 5 : i32
    %dma_wait3A_355 = arith.constant 0 : i32
    %dma_wait3A_356 = tpu.memref_slice %arg5[%dma_wait3A_353, %dma_wait3A_355] : memref<8x200xi32, #tpu.memory_space<vmem>> -> memref<1x200xi32, #tpu.memory_space<vmem>>
    %dma_wait3A_357 = tpu.memref_squeeze %dma_wait3A_356 : memref<1x200xi32, #tpu.memory_space<vmem>> -> memref<200xi32, #tpu.memory_space<vmem>>
    %dma_wait3A_358 = arith.constant 0 : i32
    %dma_wait3A_359 = tpu.memref_slice %arg2[%mul3A_2, %dma_wait3A_358] : memref<4096x200xi32, #tpu.memory_space<hbm>> -> memref<1x200xi32, #tpu.memory_space<hbm>>
    %dma_wait3A_360 = tpu.memref_squeeze %dma_wait3A_359 : memref<1x200xi32, #tpu.memory_space<hbm>> -> memref<200xi32, #tpu.memory_space<hbm>>
    %dma_wait3A_361 = tpu.memref_slice %arg7[%dma_wait3A_354] : memref<8x!tpu.dma_semaphore, #tpu.memory_space<semaphore_mem>> -> memref<1x!tpu.dma_semaphore, #tpu.memory_space<semaphore_mem>>
    %dma_wait3A_362 = tpu.memref_squeeze %dma_wait3A_361 : memref<1x!tpu.dma_semaphore, #tpu.memory_space<semaphore_mem>> -> memref<!tpu.dma_semaphore, #tpu.memory_space<semaphore_mem>>
    %dma_wait3A_363 = arith.constant 0 : i32
    %dma_wait3A_364 = tpu.memref_slice %arg5[%dma_wait3A_353, %dma_wait3A_363] : memref<8x200xi32, #tpu.memory_space<vmem>> -> memref<1x200xi32, #tpu.memory_space<vmem>>
    %dma_wait3A_365 = tpu.memref_squeeze %dma_wait3A_364 : memref<1x200xi32, #tpu.memory_space<vmem>> -> memref<200xi32, #tpu.memory_space<vmem>>
    %dma_wait3A_366 = arith.constant 0 : i32
    %dma_wait3A_367 = tpu.memref_slice %arg2[%mul3A_2, %dma_wait3A_366] : memref<4096x200xi32, #tpu.memory_space<hbm>> -> memref<1x200xi32, #tpu.memory_space<hbm>>
    %dma_wait3A_368 = tpu.memref_squeeze %dma_wait3A_367 : memref<1x200xi32, #tpu.memory_space<hbm>> -> memref<200xi32, #tpu.memory_space<hbm>>
    tpu.wait_dma2 semaphore(%dma_wait3A_362 : memref<!tpu.dma_semaphore, #tpu.memory_space<semaphore_mem>>) src(%dma_wait3A_368 : memref<200xi32, #tpu.memory_space<hbm>>) dst(%dma_wait3A_365 : memref<200xi32, #tpu.memory_space<vmem>>)
    %dma_wait3A_369 = arith.constant 6 : i32
    %dma_wait3A_370 = arith.constant 6 : i32
    %dma_wait3A_371 = arith.constant 0 : i32
    %dma_wait3A_372 = arith.constant 0 : i32
    %dma_wait3A_373 = tpu.memref_slice %arg6[%dma_wait3A_369, %dma_wait3A_371, %dma_wait3A_372] : memref<8x200x64xf32, #tpu.memory_space<vmem>> -> memref<1x200x64xf32, #tpu.memory_space<vmem>>
    %dma_wait3A_374 = tpu.memref_squeeze %dma_wait3A_373 : memref<1x200x64xf32, #tpu.memory_space<vmem>> -> memref<200x64xf32, #tpu.memory_space<vmem>>
    %dma_wait3A_375 = arith.constant 0 : i32
    %dma_wait3A_376 = arith.constant 0 : i32
    %dma_wait3A_377 = tpu.memref_slice %arg4[%mul3A_2, %dma_wait3A_375, %dma_wait3A_376] : memref<4096x200x64xf32, #tpu.memory_space<hbm>> -> memref<1x200x64xf32, #tpu.memory_space<hbm>>
    %dma_wait3A_378 = tpu.memref_squeeze %dma_wait3A_377 : memref<1x200x64xf32, #tpu.memory_space<hbm>> -> memref<200x64xf32, #tpu.memory_space<hbm>>
    %dma_wait3A_379 = tpu.memref_slice %arg9[%dma_wait3A_370] : memref<8x!tpu.dma_semaphore, #tpu.memory_space<semaphore_mem>> -> memref<1x!tpu.dma_semaphore, #tpu.memory_space<semaphore_mem>>
    %dma_wait3A_380 = tpu.memref_squeeze %dma_wait3A_379 : memref<1x!tpu.dma_semaphore, #tpu.memory_space<semaphore_mem>> -> memref<!tpu.dma_semaphore, #tpu.memory_space<semaphore_mem>>
    %dma_wait3A_381 = arith.constant 0 : i32
    %dma_wait3A_382 = arith.constant 0 : i32
    %dma_wait3A_383 = tpu.memref_slice %arg4[%mul3A_2, %dma_wait3A_381, %dma_wait3A_382] : memref<4096x200x64xf32, #tpu.memory_space<hbm>> -> memref<1x200x64xf32, #tpu.memory_space<hbm>>
    %dma_wait3A_384 = tpu.memref_squeeze %dma_wait3A_383 : memref<1x200x64xf32, #tpu.memory_space<hbm>> -> memref<200x64xf32, #tpu.memory_space<hbm>>
    %dma_wait3A_385 = arith.constant 0 : i32
    %dma_wait3A_386 = arith.constant 0 : i32
    %dma_wait3A_387 = tpu.memref_slice %arg6[%dma_wait3A_369, %dma_wait3A_385, %dma_wait3A_386] : memref<8x200x64xf32, #tpu.memory_space<vmem>> -> memref<1x200x64xf32, #tpu.memory_space<vmem>>
    %dma_wait3A_388 = tpu.memref_squeeze %dma_wait3A_387 : memref<1x200x64xf32, #tpu.memory_space<vmem>> -> memref<200x64xf32, #tpu.memory_space<vmem>>
    tpu.wait_dma2 semaphore(%dma_wait3A_380 : memref<!tpu.dma_semaphore, #tpu.memory_space<semaphore_mem>>) src(%dma_wait3A_388 : memref<200x64xf32, #tpu.memory_space<vmem>>) dst(%dma_wait3A_384 : memref<200x64xf32, #tpu.memory_space<hbm>>)
    %dma_wait3A_389 = arith.constant 6 : i32
    %dma_wait3A_390 = arith.constant 6 : i32
    %dma_wait3A_391 = arith.constant 0 : i32
    %dma_wait3A_392 = tpu.memref_slice %arg5[%dma_wait3A_389, %dma_wait3A_391] : memref<8x200xi32, #tpu.memory_space<vmem>> -> memref<1x200xi32, #tpu.memory_space<vmem>>
    %dma_wait3A_393 = tpu.memref_squeeze %dma_wait3A_392 : memref<1x200xi32, #tpu.memory_space<vmem>> -> memref<200xi32, #tpu.memory_space<vmem>>
    %dma_wait3A_394 = arith.constant 0 : i32
    %dma_wait3A_395 = tpu.memref_slice %arg2[%mul3A_2, %dma_wait3A_394] : memref<4096x200xi32, #tpu.memory_space<hbm>> -> memref<1x200xi32, #tpu.memory_space<hbm>>
    %dma_wait3A_396 = tpu.memref_squeeze %dma_wait3A_395 : memref<1x200xi32, #tpu.memory_space<hbm>> -> memref<200xi32, #tpu.memory_space<hbm>>
    %dma_wait3A_397 = tpu.memref_slice %arg7[%dma_wait3A_390] : memref<8x!tpu.dma_semaphore, #tpu.memory_space<semaphore_mem>> -> memref<1x!tpu.dma_semaphore, #tpu.memory_space<semaphore_mem>>
    %dma_wait3A_398 = tpu.memref_squeeze %dma_wait3A_397 : memref<1x!tpu.dma_semaphore, #tpu.memory_space<semaphore_mem>> -> memref<!tpu.dma_semaphore, #tpu.memory_space<semaphore_mem>>
    %dma_wait3A_399 = arith.constant 0 : i32
    %dma_wait3A_400 = tpu.memref_slice %arg5[%dma_wait3A_389, %dma_wait3A_399] : memref<8x200xi32, #tpu.memory_space<vmem>> -> memref<1x200xi32, #tpu.memory_space<vmem>>
    %dma_wait3A_401 = tpu.memref_squeeze %dma_wait3A_400 : memref<1x200xi32, #tpu.memory_space<vmem>> -> memref<200xi32, #tpu.memory_space<vmem>>
    %dma_wait3A_402 = arith.constant 0 : i32
    %dma_wait3A_403 = tpu.memref_slice %arg2[%mul3A_2, %dma_wait3A_402] : memref<4096x200xi32, #tpu.memory_space<hbm>> -> memref<1x200xi32, #tpu.memory_space<hbm>>
    %dma_wait3A_404 = tpu.memref_squeeze %dma_wait3A_403 : memref<1x200xi32, #tpu.memory_space<hbm>> -> memref<200xi32, #tpu.memory_space<hbm>>
    tpu.wait_dma2 semaphore(%dma_wait3A_398 : memref<!tpu.dma_semaphore, #tpu.memory_space<semaphore_mem>>) src(%dma_wait3A_404 : memref<200xi32, #tpu.memory_space<hbm>>) dst(%dma_wait3A_401 : memref<200xi32, #tpu.memory_space<vmem>>)
    %dma_wait3A_405 = arith.constant 7 : i32
    %dma_wait3A_406 = arith.constant 7 : i32
    %dma_wait3A_407 = arith.constant 0 : i32
    %dma_wait3A_408 = arith.constant 0 : i32
    %dma_wait3A_409 = tpu.memref_slice %arg6[%dma_wait3A_405, %dma_wait3A_407, %dma_wait3A_408] : memref<8x200x64xf32, #tpu.memory_space<vmem>> -> memref<1x200x64xf32, #tpu.memory_space<vmem>>
    %dma_wait3A_410 = tpu.memref_squeeze %dma_wait3A_409 : memref<1x200x64xf32, #tpu.memory_space<vmem>> -> memref<200x64xf32, #tpu.memory_space<vmem>>
    %dma_wait3A_411 = arith.constant 0 : i32
    %dma_wait3A_412 = arith.constant 0 : i32
    %dma_wait3A_413 = tpu.memref_slice %arg4[%mul3A_2, %dma_wait3A_411, %dma_wait3A_412] : memref<4096x200x64xf32, #tpu.memory_space<hbm>> -> memref<1x200x64xf32, #tpu.memory_space<hbm>>
    %dma_wait3A_414 = tpu.memref_squeeze %dma_wait3A_413 : memref<1x200x64xf32, #tpu.memory_space<hbm>> -> memref<200x64xf32, #tpu.memory_space<hbm>>
    %dma_wait3A_415 = tpu.memref_slice %arg9[%dma_wait3A_406] : memref<8x!tpu.dma_semaphore, #tpu.memory_space<semaphore_mem>> -> memref<1x!tpu.dma_semaphore, #tpu.memory_space<semaphore_mem>>
    %dma_wait3A_416 = tpu.memref_squeeze %dma_wait3A_415 : memref<1x!tpu.dma_semaphore, #tpu.memory_space<semaphore_mem>> -> memref<!tpu.dma_semaphore, #tpu.memory_space<semaphore_mem>>
    %dma_wait3A_417 = arith.constant 0 : i32
    %dma_wait3A_418 = arith.constant 0 : i32
    %dma_wait3A_419 = tpu.memref_slice %arg4[%mul3A_2, %dma_wait3A_417, %dma_wait3A_418] : memref<4096x200x64xf32, #tpu.memory_space<hbm>> -> memref<1x200x64xf32, #tpu.memory_space<hbm>>
    %dma_wait3A_420 = tpu.memref_squeeze %dma_wait3A_419 : memref<1x200x64xf32, #tpu.memory_space<hbm>> -> memref<200x64xf32, #tpu.memory_space<hbm>>
    %dma_wait3A_421 = arith.constant 0 : i32
    %dma_wait3A_422 = arith.constant 0 : i32
    %dma_wait3A_423 = tpu.memref_slice %arg6[%dma_wait3A_405, %dma_wait3A_421, %dma_wait3A_422] : memref<8x200x64xf32, #tpu.memory_space<vmem>> -> memref<1x200x64xf32, #tpu.memory_space<vmem>>
    %dma_wait3A_424 = tpu.memref_squeeze %dma_wait3A_423 : memref<1x200x64xf32, #tpu.memory_space<vmem>> -> memref<200x64xf32, #tpu.memory_space<vmem>>
    tpu.wait_dma2 semaphore(%dma_wait3A_416 : memref<!tpu.dma_semaphore, #tpu.memory_space<semaphore_mem>>) src(%dma_wait3A_424 : memref<200x64xf32, #tpu.memory_space<vmem>>) dst(%dma_wait3A_420 : memref<200x64xf32, #tpu.memory_space<hbm>>)
    %dma_wait3A_425 = arith.constant 7 : i32
    %dma_wait3A_426 = arith.constant 7 : i32
    %dma_wait3A_427 = arith.constant 0 : i32
    %dma_wait3A_428 = tpu.memref_slice %arg5[%dma_wait3A_425, %dma_wait3A_427] : memref<8x200xi32, #tpu.memory_space<vmem>> -> memref<1x200xi32, #tpu.memory_space<vmem>>
    %dma_wait3A_429 = tpu.memref_squeeze %dma_wait3A_428 : memref<1x200xi32, #tpu.memory_space<vmem>> -> memref<200xi32, #tpu.memory_space<vmem>>
    %dma_wait3A_430 = arith.constant 0 : i32
    %dma_wait3A_431 = tpu.memref_slice %arg2[%mul3A_2, %dma_wait3A_430] : memref<4096x200xi32, #tpu.memory_space<hbm>> -> memref<1x200xi32, #tpu.memory_space<hbm>>
    %dma_wait3A_432 = tpu.memref_squeeze %dma_wait3A_431 : memref<1x200xi32, #tpu.memory_space<hbm>> -> memref<200xi32, #tpu.memory_space<hbm>>
    %dma_wait3A_433 = tpu.memref_slice %arg7[%dma_wait3A_426] : memref<8x!tpu.dma_semaphore, #tpu.memory_space<semaphore_mem>> -> memref<1x!tpu.dma_semaphore, #tpu.memory_space<semaphore_mem>>
    %dma_wait3A_434 = tpu.memref_squeeze %dma_wait3A_433 : memref<1x!tpu.dma_semaphore, #tpu.memory_space<semaphore_mem>> -> memref<!tpu.dma_semaphore, #tpu.memory_space<semaphore_mem>>
    %dma_wait3A_435 = arith.constant 0 : i32
    %dma_wait3A_436 = tpu.memref_slice %arg5[%dma_wait3A_425, %dma_wait3A_435] : memref<8x200xi32, #tpu.memory_space<vmem>> -> memref<1x200xi32, #tpu.memory_space<vmem>>
    %dma_wait3A_437 = tpu.memref_squeeze %dma_wait3A_436 : memref<1x200xi32, #tpu.memory_space<vmem>> -> memref<200xi32, #tpu.memory_space<vmem>>
    %dma_wait3A_438 = arith.constant 0 : i32
    %dma_wait3A_439 = tpu.memref_slice %arg2[%mul3A_2, %dma_wait3A_438] : memref<4096x200xi32, #tpu.memory_space<hbm>> -> memref<1x200xi32, #tpu.memory_space<hbm>>
    %dma_wait3A_440 = tpu.memref_squeeze %dma_wait3A_439 : memref<1x200xi32, #tpu.memory_space<hbm>> -> memref<200xi32, #tpu.memory_space<hbm>>
    tpu.wait_dma2 semaphore(%dma_wait3A_434 : memref<!tpu.dma_semaphore, #tpu.memory_space<semaphore_mem>>) src(%dma_wait3A_440 : memref<200xi32, #tpu.memory_space<hbm>>) dst(%dma_wait3A_437 : memref<200xi32, #tpu.memory_space<vmem>>)
    return
  }
}

</mosaic_0001>

<sc_bundles>
// kernel: kernel.3.cloned.1.call-start
scs
__scs_entry_jumppad:
0x0: {  	(pc) =	sbr.rel $0x88, $3  }
0x1: {  	(tag) =	ssettag $0x0;
	lr =	simm.s32 $0x1  }
0x2: {  	[smem:$0x3F9F] =	sst lr;
	_ =	strace $0xD0000000  }
0x3: {  	_ = 	snop  }
0x4: {  	_ = 	snop  }
0x5: {  	_ = 	snop  }
0x6: {  	_ = 	snop  }
0x7: {  	_ = 	snop  }
__scs_overlays_trampoline_lowered:
0x8: {  	[smem:$0x3FAE] =	sst s0  }
0x9: {  	[smem:$0x3FAF] =	sst s1  }
0xa: {  	[smem:$0x3FB0] =	sst s2  }
0xb: {  	[smem:$0x3FB1] =	sst s3  }
0xc: {  	[smem:$0x3FB2] =	sst s4  }
0xd: {  	[smem:$0x3FB3] =	sst s5  }
0xe: {  	[smem:$0x3FB4] =	sst s6  }
0xf: {  	[smem:$0x3FB5] =	sst s7  }
0x10: {  	[smem:$0x3FB6] =	sst s8  }
0x11: {  	[smem:$0x3FB7] =	sst s9;
	s0 =	simm.s32 @!p0 $0x0  }
0x12: {  	s1 =	sld [smem:$0x3F9D];
	s0 =	simm.s32 @p0 $0x1  }
0x13: {  	[smem:$0x3FB8] =	sst s0;
	s0 =	simm.s32 @!p1 $0x0  }
0x14: {  	s2 =	sld [smem:$0x3F9C];
	s0 =	simm.s32 @p1 $0x1  }
0x15: {  	[smem:$0x3FB9] =	sst s0;
	s0 =	simm.s32 @!p2 $0x0  }
0x16: {  	s3 =	sld [smem:$0x3FDB];
	s0 =	simm.s32 @p2 $0x1  }
0x17: {  	s4 =	simm.s32 $0x1BF5;
	[smem:$0x3FBB] =	sst s0  }
0x18: {  	s0 =	sld [smem:$0x3F9E];
	_ =	swait.ge [sflag:s4], $0x0  }
0x19: {  	s7 =	sld [smem:$0x3F9F]  }
0x1a: {  	s8 =	sadd.s32 $0xFFFFE003, lr  }
0x1b: {  	s9 =	sadd.s32 $0xFFFFFEF7, lr;
	s5 =	simm.s32 $0xFFFFFFFF;
	p2 =	slt.u32 s8, $0xFFFFF086  }
0x1c: {  	p1 =	slt.u32 s9, $0xF7A;
	s5 =	simm.s32 @!p2 $0x0  }
0x1d: {  	s5 =	simm.s32 @p1 $0x1;
	p0 =	seq.s32 s7, s2  }
0x1e: {  	s7 =	smul.u32 @!p0 $0xF7A, s2;
	p2 =	seq.s32 @!p0 s5, $0x0  }
0x1f: {  	s9 =	smul.u32 $0xF7A, s1;
	s8 =	simm.s32 @!p0 $0x1BF5;
	p2 =	por !p2, p0  }
0x20: {  	[sflag:s8] =	ssyncset.s32 @!p0 $0xFFFFF086;
	s6 =	sadd.s32 @!p0 s3, s7;
	s7 =	simm.s32 @!p0 $0x108  }
0x21: {  	s3 =	sadd.s32 s3, s9;
	s6 =	sadd.s32 @!p0 $0x88, s6;
	s7 =	simm.s32 @p2 $0x1082  }
0x22: {  	[simem:s7], [sflag:s8] =	dma.local @!p0 [hbm:s6], $0xF7A  }
0x23: {  	s9 =	sor.u32 $0xD0000000, s2;
	s6 =	simm.s32 $0x108;
	_ =	swait.ge @!p0 [sflag:s8], $0x0  }
0x24: {  	s3 =	sadd.s32 $0x88, s3;
	s6 =	simm.s32 @!p1 $0x1082;
	[sflag:s4] =	ssyncset.s32 $0xFFFFF086  }
0x25: {  	[simem:s6], [sflag:s4] =	dma.local [hbm:s3], $0xF7A  }
0x26: {  	[smem:$0x3F9F] =	sst s1;
	(tag) =	ssettag s2;
	_ =	strace s9  }
0x27: {  	s1 =	sld [smem:$0x3FAF]  }
0x28: {  	s2 =	sld [smem:$0x3FB0]  }
0x29: {  	s4 =	sld [smem:$0x3FB2]  }
0x2a: {  	p0 =	seq.s32 s5, $0x0;
	s5 =	sld [smem:$0x3FB3]  }
0x2b: {  	s6 =	sld [smem:$0x3FB4]  }
0x2c: {  	s7 =	sld [smem:$0x3FB5]  }
0x2d: {  	s3 =	simm.s32 $0x108;
	s8 =	sld [smem:$0x3FB6]  }
0x2e: {  	s3 =	simm.s32 @!p0 $0x1082;
	s9 =	sld [smem:$0x3FB7]  }
0x2f: {  	lr =	sadd.s32 s0, s3;
	s0 =	sld [smem:$0x3FAE]  }
0x30: {  	s3 =	sld [smem:$0x3FB1]  }
0x31: {  	[smem:$0x3FBA] =	sst s10  }
0x32: {  	s10 =	sld [smem:$0x3FB8];
	_ =	sdelay $0x3  }
0x33: {  	p0 =	seq.s32 s10, $0x1;
	s10 =	sld [smem:$0x3FBA];
	_ =	sdelay $0x3  }
0x34: {  	[smem:$0x3FBA] =	sst s10  }
0x35: {  	s10 =	sld [smem:$0x3FB9];
	_ =	sdelay $0x3  }
0x36: {  	p1 =	seq.s32 s10, $0x1;
	s10 =	sld [smem:$0x3FBA];
	_ =	sdelay $0x3  }
0x37: {  	[smem:$0x3FBA] =	sst s10  }
0x38: {  	s10 =	sld [smem:$0x3FBB]  }
0x39: {  	_ = 	snop;
	(pc) =	sbr.ind lr, $3  }
0x3a: {  	_ = 	snop  }
0x3b: {  	_ = 	snop  }
0x3c: {  	p2 =	seq.s32 s10, $0x1;
	s10 =	sld [smem:$0x3FBA]  }
0x3d: {  	_ =	shalt  }
0x3e: {  	_ =	shalt  }
0x3f: {  	_ =	shalt  }
0x40: {  	_ =	shalt  }
0x41: {  	_ =	shalt  }
0x42: {  	_ =	shalt  }
0x43: {  	_ =	shalt  }
0x44: {  	_ =	shalt  }
0x45: {  	_ =	shalt  }
0x46: {  	_ =	shalt  }
0x47: {  	_ =	shalt  }
0x48: {  	_ =	shalt  }
0x49: {  	_ =	shalt  }
0x4a: {  	_ =	shalt  }
0x4b: {  	_ =	shalt  }
0x4c: {  	_ =	shalt  }
0x4d: {  	_ =	shalt  }
0x4e: {  	_ =	shalt  }
0x4f: {  	_ =	shalt  }
0x50: {  	_ =	shalt  }
0x51: {  	_ =	shalt  }
0x52: {  	_ =	shalt  }
0x53: {  	_ =	shalt  }
0x54: {  	_ =	shalt  }
0x55: {  	_ =	shalt  }
0x56: {  	_ =	shalt  }
0x57: {  	_ =	shalt  }
0x58: {  	_ =	shalt  }
0x59: {  	_ =	shalt  }
0x5a: {  	_ =	shalt  }
0x5b: {  	_ =	shalt  }
0x5c: {  	_ =	shalt  }
0x5d: {  	_ =	shalt  }
0x5e: {  	_ =	shalt  }
0x5f: {  	_ =	shalt  }
0x60: {  	_ =	shalt  }
0x61: {  	_ =	shalt  }
0x62: {  	_ =	shalt  }
0x63: {  	_ =	shalt  }
0x64: {  	_ =	shalt  }
0x65: {  	_ =	shalt  }
0x66: {  	_ =	shalt  }
0x67: {  	_ =	shalt  }
0x68: {  	_ =	shalt  }
0x69: {  	_ =	shalt  }
0x6a: {  	_ =	shalt  }
0x6b: {  	_ =	shalt  }
0x6c: {  	_ =	shalt  }
0x6d: {  	_ =	shalt  }
0x6e: {  	_ =	shalt  }
0x6f: {  	_ =	shalt  }
0x70: {  	_ =	shalt  }
0x71: {  	_ =	shalt  }
0x72: {  	_ =	shalt  }
0x73: {  	_ =	shalt  }
0x74: {  	_ =	shalt  }
0x75: {  	_ =	shalt  }
0x76: {  	_ =	shalt  }
0x77: {  	_ =	shalt  }
0x78: {  	_ =	shalt  }
0x79: {  	_ =	shalt  }
0x7a: {  	_ =	shalt  }
0x7b: {  	_ =	shalt  }
0x7c: {  	_ =	shalt  }
0x7d: {  	_ =	shalt  }
0x7e: {  	_ =	shalt  }
0x7f: {  	_ =	shalt  }
0x80: {  	_ =	shalt  }
0x81: {  	_ =	shalt  }
0x82: {  	_ =	shalt  }
0x83: {  	_ =	shalt  }
0x84: {  	_ =	shalt  }
0x85: {  	_ =	shalt  }
0x86: {  	_ =	shalt  }
0x87: {  	_ =	shalt  }
.Lfunc_end0:
.L_simem_size_0:
called_computation.1_lowered:
.L_overlay_start_0:
0x88: {  	s2 =	sld [smem:$0x3FD9]  }
0x89: {  	s3 =	sld [smem:$0x3FFE];
	_ =	sdelay $0x1  }
0x8a: {  	s1 =	srdreg.scid  }
0x8b: {  	s0 =	sand.u32 $0x1, s1  }
0x8c: {  	s17 =	sshll.u32 s0, $0xA;
	s2 =	sadd.s32 s3, s2  }
0x8d: {  	s2 =	sadd.s32 s2, s17  }
0x8e: {  	[smem:$0x3FC6] =	sst s2  }
0x8f: {  	_ = 	snop  }
0x90: {  	s2 =	sld [smem:$0x3FD0];
	(tm) =	ssettm $0x1  }
0x91: {  	s18 =	sld [smem:$0x3FFB];
	_ =	sdelay $0x3  }
0x92: {  	_ =	strace s18  }
0x93: {  	s3 =	sld [smem:$0x3FFC];
	_ =	sdelay $0x3  }
0x94: {  	_ =	strace s3  }
0x95: {  	s3 =	sld [smem:$0x3FFD];
	_ =	sdelay $0x3  }
0x96: {  	_ =	strace s3  }
0x97: {  	_ =	strace $0x8FFFFFFF  }
0x98: {  	s19 =	sld [smem:$0x3FDB];
	_ =	sdelay $0x1  }
0x99: {  	s4 =	simm.s32 $_scs_section_size  }
0x9a: {  	s5 =	simm.s32 $_size__tile_overlayer_lowered;
	s6 =	simm.s32 $_tile_overlayer_lowered  }
0x9b: {  	s22 =	simm.s32 $0x1BFF;
	s21 =	sshll.u32 s6, $0x1;
	s3 =	sadd.s32 s4, s19  }
0x9c: {  	s7 =	simm.s32 $0x0;
	s20 =	sshll.u32 s5, $0x1;
	s5 =	sadd.s32 s21, s3  }
0x9d: {  	[timem:s7], [sflag:s22] =	dma.local [hbm:s5], s20  }
0x9e: {  	_ =	swait.ge [sflag:s22], s20  }
0x9f: {  	s4 =	ssub.s32 $0x0, s20;
	[sflag:s22] =	ssyncset.done $0x0  }
0xa0: {  	[sflag:s22] =	ssyncadd.s32 s4;
	_ =	sdelay $0x1  }
0xa1: {  	s23 =	simm.s32 $0x1B8B  }
0xa2: {  	_ =	swait.ge [sflag:s23], $0x1  }
0xa3: {  	[sflag:s23] =	ssyncset.done $0x0  }
0xa4: {  	s25 =	simm.s32 $0x1B8E;
	s24 =	sld [smem:$0x3FFE];
	[sflag:s23] =	ssyncadd.s32 $0xFFFFFFFF  }
0xa5: {  	s26 =	simm.s32 $execute0_lowered;
	[smem:$0x3FD2] =	sst s25  }
0xa6: {  	s5 =	sshll.u32 s26, $0x1;
	_ =	strace $0x80000046;
	[dreg:$0x1] =	wrdreg $0xFFFFFFFF  }
0xa7: {  	s28 =	simm.s32 $_size_execute0_lowered;
	s3 =	sadd.s32 s3, s5;
	[dreg:$0x0] =	wrdreg $0x0  }
0xa8: {  	s5 =	sshll.u32 s28, $0x1;
	[dreg:$0x2] =	wrdreg s3  }
0xa9: {  	[dreg:$0x3] =	wrdreg s5  }
0xaa: {  	[dreg:$0x4] =	wrdreg $0xC0  }
0xab: {  	_ =	task [dreg:s7], $0x5FFFF  }
0xac: {  	[dreg:$0x1] =	wrdreg $0xFFFFFFFF  }
0xad: {  	[dreg:$0x0] =	wrdreg $0x60  }
0xae: {  	[dreg:$0x2] =	wrdreg s24  }
0xaf: {  	[dreg:$0x3] =	wrdreg s2  }
0xb0: {  	[dreg:$0x4] =	wrdreg $0x9  }
0xb1: {  	_ =	task.clear_ibuf [dreg:s7], $0x5FFFF;
	_ =	strace $0x90000046  }
0xb2: {  	s29 =	simm.s32 $0x9;
	_ =	strace $0x80000048  }
0xb3: {  	_ =	swait.ge [sflag:s29], $0x1  }
0xb4: {  	[sflag:s29] =	ssyncadd.s32 $0xFFFFFFFF  }
0xb5: {  	_ =	strace $0x90000048  }
0xb6: {  	_ =	sfence  }
0xb7: {  	s30 =	sld [smem:$0x0];
	_ =	sdelay $0x2  }
0xb8: {  	s31 =	sshll.u32 s1, $0xD;
	s1 =	sshrl.u32 s1, $0x2  }
0xb9: {  	s3 =	sand.u32 $0x4000, s31;
	s1 =	sadd.s32 s1, s30  }
0xba: {  	s0 =	sor.u32 s3, s0;
	s1 =	sshll.u32 s1, $0x11  }
0xbb: {  	s0 =	sor.u32 s1, s0  }
0xbc: {  	s0 =	sadd.s32 $0x8F2B, s0  }
0xbd: {  	[sflag:s0] =	ssyncadd.remote.s32 $0x1  }
0xbe: {  	_ =	sfence.sel $0xFFFF  }
0xbf: {  	[dreg:$0x0] =	wrdreg $0xFFFFFFFF;
	(pc) =	sbr.abs _section_cstart, $3  }
0xc0: {  	[dreg:$0x1] =	wrdreg $0xFFFFFFFF  }
0xc1: {  	_ =	task.clear_ibuf [dreg:s7], $0x2FFFF;
	_ =	strace $0x9FFFFFFF  }
0xc2: {  	(tm) =	ssettm $0x7FFFFFFF  }
0xc3: {  	_ =	shalt  }
tec
execute0_lowered:
.L_overlay_start_1:
0x0: {  	(tag) =	ssettag $0x1  }
0x1: {  	s0 =	rddreg [dreg:$0x0]  }
0x2: {  	s1 =	rddreg [dreg:$0x1]  }
0x3: {  	s3 =	srdreg.scid;
	s2 =	simm.s32 $0x0;
	s14 =	stileid.u32  }
0x4: {  	s5 =	sand.u32 $0x1, s3;
	[smem:$0x7FF] =	sst s2;
	s15 =	sshll.u32 s14, $0x8  }
0x5: {  	s3 =	sadd.s32 $0xA00, s0;
	s4 =	sshll.u32 s5, $0x7;
	s6 =	ssub.s32 $0x2, s5  }
0x6: {  	_ =	strace $0x80000047;
	s7 =	sor.u32 s4, s15;
	s16 =	sshrl.u32 s6, $0x1  }
0x7: {  	s4 =	sadd.s32 $0xF42E00, s0;
	s0 =	ssub.s32 s6, s16;
	s18 =	sor.u32 $0x78, s7  }
0x8: {  	s8 =	smul.u32 $0x19, s7;
	[dreg:$0x17] =	wrdreg s18;
	s0 =	smax.u32 s0, $0x1  }
0x9: {  	s9 =	smul.u32 $0x320000, s14;
	s18 =	simm.s32 $0x148;
	[smem:$0x7FC] =	sst s0  }
0xa: {  	s17 =	smul.u32 $0x190000, s5;
	s11 =	sadd.s32 s3, s8;
	[dreg:$0xb] =	wrdreg s18  }
0xb: {  	s5 =	smul.u32 $0x32000, s5;
	s10 =	sadd.s32 $0x19, s11;
	[dreg:$0x18] =	wrdreg s11  }
0xc: {  	s15 =	smul.u32 $0x64000, s14;
	s19 =	sadd.s32 $0x32, s11;
	[dreg:$0x19] =	wrdreg s10  }
0xd: {  	s21 =	smul.u32 $0xC8, s7;
	s20 =	sadd.s32 $0x4B, s11;
	[dreg:$0x1a] =	wrdreg s19  }
0xe: {  	s8 =	sadd.s32 s17, s9;
	s22 =	sadd.s32 $0x64, s11;
	[dreg:$0x1b] =	wrdreg s20  }
0xf: {  	s25 =	sshrl.u32 s21, $0x3;
	s23 =	sadd.s32 $0x7D, s11;
	[dreg:$0x1c] =	wrdreg s22  }
0x10: {  	s11 =	sadd.s32 s3, s25;
	s25 =	simm.s32 $0x5F8;
	[dreg:$0x1d] =	wrdreg s23  }
0x11: {  	s24 =	sadd.s32 $0x15E00, s8;
	s11 =	sadd.s32 $0x96, s11;
	[dreg:$0x11] =	wrdreg s25  }
0x12: {  	s12 =	sadd.s32 $0x12C00, s8;
	s20 =	sor.u32 $0x8, s7;
	[dreg:$0x1e] =	wrdreg s11  }
0x13: {  	s28 =	sor.u32 $0xFA00, s8;
	s19 =	simm.s32 $0x5840;
	[smem:$0x7FD] =	sst s20  }
0x14: {  	s10 =	sadd.s32 $0x578, s21;
	s21 =	simm.s32 $0x2D8;
	[dreg:$0xc] =	wrdreg s19  }
0x15: {  	s30 =	sor.u32 $0xC800, s8;
	s22 =	simm.s32 $0xBC40;
	[dreg:$0xd] =	wrdreg s21  }
0x16: {  	s13 =	sor.u32 $0x9600, s8;
	s23 =	simm.s32 $0x468;
	[dreg:$0xe] =	wrdreg s22  }
0x17: {  	s9 =	sshrl.u32 s24, $0x3;
	s24 =	simm.s32 $0x12040;
	[dreg:$0xf] =	wrdreg s23  }
0x18: {  	s29 =	sshrl.u32 s28, $0x3;
	s28 =	simm.s32 $0x640;
	[dreg:$0x10] =	wrdreg s24  }
0x19: {  	s12 =	sshrl.u32 s12, $0x3;
	s9 =	sadd.s32 s9, s1;
	[dreg:$0x13] =	wrdreg s28  }
0x1a: {  	s6 =	sshrl.u32 s13, $0x3;
	s26 =	sadd.s32 s12, s1;
	[dreg:$0x3] =	wrdreg s9  }
0x1b: {  	s12 =	sshrl.u32 s30, $0x3;
	s30 =	simm.s32 $0xCE40;
	[dreg:$0x4] =	wrdreg s26  }
0x1c: {  	s13 =	sor.u32 $0x6400, s8;
	s9 =	sadd.s32 s29, s1;
	[dreg:$0x15] =	wrdreg s30  }
0x1d: {  	s8 =	sor.u32 $0x3200, s8;
	s31 =	sadd.s32 s12, s1;
	[dreg:$0x5] =	wrdreg s9  }
0x1e: {  	s8 =	sshrl.u32 s8, $0x3;
	s12 =	sadd.s32 s6, s1;
	[dreg:$0x6] =	wrdreg s31  }
0x1f: {  	s16 =	sshrl.u32 s10, $0x3;
	s8 =	sadd.s32 s8, s1;
	[dreg:$0x7] =	wrdreg s12  }
0x20: {  	s14 =	simm.s32 $0x10;
	s17 =	sadd.s32 s3, s16;
	[dreg:$0x9] =	wrdreg s8  }
0x21: {  	s0 =	simm.s32 $0x0;
	s26 =	simm.s32 $0x18440;
	[dreg:$0x1f] =	wrdreg s17  }
0x22: {  	s10 =	simm.s32 $0xC;
	s29 =	simm.s32 $0x6A40;
	[dreg:$0x12] =	wrdreg s26  }
0x23: {  	s11 =	simm.s32 $0xD;
	s9 =	sshrl.u32 s13, $0x3;
	[dreg:$0x14] =	wrdreg s29  }
0x24: {  	s31 =	simm.s32 $0x13240;
	s8 =	simm.s32 $0xA;
	s12 =	simm.s32 $0xE  }
0x25: {  	s9 =	sadd.s32 s9, s1;
	s1 =	sadd.s32 s15, s1;
	[dreg:$0x16] =	wrdreg s31  }
0x26: {  	s13 =	simm.s32 $0xF;
	[dreg:$0x8] =	wrdreg s9;
	s1 =	sadd.s32 s5, s1  }
0x27: {  	s26 =	simm.s32 $0x80;
	s9 =	simm.s32 $0xB;
	[dreg:$0xa] =	wrdreg s1  }
.LBB2_1:
0x28: {  	[smem:$0x7FB] =	sst s0  }
0x29: {  	s5 =	rddreg [dreg:$0x18]  }
0x2a: {  	[tilespmem:s2], [sflag:$0x1] =	stream.linear.gather [hbm4b:s5+s2], $0xC8, $0x38;
	[tilespmem:$0x19640] =	vst v63  }
0x2b: {  	s22 =	rddreg [dreg:$0x19];
	s20 =	simm.s32 $0xC8  }
0x2c: {  	[tilespmem:s20], [sflag:$0x2] =	stream.linear.gather [hbm4b:s22+s2], $0xC8, $0x38;
	[tilespmem:$0x19640] =	vst v63  }
0x2d: {  	s23 =	rddreg [dreg:$0x1a];
	s21 =	simm.s32 $0x190  }
0x2e: {  	[tilespmem:s21], [sflag:$0x3] =	stream.linear.gather [hbm4b:s23+s2], $0xC8, $0x38;
	[tilespmem:$0x19640] =	vst v63  }
0x2f: {  	s24 =	rddreg [dreg:$0x1b];
	s1 =	simm.s32 $0x258  }
0x30: {  	[tilespmem:s1], [sflag:$0x4] =	stream.linear.gather [hbm4b:s24+s2], $0xC8, $0x38;
	[tilespmem:$0x19640] =	vst v63  }
0x31: {  	s25 =	rddreg [dreg:$0x1c];
	s22 =	simm.s32 $0x320  }
0x32: {  	[tilespmem:s22], [sflag:$0x5] =	stream.linear.gather [hbm4b:s25+s2], $0xC8, $0x38;
	[tilespmem:$0x19640] =	vst v63  }
0x33: {  	s28 =	rddreg [dreg:$0x1d];
	s25 =	simm.s32 $0x3E8  }
0x34: {  	[tilespmem:s25], [sflag:$0x6] =	stream.linear.gather [hbm4b:s28+s2], $0xC8, $0x38;
	[tilespmem:$0x19640] =	vst v63  }
0x35: {  	s29 =	rddreg [dreg:$0x1e];
	p0 =	por $0x1, $0x1;
	s23 =	simm.s32 $0x4B0  }
0x36: {  	[tilespmem:s23], [sflag:$0x7] =	stream.linear.gather [hbm4b:s29+s2], $0xC8, $0x38;
	[tilespmem:$0x19640] =	vst v63  }
0x37: {  	s30 =	rddreg [dreg:$0x1f];
	s5 =	simm.s32 @p0 $0x1;
	s28 =	simm.s32 $0x578  }
0x38: {  	[tilespmem:s28], [sflag:$0x8] =	stream.linear.gather [hbm4b:s30+s2], $0xC8, $0x38;
	[tilespmem:$0x19640] =	vst v63  }
0x39: {  	_ =	swait.ge @p0 [sflag:s5], $0xC8  }
0x3a: {  	s15 =	simm.s32 @p0 $0x640;
	[sflag:s5] =	ssyncset.done @p0 $0x0  }
0x3b: {  	s16 =	simm.s32 @p0 $0x0;
	[sflag:s5] =	ssyncadd.s32 @p0 $0xFFFFFF38;
	s5 =	simm.s32 @p0 $0x80  }
0x3c: {  	[tilespmem:s15], [sflag:$0x9] =	stream.indirect.gather @p0 [hbm4b:s4+s5], $0x40, s16, s5, $0xb8;
	[tilespmem:$0x19640] =	vst v63  }
0x3d: {  	s17 =	simm.s32 @!p0 $0x11;
	s15 =	simm.s32 @p0 $0x48;
	s16 =	simm.s32 @p0 $0x2640  }
0x3e: {  	[tilespmem:s16], [sflag:$0x9] =	stream.indirect.gather @p0 [hbm4b:s4+s15], $0x40, s5, s15, $0xb8;
	[tilespmem:$0x19640] =	vst v63  }
0x3f: {  	_ =	swait.ge @!p0 [sflag:s17], $0x3200  }
0x40: {  	[sflag:s17] =	ssyncset.done @!p0 $0x0  }
0x41: {  	s16 =	simm.s32 @!p0 $0x1;
	[sflag:s17] =	ssyncadd.s32 @!p0 $0xFFFFCE00  }
0x42: {  	_ =	swait.ge @!p0 [sflag:s16], $0xC8  }
0x43: {  	s18 =	simm.s32 @!p0 $0x640;
	[sflag:s16] =	ssyncset.done @!p0 $0x0  }
0x44: {  	s17 =	simm.s32 @!p0 $0x80;
	[sflag:s16] =	ssyncadd.s32 @!p0 $0xFFFFFF38;
	s16 =	simm.s32 @!p0 $0x0  }
0x45: {  	[tilespmem:s18], [sflag:$0x9] =	stream.indirect.gather @!p0 [hbm4b:s4+s17], $0x40, s16, s17, $0xb8;
	[tilespmem:$0x19640] =	vst v63  }
0x46: {  	s19 =	simm.s32 @!p0 $0x12;
	s16 =	simm.s32 @!p0 $0x48;
	s18 =	simm.s32 @!p0 $0x2640  }
0x47: {  	[tilespmem:s18], [sflag:$0x9] =	stream.indirect.gather @!p0 [hbm4b:s4+s16], $0x40, s17, s16, $0xb8;
	[tilespmem:$0x19640] =	vst v63  }
0x48: {  	_ =	swait.ge @!p0 [sflag:s19], $0x3200  }
0x49: {  	[sflag:s19] =	ssyncset.done @!p0 $0x0  }
0x4a: {  	s31 =	simm.s32 $0x2;
	[sflag:s19] =	ssyncadd.s32 @!p0 $0xFFFFCE00  }
0x4b: {  	_ =	swait.ge [sflag:s31], $0xC8  }
0x4c: {  	s24 =	simm.s32 $0x80;
	[sflag:s31] =	ssyncset.done $0x0  }
0x4d: {  	s29 =	simm.s32 $0x3840;
	s0 =	rddreg [dreg:$0xc];
	[sflag:s31] =	ssyncadd.s32 $0xFFFFFF38  }
0x4e: {  	[tilespmem:s29], [sflag:$0xA] =	stream.indirect.gather [hbm4b:s4+s24], $0x40, s20, s24, $0xb8;
	[tilespmem:$0x19640] =	vst v63  }
0x4f: {  	s7 =	simm.s32 $0x48;
	s18 =	simm.s32 @p0 $0x3;
	s6 =	rddreg [dreg:$0xb]  }
0x50: {  	[tilespmem:s0], [sflag:$0xA] =	stream.indirect.gather [hbm4b:s4+s7], $0x40, s6, s7, $0xb8;
	[tilespmem:$0x19640] =	vst v63  }
0x51: {  	_ =	swait.ge @p0 [sflag:s18], $0xC8  }
0x52: {  	[sflag:s18] =	ssyncset.done @p0 $0x0  }
0x53: {  	s19 =	simm.s32 @p0 $0x6A40;
	[sflag:s18] =	ssyncadd.s32 @p0 $0xFFFFFF38;
	s18 =	simm.s32 @p0 $0x190  }
0x54: {  	[tilespmem:s19], [sflag:$0xB] =	stream.indirect.gather @p0 [hbm4b:s4+s5], $0x40, s18, s5, $0xb8;
	[tilespmem:$0x19640] =	vst v63  }
0x55: {  	s18 =	simm.s32 @p0 $0x210;
	s19 =	simm.s32 @p0 $0x8A40  }
0x56: {  	[tilespmem:s19], [sflag:$0xB] =	stream.indirect.gather @p0 [hbm4b:s4+s15], $0x40, s18, s15, $0xb8;
	[tilespmem:$0x19640] =	vst v63  }
0x57: {  	s18 =	simm.s32 @!p0 $0x13  }
0x58: {  	_ =	swait.ge @!p0 [sflag:s18], $0x3200  }
0x59: {  	[sflag:s18] =	ssyncset.done @!p0 $0x0  }
0x5a: {  	[sflag:s18] =	ssyncadd.s32 @!p0 $0xFFFFCE00;
	s18 =	simm.s32 @!p0 $0x3  }
0x5b: {  	_ =	swait.ge @!p0 [sflag:s18], $0xC8  }
0x5c: {  	[sflag:s18] =	ssyncset.done @!p0 $0x0  }
0x5d: {  	s19 =	simm.s32 @!p0 $0x6A40;
	[sflag:s18] =	ssyncadd.s32 @!p0 $0xFFFFFF38;
	s18 =	simm.s32 @!p0 $0x190  }
0x5e: {  	[tilespmem:s19], [sflag:$0xB] =	stream.indirect.gather @!p0 [hbm4b:s4+s17], $0x40, s18, s17, $0xb8;
	[tilespmem:$0x19640] =	vst v63  }
0x5f: {  	s18 =	simm.s32 @!p0 $0x210;
	s19 =	simm.s32 @!p0 $0x8A40  }
0x60: {  	[tilespmem:s19], [sflag:$0xB] =	stream.indirect.gather @!p0 [hbm4b:s4+s16], $0x40, s18, s16, $0xb8;
	[tilespmem:$0x19640] =	vst v63  }
0x61: {  	s18 =	simm.s32 @!p0 $0x14  }
0x62: {  	_ =	swait.ge @!p0 [sflag:s18], $0x3200  }
0x63: {  	[sflag:s18] =	ssyncset.done @!p0 $0x0  }
0x64: {  	s30 =	simm.s32 $0x4;
	[sflag:s18] =	ssyncadd.s32 @!p0 $0xFFFFCE00  }
0x65: {  	_ =	swait.ge [sflag:s30], $0xC8  }
0x66: {  	[sflag:s30] =	ssyncset.done $0x0  }
0x67: {  	s0 =	simm.s32 $0x9C40;
	s31 =	rddreg [dreg:$0xe];
	[sflag:s30] =	ssyncadd.s32 $0xFFFFFF38  }
0x68: {  	[tilespmem:s0], [sflag:$0xC] =	stream.indirect.gather [hbm4b:s4+s24], $0x40, s1, s24, $0xb8;
	[tilespmem:$0x19640] =	vst v63  }
0x69: {  	s18 =	simm.s32 @p0 $0x5;
	s6 =	rddreg [dreg:$0xd]  }
0x6a: {  	[tilespmem:s31], [sflag:$0xC] =	stream.indirect.gather [hbm4b:s4+s7], $0x40, s6, s7, $0xb8;
	[tilespmem:$0x19640] =	vst v63  }
0x6b: {  	_ =	swait.ge @p0 [sflag:s18], $0xC8  }
0x6c: {  	[sflag:s18] =	ssyncset.done @p0 $0x0  }
0x6d: {  	s19 =	simm.s32 @p0 $0xCE40;
	[sflag:s18] =	ssyncadd.s32 @p0 $0xFFFFFF38;
	s18 =	simm.s32 @p0 $0x320  }
0x6e: {  	[tilespmem:s19], [sflag:$0xD] =	stream.indirect.gather @p0 [hbm4b:s4+s5], $0x40, s18, s5, $0xb8;
	[tilespmem:$0x19640] =	vst v63  }
0x6f: {  	s18 =	simm.s32 @p0 $0x3A0;
	s19 =	simm.s32 @p0 $0xEE40  }
0x70: {  	[tilespmem:s19], [sflag:$0xD] =	stream.indirect.gather @p0 [hbm4b:s4+s15], $0x40, s18, s15, $0xb8;
	[tilespmem:$0x19640] =	vst v63  }
0x71: {  	s18 =	simm.s32 @!p0 $0x15  }
0x72: {  	_ =	swait.ge @!p0 [sflag:s18], $0x3200  }
0x73: {  	[sflag:s18] =	ssyncset.done @!p0 $0x0  }
0x74: {  	[sflag:s18] =	ssyncadd.s32 @!p0 $0xFFFFCE00;
	s18 =	simm.s32 @!p0 $0x5  }
0x75: {  	_ =	swait.ge @!p0 [sflag:s18], $0xC8  }
0x76: {  	[sflag:s18] =	ssyncset.done @!p0 $0x0  }
0x77: {  	s19 =	simm.s32 @!p0 $0xCE40;
	[sflag:s18] =	ssyncadd.s32 @!p0 $0xFFFFFF38;
	s18 =	simm.s32 @!p0 $0x320  }
0x78: {  	[tilespmem:s19], [sflag:$0xD] =	stream.indirect.gather @!p0 [hbm4b:s4+s17], $0x40, s18, s17, $0xb8;
	[tilespmem:$0x19640] =	vst v63  }
0x79: {  	s18 =	simm.s32 @!p0 $0x3A0;
	s19 =	simm.s32 @!p0 $0xEE40  }
0x7a: {  	[tilespmem:s19], [sflag:$0xD] =	stream.indirect.gather @!p0 [hbm4b:s4+s16], $0x40, s18, s16, $0xb8;
	[tilespmem:$0x19640] =	vst v63  }
0x7b: {  	s18 =	simm.s32 @!p0 $0x16  }
0x7c: {  	_ =	swait.ge @!p0 [sflag:s18], $0x3200  }
0x7d: {  	[sflag:s18] =	ssyncset.done @!p0 $0x0  }
0x7e: {  	[sflag:s18] =	ssyncadd.s32 @!p0 $0xFFFFCE00;
	s18 =	simm.s32 $0x6  }
0x7f: {  	_ =	swait.ge [sflag:s18], $0xC8  }
0x80: {  	[sflag:s18] =	ssyncset.done $0x0  }
0x81: {  	s6 =	simm.s32 $0x10040;
	s30 =	rddreg [dreg:$0x10];
	[sflag:s18] =	ssyncadd.s32 $0xFFFFFF38  }
0x82: {  	[tilespmem:s6], [sflag:$0xE] =	stream.indirect.gather [hbm4b:s4+s24], $0x40, s25, s24, $0xb8;
	[tilespmem:$0x19640] =	vst v63  }
0x83: {  	s31 =	rddreg [dreg:$0xf];
	s18 =	simm.s32 @p0 $0x7  }
0x84: {  	[tilespmem:s30], [sflag:$0xE] =	stream.indirect.gather [hbm4b:s4+s7], $0x40, s31, s7, $0xb8;
	[tilespmem:$0x19640] =	vst v63  }
0x85: {  	_ =	swait.ge @p0 [sflag:s18], $0xC8  }
0x86: {  	[sflag:s18] =	ssyncset.done @p0 $0x0  }
0x87: {  	s19 =	simm.s32 @p0 $0x13240;
	[sflag:s18] =	ssyncadd.s32 @p0 $0xFFFFFF38;
	s18 =	simm.s32 @p0 $0x4B0  }
0x88: {  	[tilespmem:s19], [sflag:$0xF] =	stream.indirect.gather @p0 [hbm4b:s4+s5], $0x40, s18, s5, $0xb8;
	[tilespmem:$0x19640] =	vst v63  }
0x89: {  	s5 =	simm.s32 @p0 $0x530;
	s18 =	simm.s32 @p0 $0x15240  }
0x8a: {  	[tilespmem:s18], [sflag:$0xF] =	stream.indirect.gather @p0 [hbm4b:s4+s15], $0x40, s5, s15, $0xb8;
	[tilespmem:$0x19640] =	vst v63  }
0x8b: {  	s5 =	simm.s32 @!p0 $0x17  }
0x8c: {  	_ =	swait.ge @!p0 [sflag:s5], $0x3200  }
0x8d: {  	[sflag:s5] =	ssyncset.done @!p0 $0x0  }
0x8e: {  	[sflag:s5] =	ssyncadd.s32 @!p0 $0xFFFFCE00;
	s5 =	simm.s32 @!p0 $0x7  }
0x8f: {  	_ =	swait.ge @!p0 [sflag:s5], $0xC8  }
0x90: {  	[sflag:s5] =	ssyncset.done @!p0 $0x0  }
0x91: {  	s15 =	simm.s32 @!p0 $0x13240;
	[sflag:s5] =	ssyncadd.s32 @!p0 $0xFFFFFF38;
	s5 =	simm.s32 @!p0 $0x4B0  }
0x92: {  	[tilespmem:s15], [sflag:$0xF] =	stream.indirect.gather @!p0 [hbm4b:s4+s17], $0x40, s5, s17, $0xb8;
	[tilespmem:$0x19640] =	vst v63  }
0x93: {  	s5 =	simm.s32 @!p0 $0x530;
	s15 =	simm.s32 @!p0 $0x15240;
	s17 =	simm.s32 @!p0 $0x18  }
0x94: {  	[tilespmem:s15], [sflag:$0xF] =	stream.indirect.gather @!p0 [hbm4b:s4+s16], $0x40, s5, s16, $0xb8;
	[tilespmem:$0x19640] =	vst v63  }
0x95: {  	_ =	swait.ge @!p0 [sflag:s17], $0x3200  }
0x96: {  	[sflag:s17] =	ssyncset.done @!p0 $0x0  }
0x97: {  	s30 =	simm.s32 $0x8;
	[sflag:s17] =	ssyncadd.s32 @!p0 $0xFFFFCE00  }
0x98: {  	_ =	swait.ge [sflag:s30], $0xC8  }
0x99: {  	[sflag:s30] =	ssyncset.done $0x0  }
0x9a: {  	s19 =	simm.s32 $0x16440;
	s31 =	rddreg [dreg:$0x12];
	[sflag:s30] =	ssyncadd.s32 $0xFFFFFF38  }
0x9b: {  	[tilespmem:s19], [sflag:$0x10] =	stream.indirect.gather [hbm4b:s4+s24], $0x40, s28, s24, $0xb8;
	[tilespmem:$0x19640] =	vst v63  }
0x9c: {  	s17 =	simm.s32 $0x9;
	s16 =	rddreg [dreg:$0x11]  }
0x9d: {  	[tilespmem:s31], [sflag:$0x10] =	stream.indirect.gather [hbm4b:s4+s7], $0x40, s16, s7, $0xb8;
	[tilespmem:$0x19640] =	vst v63  }
0x9e: {  	_ =	swait.ge [sflag:s17], $0x2000  }
0x9f: {  	[sflag:s17] =	ssyncset.done $0x0  }
0xa0: {  	[sflag:s17] =	ssyncadd.s32 $0xFFFFE000  }
0xa1: {  	_ =	swait.ge [sflag:s17], $0x1200  }
0xa2: {  	s18 =	sld [smem:$0x7FD];
	_ =	sdelay $0x1  }
0xa3: {  	s16 =	rddreg [dreg:$0x17]  }
0xa4: {  	s24 =	rddreg [dreg:$0xa];
	p0 =	slt.s32 s18, s16  }
0xa5: {  	s28 =	rddreg [dreg:$0x13];
	[sflag:s17] =	ssyncset.done $0x0;
	s16 =	smov.u32 @p0 s18  }
0xa6: {  	[sflag:s17] =	ssyncadd.s32 $0xFFFFEE00;
	s5 =	sadd.s32 $0x0, s24;
	s30 =	smul.u32 $0x19, s16  }
0xa7: {  	[hbm4b:s5+s2] =	stream.linear.scatter [tilespmem:s28], [sflag:$0x11], $0x3200, $0x38;
	[tilespmem:$0x19640] =	vst v63  }
0xa8: {  	s31 =	sadd.s32 s3, s30  }
0xa9: {  	[tilespmem:s2], [sflag:$0x1] =	stream.linear.gather [hbm4b:s31+s2], $0xC8, $0x38;
	[tilespmem:$0x19640] =	vst v63  }
0xaa: {  	_ =	swait.ge [sflag:s8], $0x2000  }
0xab: {  	[sflag:s8] =	ssyncset.done $0x0  }
0xac: {  	s5 =	smul.u32 $0xC8, s16;
	[sflag:s8] =	ssyncadd.s32 $0xFFFFE000  }
0xad: {  	_ =	swait.ge [sflag:s8], $0x1200  }
0xae: {  	s16 =	sadd.s32 $0xC8, s5;
	s7 =	rddreg [dreg:$0x9];
	[sflag:s8] =	ssyncset.done $0x0  }
0xaf: {  	s16 =	sshrl.u32 s16, $0x3;
	[sflag:s8] =	ssyncadd.s32 $0xFFFFEE00;
	s15 =	sadd.s32 $0x0, s7  }
0xb0: {  	[hbm4b:s15+s2] =	stream.linear.scatter [tilespmem:s29], [sflag:$0x12], $0x3200, $0x38;
	[tilespmem:$0x19640] =	vst v63  }
0xb1: {  	s17 =	sadd.s32 s3, s16  }
0xb2: {  	[tilespmem:s20], [sflag:$0x2] =	stream.linear.gather [hbm4b:s17+s2], $0xC8, $0x38;
	[tilespmem:$0x19640] =	vst v63  }
0xb3: {  	_ =	swait.ge [sflag:s9], $0x2000  }
0xb4: {  	[sflag:s9] =	ssyncset.done $0x0  }
0xb5: {  	[sflag:s9] =	ssyncadd.s32 $0xFFFFE000  }
0xb6: {  	s28 =	sshrl.u32 s5, $0x3;
	_ =	swait.ge [sflag:s9], $0x1200  }
0xb7: {  	s17 =	sadd.s32 s3, s28;
	s20 =	rddreg [dreg:$0x8];
	[sflag:s9] =	ssyncset.done $0x0  }
0xb8: {  	s24 =	rddreg [dreg:$0x14];
	[sflag:s9] =	ssyncadd.s32 $0xFFFFEE00;
	s15 =	sadd.s32 $0x0, s20  }
0xb9: {  	[hbm4b:s15+s2] =	stream.linear.scatter [tilespmem:s24], [sflag:$0x13], $0x3200, $0x38;
	[tilespmem:$0x19640] =	vst v63  }
0xba: {  	s29 =	sadd.s32 $0x32, s17  }
0xbb: {  	[tilespmem:s21], [sflag:$0x3] =	stream.linear.gather [hbm4b:s29+s2], $0xC8, $0x38;
	[tilespmem:$0x19640] =	vst v63  }
0xbc: {  	_ =	swait.ge [sflag:s10], $0x2000  }
0xbd: {  	[sflag:s10] =	ssyncset.done $0x0  }
0xbe: {  	[sflag:s10] =	ssyncadd.s32 $0xFFFFE000  }
0xbf: {  	_ =	swait.ge [sflag:s10], $0x1200  }
0xc0: {  	s31 =	sadd.s32 $0x258, s5;
	s30 =	rddreg [dreg:$0x7];
	[sflag:s10] =	ssyncset.done $0x0  }
0xc1: {  	s16 =	sshrl.u32 s31, $0x3;
	[sflag:s10] =	ssyncadd.s32 $0xFFFFEE00;
	s15 =	sadd.s32 $0x0, s30  }
0xc2: {  	[hbm4b:s15+s2] =	stream.linear.scatter [tilespmem:s0], [sflag:$0x14], $0x3200, $0x38;
	[tilespmem:$0x19640] =	vst v63  }
0xc3: {  	s0 =	sadd.s32 s3, s16  }
0xc4: {  	[tilespmem:s1], [sflag:$0x4] =	stream.linear.gather [hbm4b:s0+s2], $0xC8, $0x38;
	[tilespmem:$0x19640] =	vst v63  }
0xc5: {  	_ =	swait.ge [sflag:s11], $0x2000  }
0xc6: {  	[sflag:s11] =	ssyncset.done $0x0  }
0xc7: {  	[sflag:s11] =	ssyncadd.s32 $0xFFFFE000  }
0xc8: {  	_ =	swait.ge [sflag:s11], $0x1200  }
0xc9: {  	s1 =	rddreg [dreg:$0x6];
	[sflag:s11] =	ssyncset.done $0x0  }
0xca: {  	s7 =	rddreg [dreg:$0x15];
	[sflag:s11] =	ssyncadd.s32 $0xFFFFEE00;
	s15 =	sadd.s32 $0x0, s1  }
0xcb: {  	[hbm4b:s15+s2] =	stream.linear.scatter [tilespmem:s7], [sflag:$0x15], $0x3200, $0x38;
	[tilespmem:$0x19640] =	vst v63  }
0xcc: {  	s20 =	sadd.s32 $0x64, s17  }
0xcd: {  	[tilespmem:s22], [sflag:$0x5] =	stream.linear.gather [hbm4b:s20+s2], $0xC8, $0x38;
	[tilespmem:$0x19640] =	vst v63  }
0xce: {  	_ =	swait.ge [sflag:s12], $0x2000  }
0xcf: {  	[sflag:s12] =	ssyncset.done $0x0  }
0xd0: {  	[sflag:s12] =	ssyncadd.s32 $0xFFFFE000  }
0xd1: {  	_ =	swait.ge [sflag:s12], $0x1200  }
0xd2: {  	s22 =	sadd.s32 $0x3E8, s5;
	s21 =	rddreg [dreg:$0x5];
	[sflag:s12] =	ssyncset.done $0x0  }
0xd3: {  	s16 =	sshrl.u32 s22, $0x3;
	[sflag:s12] =	ssyncadd.s32 $0xFFFFEE00;
	s15 =	sadd.s32 $0x0, s21  }
0xd4: {  	[hbm4b:s15+s2] =	stream.linear.scatter [tilespmem:s6], [sflag:$0x16], $0x3200, $0x38;
	[tilespmem:$0x19640] =	vst v63  }
0xd5: {  	s24 =	sadd.s32 s3, s16  }
0xd6: {  	[tilespmem:s25], [sflag:$0x6] =	stream.linear.gather [hbm4b:s24+s2], $0xC8, $0x38;
	[tilespmem:$0x19640] =	vst v63  }
0xd7: {  	_ =	swait.ge [sflag:s13], $0x2000  }
0xd8: {  	[sflag:s13] =	ssyncset.done $0x0  }
0xd9: {  	[sflag:s13] =	ssyncadd.s32 $0xFFFFE000  }
0xda: {  	_ =	swait.ge [sflag:s13], $0x1200  }
0xdb: {  	s28 =	rddreg [dreg:$0x4];
	[sflag:s13] =	ssyncset.done $0x0  }
0xdc: {  	s29 =	rddreg [dreg:$0x16];
	[sflag:s13] =	ssyncadd.s32 $0xFFFFEE00;
	s15 =	sadd.s32 $0x0, s28  }
0xdd: {  	[hbm4b:s15+s2] =	stream.linear.scatter [tilespmem:s29], [sflag:$0x17], $0x3200, $0x38;
	[tilespmem:$0x19640] =	vst v63  }
0xde: {  	s30 =	sadd.s32 $0x96, s17  }
0xdf: {  	[tilespmem:s23], [sflag:$0x7] =	stream.linear.gather [hbm4b:s30+s2], $0xC8, $0x38;
	[tilespmem:$0x19640] =	vst v63  }
0xe0: {  	_ =	swait.ge [sflag:s14], $0x2000  }
0xe1: {  	[sflag:s14] =	ssyncset.done $0x0  }
0xe2: {  	[sflag:s14] =	ssyncadd.s32 $0xFFFFE000  }
0xe3: {  	p1 =	por $0x0, $0x0;
	s17 =	simm.s32 $0x6400;
	_ =	swait.ge [sflag:s14], $0x1200  }
0xe4: {  	s5 =	sadd.s32 $0x578, s5;
	s31 =	rddreg [dreg:$0x3];
	[sflag:s14] =	ssyncset.done $0x0  }
0xe5: {  	s5 =	sshrl.u32 s5, $0x3;
	[sflag:s14] =	ssyncadd.s32 $0xFFFFEE00;
	s15 =	sadd.s32 $0x0, s31  }
0xe6: {  	[hbm4b:s15+s2] =	stream.linear.scatter [tilespmem:s19], [sflag:$0x18], $0x3200, $0x38;
	[tilespmem:$0x19640] =	vst v63  }
0xe7: {  	s16 =	sadd.s32 s3, s5;
	s5 =	smov.u32 s18;
	s15 =	simm.s32 $0x3200  }
.LBB2_2:
0xe8: {  	s18 =	simm.s32 @p1 $0x1;
	s28 =	simm.s32 $0x578  }
0xe9: {  	[tilespmem:s28], [sflag:$0x8] =	stream.linear.gather [hbm4b:s16+s2], $0xC8, $0x38;
	[tilespmem:$0x19640] =	vst v63  }
0xea: {  	_ =	swait.ge @p1 [sflag:s18], $0xC8  }
0xeb: {  	s20 =	simm.s32 @p1 $0x0;
	[sflag:s18] =	ssyncset.done @p1 $0x0  }
0xec: {  	s16 =	simm.s32 @p1 $0x640;
	[sflag:s18] =	ssyncadd.s32 @p1 $0xFFFFFF38;
	s18 =	simm.s32 @p1 $0x80  }
0xed: {  	[tilespmem:s16], [sflag:$0x9] =	stream.indirect.gather @p1 [hbm4b:s4+s18], $0x40, s20, s18, $0xb8;
	[tilespmem:$0x19640] =	vst v63  }
0xee: {  	s21 =	simm.s32 @p1 $0x48;
	s16 =	simm.s32 @p1 $0x2640;
	s20 =	simm.s32 @!p1 $0x11  }
0xef: {  	[tilespmem:s16], [sflag:$0x9] =	stream.indirect.gather @p1 [hbm4b:s4+s21], $0x40, s18, s21, $0xb8;
	[tilespmem:$0x19640] =	vst v63  }
0xf0: {  	_ =	swait.ge @!p1 [sflag:s20], $0x3200  }
0xf1: {  	[sflag:s20] =	ssyncset.done @!p1 $0x0  }
0xf2: {  	s16 =	simm.s32 @!p1 $0x1;
	[sflag:s20] =	ssyncadd.s32 @!p1 $0xFFFFCE00  }
0xf3: {  	_ =	swait.ge @!p1 [sflag:s16], $0xC8  }
0xf4: {  	s22 =	simm.s32 @!p1 $0x640;
	[sflag:s16] =	ssyncset.done @!p1 $0x0  }
0xf5: {  	s20 =	simm.s32 @!p1 $0x80;
	[sflag:s16] =	ssyncadd.s32 @!p1 $0xFFFFFF38;
	s16 =	simm.s32 @!p1 $0x0  }
0xf6: {  	[tilespmem:s22], [sflag:$0x9] =	stream.indirect.gather @!p1 [hbm4b:s4+s20], $0x40, s16, s20, $0xb8;
	[tilespmem:$0x19640] =	vst v63  }
0xf7: {  	s25 =	simm.s32 @!p1 $0x12;
	s16 =	simm.s32 @!p1 $0x48;
	s22 =	simm.s32 @!p1 $0x2640  }
0xf8: {  	[tilespmem:s22], [sflag:$0x9] =	stream.indirect.gather @!p1 [hbm4b:s4+s16], $0x40, s20, s16, $0xb8;
	[tilespmem:$0x19640] =	vst v63  }
0xf9: {  	_ =	swait.ge @!p1 [sflag:s25], $0x3200  }
0xfa: {  	[sflag:s25] =	ssyncset.done @!p1 $0x0  }
0xfb: {  	s1 =	simm.s32 $0x2;
	[sflag:s25] =	ssyncadd.s32 @!p1 $0xFFFFCE00  }
0xfc: {  	_ =	swait.ge [sflag:s1], $0xC8  }
0xfd: {  	s31 =	simm.s32 $0xC8;
	[sflag:s1] =	ssyncset.done $0x0  }
0xfe: {  	s30 =	simm.s32 $0x3840;
	s0 =	rddreg [dreg:$0xc];
	[sflag:s1] =	ssyncadd.s32 $0xFFFFFF38  }
0xff: {  	[tilespmem:s30], [sflag:$0xA] =	stream.indirect.gather [hbm4b:s4+s26], $0x40, s31, s26, $0xb8;
	[tilespmem:$0x19640] =	vst v63  }
0x100: {  	s29 =	simm.s32 @p1 $0x3;
	s7 =	simm.s32 $0x48;
	s6 =	rddreg [dreg:$0xb]  }
0x101: {  	[tilespmem:s0], [sflag:$0xA] =	stream.indirect.gather [hbm4b:s4+s7], $0x40, s6, s7, $0xb8;
	[tilespmem:$0x19640] =	vst v63  }
0x102: {  	_ =	swait.ge @p1 [sflag:s29], $0xC8  }
0x103: {  	[sflag:s29] =	ssyncset.done @p1 $0x0  }
0x104: {  	s22 =	simm.s32 @p1 $0x190;
	s25 =	simm.s32 @p1 $0x6A40;
	[sflag:s29] =	ssyncadd.s32 @p1 $0xFFFFFF38  }
0x105: {  	[tilespmem:s25], [sflag:$0xB] =	stream.indirect.gather @p1 [hbm4b:s4+s18], $0x40, s22, s18, $0xb8;
	[tilespmem:$0x19640] =	vst v63  }
0x106: {  	s29 =	simm.s32 @!p1 $0x13;
	s22 =	simm.s32 @p1 $0x210;
	s25 =	simm.s32 @p1 $0x8A40  }
0x107: {  	[tilespmem:s25], [sflag:$0xB] =	stream.indirect.gather @p1 [hbm4b:s4+s21], $0x40, s22, s21, $0xb8;
	[tilespmem:$0x19640] =	vst v63  }
0x108: {  	_ =	swait.ge @!p1 [sflag:s29], $0x3200  }
0x109: {  	[sflag:s29] =	ssyncset.done @!p1 $0x0  }
0x10a: {  	s22 =	simm.s32 @!p1 $0x3;
	[sflag:s29] =	ssyncadd.s32 @!p1 $0xFFFFCE00  }
0x10b: {  	_ =	swait.ge @!p1 [sflag:s22], $0xC8  }
0x10c: {  	[sflag:s22] =	ssyncset.done @!p1 $0x0  }
0x10d: {  	s25 =	simm.s32 @!p1 $0x6A40;
	[sflag:s22] =	ssyncadd.s32 @!p1 $0xFFFFFF38;
	s22 =	simm.s32 @!p1 $0x190  }
0x10e: {  	[tilespmem:s25], [sflag:$0xB] =	stream.indirect.gather @!p1 [hbm4b:s4+s20], $0x40, s22, s20, $0xb8;
	[tilespmem:$0x19640] =	vst v63  }
0x10f: {  	s29 =	simm.s32 @!p1 $0x14;
	s22 =	simm.s32 @!p1 $0x210;
	s25 =	simm.s32 @!p1 $0x8A40  }
0x110: {  	[tilespmem:s25], [sflag:$0xB] =	stream.indirect.gather @!p1 [hbm4b:s4+s16], $0x40, s22, s16, $0xb8;
	[tilespmem:$0x19640] =	vst v63  }
0x111: {  	_ =	swait.ge @!p1 [sflag:s29], $0x3200  }
0x112: {  	[sflag:s29] =	ssyncset.done @!p1 $0x0  }
0x113: {  	s22 =	simm.s32 $0x4;
	[sflag:s29] =	ssyncadd.s32 @!p1 $0xFFFFCE00  }
0x114: {  	_ =	swait.ge [sflag:s22], $0xC8  }
0x115: {  	s1 =	simm.s32 $0x258;
	[sflag:s22] =	ssyncset.done $0x0  }
0x116: {  	s0 =	simm.s32 $0x9C40;
	s23 =	rddreg [dreg:$0xe];
	[sflag:s22] =	ssyncadd.s32 $0xFFFFFF38  }
0x117: {  	[tilespmem:s0], [sflag:$0xC] =	stream.indirect.gather [hbm4b:s4+s26], $0x40, s1, s26, $0xb8;
	[tilespmem:$0x19640] =	vst v63  }
0x118: {  	s29 =	simm.s32 @p1 $0x5;
	s24 =	rddreg [dreg:$0xd]  }
0x119: {  	[tilespmem:s23], [sflag:$0xC] =	stream.indirect.gather [hbm4b:s4+s7], $0x40, s24, s7, $0xb8;
	[tilespmem:$0x19640] =	vst v63  }
0x11a: {  	_ =	swait.ge @p1 [sflag:s29], $0xC8  }
0x11b: {  	[sflag:s29] =	ssyncset.done @p1 $0x0  }
0x11c: {  	s25 =	simm.s32 @p1 $0xCE40;
	s22 =	simm.s32 @p1 $0x320;
	[sflag:s29] =	ssyncadd.s32 @p1 $0xFFFFFF38  }
0x11d: {  	[tilespmem:s25], [sflag:$0xD] =	stream.indirect.gather @p1 [hbm4b:s4+s18], $0x40, s22, s18, $0xb8;
	[tilespmem:$0x19640] =	vst v63  }
0x11e: {  	s29 =	simm.s32 @!p1 $0x15;
	s22 =	simm.s32 @p1 $0x3A0;
	s25 =	simm.s32 @p1 $0xEE40  }
0x11f: {  	[tilespmem:s25], [sflag:$0xD] =	stream.indirect.gather @p1 [hbm4b:s4+s21], $0x40, s22, s21, $0xb8;
	[tilespmem:$0x19640] =	vst v63  }
0x120: {  	_ =	swait.ge @!p1 [sflag:s29], $0x3200  }
0x121: {  	[sflag:s29] =	ssyncset.done @!p1 $0x0  }
0x122: {  	s22 =	simm.s32 @!p1 $0x5;
	[sflag:s29] =	ssyncadd.s32 @!p1 $0xFFFFCE00  }
0x123: {  	_ =	swait.ge @!p1 [sflag:s22], $0xC8  }
0x124: {  	[sflag:s22] =	ssyncset.done @!p1 $0x0  }
0x125: {  	s25 =	simm.s32 @!p1 $0xCE40;
	[sflag:s22] =	ssyncadd.s32 @!p1 $0xFFFFFF38;
	s22 =	simm.s32 @!p1 $0x320  }
0x126: {  	[tilespmem:s25], [sflag:$0xD] =	stream.indirect.gather @!p1 [hbm4b:s4+s20], $0x40, s22, s20, $0xb8;
	[tilespmem:$0x19640] =	vst v63  }
0x127: {  	s29 =	simm.s32 @!p1 $0x16;
	s22 =	simm.s32 @!p1 $0x3A0;
	s25 =	simm.s32 @!p1 $0xEE40  }
0x128: {  	[tilespmem:s25], [sflag:$0xD] =	stream.indirect.gather @!p1 [hbm4b:s4+s16], $0x40, s22, s16, $0xb8;
	[tilespmem:$0x19640] =	vst v63  }
0x129: {  	_ =	swait.ge @!p1 [sflag:s29], $0x3200  }
0x12a: {  	[sflag:s29] =	ssyncset.done @!p1 $0x0  }
0x12b: {  	s23 =	simm.s32 $0x6;
	[sflag:s29] =	ssyncadd.s32 @!p1 $0xFFFFCE00  }
0x12c: {  	_ =	swait.ge [sflag:s23], $0xC8  }
0x12d: {  	s6 =	simm.s32 $0x10040;
	[sflag:s23] =	ssyncset.done $0x0  }
0x12e: {  	s25 =	rddreg [dreg:$0x10];
	[sflag:s23] =	ssyncadd.s32 $0xFFFFFF38;
	s23 =	simm.s32 $0x3E8  }
0x12f: {  	[tilespmem:s6], [sflag:$0xE] =	stream.indirect.gather [hbm4b:s4+s26], $0x40, s23, s26, $0xb8;
	[tilespmem:$0x19640] =	vst v63  }
0x130: {  	s29 =	simm.s32 @p1 $0x7;
	s24 =	rddreg [dreg:$0xf]  }
0x131: {  	[tilespmem:s25], [sflag:$0xE] =	stream.indirect.gather [hbm4b:s4+s7], $0x40, s24, s7, $0xb8;
	[tilespmem:$0x19640] =	vst v63  }
0x132: {  	_ =	swait.ge @p1 [sflag:s29], $0xC8  }
0x133: {  	[sflag:s29] =	ssyncset.done @p1 $0x0  }
0x134: {  	s22 =	simm.s32 @p1 $0x4B0;
	s25 =	simm.s32 @p1 $0x13240;
	[sflag:s29] =	ssyncadd.s32 @p1 $0xFFFFFF38  }
0x135: {  	[tilespmem:s25], [sflag:$0xF] =	stream.indirect.gather @p1 [hbm4b:s4+s18], $0x40, s22, s18, $0xb8;
	[tilespmem:$0x19640] =	vst v63  }
0x136: {  	s18 =	simm.s32 @p1 $0x530;
	s22 =	simm.s32 @p1 $0x15240;
	s25 =	simm.s32 @!p1 $0x17  }
0x137: {  	[tilespmem:s22], [sflag:$0xF] =	stream.indirect.gather @p1 [hbm4b:s4+s21], $0x40, s18, s21, $0xb8;
	[tilespmem:$0x19640] =	vst v63  }
0x138: {  	_ =	swait.ge @!p1 [sflag:s25], $0x3200  }
0x139: {  	[sflag:s25] =	ssyncset.done @!p1 $0x0  }
0x13a: {  	s18 =	simm.s32 @!p1 $0x7;
	[sflag:s25] =	ssyncadd.s32 @!p1 $0xFFFFCE00  }
0x13b: {  	_ =	swait.ge @!p1 [sflag:s18], $0xC8  }
0x13c: {  	[sflag:s18] =	ssyncset.done @!p1 $0x0  }
0x13d: {  	s21 =	simm.s32 @!p1 $0x13240;
	[sflag:s18] =	ssyncadd.s32 @!p1 $0xFFFFFF38;
	s18 =	simm.s32 @!p1 $0x4B0  }
0x13e: {  	[tilespmem:s21], [sflag:$0xF] =	stream.indirect.gather @!p1 [hbm4b:s4+s20], $0x40, s18, s20, $0xb8;
	[tilespmem:$0x19640] =	vst v63  }
0x13f: {  	s18 =	simm.s32 @!p1 $0x530;
	s20 =	simm.s32 @!p1 $0x15240;
	s21 =	simm.s32 @!p1 $0x18  }
0x140: {  	[tilespmem:s20], [sflag:$0xF] =	stream.indirect.gather @!p1 [hbm4b:s4+s16], $0x40, s18, s16, $0xb8;
	[tilespmem:$0x19640] =	vst v63  }
0x141: {  	_ =	swait.ge @!p1 [sflag:s21], $0x3200  }
0x142: {  	[sflag:s21] =	ssyncset.done @!p1 $0x0  }
0x143: {  	s20 =	simm.s32 $0x8;
	[sflag:s21] =	ssyncadd.s32 @!p1 $0xFFFFCE00  }
0x144: {  	_ =	swait.ge [sflag:s20], $0xC8  }
0x145: {  	[sflag:s20] =	ssyncset.done $0x0  }
0x146: {  	s24 =	simm.s32 $0x16440;
	s21 =	rddreg [dreg:$0x12];
	[sflag:s20] =	ssyncadd.s32 $0xFFFFFF38  }
0x147: {  	[tilespmem:s24], [sflag:$0x10] =	stream.indirect.gather [hbm4b:s4+s26], $0x40, s28, s26, $0xb8;
	[tilespmem:$0x19640] =	vst v63  }
0x148: {  	s25 =	simm.s32 $0x9;
	s22 =	rddreg [dreg:$0x11]  }
0x149: {  	[tilespmem:s21], [sflag:$0x10] =	stream.indirect.gather [hbm4b:s4+s7], $0x40, s22, s7, $0xb8;
	[tilespmem:$0x19640] =	vst v63  }
0x14a: {  	_ =	swait.ge [sflag:s25], $0x2000  }
0x14b: {  	[sflag:s25] =	ssyncset.done $0x0  }
0x14c: {  	[sflag:s25] =	ssyncadd.s32 $0xFFFFE000  }
0x14d: {  	_ =	swait.ge [sflag:s25], $0x1200  }
0x14e: {  	s5 =	sadd.s32 $0x8, s5;
	s20 =	rddreg [dreg:$0x17]  }
0x14f: {  	s19 =	smov.u32 s15;
	s28 =	rddreg [dreg:$0xa];
	p1 =	slt.s32 s5, s20  }
0x150: {  	s29 =	rddreg [dreg:$0x13];
	[sflag:s25] =	ssyncset.done $0x0;
	s20 =	smov.u32 @p1 s5  }
0x151: {  	[sflag:s25] =	ssyncadd.s32 $0xFFFFEE00;
	s16 =	sadd.s32 s19, s28;
	s7 =	smul.u32 $0x19, s20  }
0x152: {  	[hbm4b:s16+s2] =	stream.linear.scatter [tilespmem:s29], [sflag:$0x11], $0x3200, $0x38;
	[tilespmem:$0x19640] =	vst v63  }
0x153: {  	s22 =	sadd.s32 s3, s7  }
0x154: {  	[tilespmem:s2], [sflag:$0x1] =	stream.linear.gather [hbm4b:s22+s2], $0xC8, $0x38;
	[tilespmem:$0x19640] =	vst v63  }
0x155: {  	_ =	swait.ge [sflag:s8], $0x2000  }
0x156: {  	s21 =	smul.u32 $0xC8, s20;
	[sflag:s8] =	ssyncset.done $0x0  }
0x157: {  	[sflag:s8] =	ssyncadd.s32 $0xFFFFE000  }
0x158: {  	s25 =	sadd.s32 $0xC8, s21;
	s29 =	sadd.s32 $0x258, s21;
	_ =	swait.ge [sflag:s8], $0x1200  }
0x159: {  	s22 =	sshrl.u32 s25, $0x3;
	s7 =	rddreg [dreg:$0x9];
	[sflag:s8] =	ssyncset.done $0x0  }
0x15a: {  	s25 =	sshrl.u32 s29, $0x3;
	[sflag:s8] =	ssyncadd.s32 $0xFFFFEE00;
	s29 =	sadd.s32 s19, s7  }
0x15b: {  	[hbm4b:s29+s2] =	stream.linear.scatter [tilespmem:s30], [sflag:$0x12], $0x3200, $0x38;
	[tilespmem:$0x19640] =	vst v63  }
0x15c: {  	s30 =	sadd.s32 s3, s22  }
0x15d: {  	[tilespmem:s31], [sflag:$0x2] =	stream.linear.gather [hbm4b:s30+s2], $0xC8, $0x38;
	[tilespmem:$0x19640] =	vst v63  }
0x15e: {  	_ =	swait.ge [sflag:s9], $0x2000  }
0x15f: {  	[sflag:s9] =	ssyncset.done $0x0  }
0x160: {  	s28 =	sshrl.u32 s21, $0x3;
	[sflag:s9] =	ssyncadd.s32 $0xFFFFE000  }
0x161: {  	s20 =	sadd.s32 $0x3E8, s21;
	s18 =	sadd.s32 s3, s28;
	_ =	swait.ge [sflag:s9], $0x1200  }
0x162: {  	s28 =	sadd.s32 $0x578, s21;
	s31 =	rddreg [dreg:$0x8];
	[sflag:s9] =	ssyncset.done $0x0  }
0x163: {  	s7 =	rddreg [dreg:$0x14];
	[sflag:s9] =	ssyncadd.s32 $0xFFFFEE00;
	s21 =	sadd.s32 s19, s31  }
0x164: {  	[hbm4b:s21+s2] =	stream.linear.scatter [tilespmem:s7], [sflag:$0x13], $0x3200, $0x38;
	[tilespmem:$0x19640] =	vst v63  }
0x165: {  	s16 =	sshrl.u32 s28, $0x3;
	s28 =	sadd.s32 $0x32, s18;
	s29 =	simm.s32 $0x190  }
0x166: {  	[tilespmem:s29], [sflag:$0x3] =	stream.linear.gather [hbm4b:s28+s2], $0xC8, $0x38;
	[tilespmem:$0x19640] =	vst v63  }
0x167: {  	_ =	swait.ge [sflag:s10], $0x2000  }
0x168: {  	[sflag:s10] =	ssyncset.done $0x0  }
0x169: {  	[sflag:s10] =	ssyncadd.s32 $0xFFFFE000  }
0x16a: {  	_ =	swait.ge [sflag:s10], $0x1200  }
0x16b: {  	s30 =	rddreg [dreg:$0x7];
	[sflag:s10] =	ssyncset.done $0x0  }
0x16c: {  	[sflag:s10] =	ssyncadd.s32 $0xFFFFEE00;
	s21 =	sadd.s32 s19, s30  }
0x16d: {  	[hbm4b:s21+s2] =	stream.linear.scatter [tilespmem:s0], [sflag:$0x14], $0x3200, $0x38;
	[tilespmem:$0x19640] =	vst v63  }
0x16e: {  	s31 =	sadd.s32 s3, s25  }
0x16f: {  	[tilespmem:s1], [sflag:$0x4] =	stream.linear.gather [hbm4b:s31+s2], $0xC8, $0x38;
	[tilespmem:$0x19640] =	vst v63  }
0x170: {  	_ =	swait.ge [sflag:s11], $0x2000  }
0x171: {  	[sflag:s11] =	ssyncset.done $0x0  }
0x172: {  	[sflag:s11] =	ssyncadd.s32 $0xFFFFE000  }
0x173: {  	_ =	swait.ge [sflag:s11], $0x1200  }
0x174: {  	s0 =	rddreg [dreg:$0x6];
	[sflag:s11] =	ssyncset.done $0x0  }
0x175: {  	s1 =	rddreg [dreg:$0x15];
	[sflag:s11] =	ssyncadd.s32 $0xFFFFEE00;
	s21 =	sadd.s32 s19, s0  }
0x176: {  	[hbm4b:s21+s2] =	stream.linear.scatter [tilespmem:s1], [sflag:$0x15], $0x3200, $0x38;
	[tilespmem:$0x19640] =	vst v63  }
0x177: {  	s22 =	simm.s32 $0x320;
	s7 =	sadd.s32 $0x64, s18  }
0x178: {  	[tilespmem:s22], [sflag:$0x5] =	stream.linear.gather [hbm4b:s7+s2], $0xC8, $0x38;
	[tilespmem:$0x19640] =	vst v63  }
0x179: {  	_ =	swait.ge [sflag:s12], $0x2000  }
0x17a: {  	[sflag:s12] =	ssyncset.done $0x0  }
0x17b: {  	[sflag:s12] =	ssyncadd.s32 $0xFFFFE000  }
0x17c: {  	_ =	swait.ge [sflag:s12], $0x1200  }
0x17d: {  	s25 =	rddreg [dreg:$0x5];
	[sflag:s12] =	ssyncset.done $0x0  }
0x17e: {  	s20 =	sshrl.u32 s20, $0x3;
	[sflag:s12] =	ssyncadd.s32 $0xFFFFEE00;
	s21 =	sadd.s32 s19, s25  }
0x17f: {  	[hbm4b:s21+s2] =	stream.linear.scatter [tilespmem:s6], [sflag:$0x16], $0x3200, $0x38;
	[tilespmem:$0x19640] =	vst v63  }
0x180: {  	s20 =	sadd.s32 s3, s20  }
0x181: {  	[tilespmem:s23], [sflag:$0x6] =	stream.linear.gather [hbm4b:s20+s2], $0xC8, $0x38;
	[tilespmem:$0x19640] =	vst v63  }
0x182: {  	_ =	swait.ge [sflag:s13], $0x2000  }
0x183: {  	[sflag:s13] =	ssyncset.done $0x0  }
0x184: {  	[sflag:s13] =	ssyncadd.s32 $0xFFFFE000  }
0x185: {  	_ =	swait.ge [sflag:s13], $0x1200  }
0x186: {  	s28 =	rddreg [dreg:$0x4];
	[sflag:s13] =	ssyncset.done $0x0  }
0x187: {  	s29 =	rddreg [dreg:$0x16];
	[sflag:s13] =	ssyncadd.s32 $0xFFFFEE00;
	s20 =	sadd.s32 s19, s28  }
0x188: {  	[hbm4b:s20+s2] =	stream.linear.scatter [tilespmem:s29], [sflag:$0x17], $0x3200, $0x38;
	[tilespmem:$0x19640] =	vst v63  }
0x189: {  	s18 =	sadd.s32 $0x96, s18;
	s30 =	simm.s32 $0x4B0  }
0x18a: {  	[tilespmem:s30], [sflag:$0x7] =	stream.linear.gather [hbm4b:s18+s2], $0xC8, $0x38;
	[tilespmem:$0x19640] =	vst v63  }
0x18b: {  	s15 =	smov.u32 s17;
	s17 =	sadd.s32 $0x3200, s17;
	_ =	swait.ge [sflag:s14], $0x2000  }
0x18c: {  	p0 =	sne.s32 s17, $0x32000;
	[sflag:s14] =	ssyncset.done $0x0  }
.Ltmp0:
0x18d: {  	[sflag:s14] =	ssyncadd.s32 $0xFFFFE000;
	(pc) =	sbr.rel @p0 .LBB2_2-.Ltmp0, $4  }
0x18e: {  	_ =	swait.ge [sflag:s14], $0x1200  }
0x18f: {  	p1 =	seq.s32 s15, $0x0;
	s31 =	rddreg [dreg:$0x3];
	[sflag:s14] =	ssyncset.done $0x0  }
0x190: {  	s16 =	sadd.s32 s3, s16;
	[sflag:s14] =	ssyncadd.s32 $0xFFFFEE00;
	s18 =	sadd.s32 s19, s31  }
0x191: {  	[hbm4b:s18+s2] =	stream.linear.scatter [tilespmem:s24], [sflag:$0x18], $0x3200, $0x38;
	[tilespmem:$0x19640] =	vst v63  }
0x192: {  	s17 =	simm.s32 @p1 $0x1;
	s25 =	simm.s32 $0x578  }
0x193: {  	[tilespmem:s25], [sflag:$0x8] =	stream.linear.gather [hbm4b:s16+s2], $0xC8, $0x38;
	[tilespmem:$0x19640] =	vst v63  }
0x194: {  	_ =	swait.ge @p1 [sflag:s17], $0xC8  }
0x195: {  	s18 =	simm.s32 @p1 $0x640;
	[sflag:s17] =	ssyncset.done @p1 $0x0  }
0x196: {  	s16 =	simm.s32 @p1 $0x80;
	[sflag:s17] =	ssyncadd.s32 @p1 $0xFFFFFF38;
	s17 =	simm.s32 @p1 $0x0  }
0x197: {  	[tilespmem:s18], [sflag:$0x9] =	stream.indirect.gather @p1 [hbm4b:s4+s16], $0x40, s17, s16, $0xb8;
	[tilespmem:$0x19640] =	vst v63  }
0x198: {  	s19 =	simm.s32 @!p1 $0x11;
	s17 =	simm.s32 @p1 $0x48;
	s18 =	simm.s32 @p1 $0x2640  }
0x199: {  	[tilespmem:s18], [sflag:$0x9] =	stream.indirect.gather @p1 [hbm4b:s4+s17], $0x40, s16, s17, $0xb8;
	[tilespmem:$0x19640] =	vst v63  }
0x19a: {  	_ =	swait.ge @!p1 [sflag:s19], $0x3200  }
0x19b: {  	[sflag:s19] =	ssyncset.done @!p1 $0x0  }
0x19c: {  	s18 =	simm.s32 @!p1 $0x1;
	[sflag:s19] =	ssyncadd.s32 @!p1 $0xFFFFCE00  }
0x19d: {  	_ =	swait.ge @!p1 [sflag:s18], $0xC8  }
0x19e: {  	s20 =	simm.s32 @!p1 $0x0;
	[sflag:s18] =	ssyncset.done @!p1 $0x0  }
0x19f: {  	s19 =	simm.s32 @!p1 $0x640;
	[sflag:s18] =	ssyncadd.s32 @!p1 $0xFFFFFF38;
	s18 =	simm.s32 @!p1 $0x80  }
0x1a0: {  	[tilespmem:s19], [sflag:$0x9] =	stream.indirect.gather @!p1 [hbm4b:s4+s18], $0x40, s20, s18, $0xb8;
	[tilespmem:$0x19640] =	vst v63  }
0x1a1: {  	s21 =	simm.s32 @!p1 $0x12;
	s19 =	simm.s32 @!p1 $0x48;
	s20 =	simm.s32 @!p1 $0x2640  }
0x1a2: {  	[tilespmem:s20], [sflag:$0x9] =	stream.indirect.gather @!p1 [hbm4b:s4+s19], $0x40, s18, s19, $0xb8;
	[tilespmem:$0x19640] =	vst v63  }
0x1a3: {  	_ =	swait.ge @!p1 [sflag:s21], $0x3200  }
0x1a4: {  	[sflag:s21] =	ssyncset.done @!p1 $0x0  }
0x1a5: {  	s28 =	simm.s32 $0x2;
	[sflag:s21] =	ssyncadd.s32 @!p1 $0xFFFFCE00  }
0x1a6: {  	_ =	swait.ge [sflag:s28], $0xC8  }
0x1a7: {  	s22 =	simm.s32 $0xC8;
	s29 =	simm.s32 $0x3840;
	[sflag:s28] =	ssyncset.done $0x0  }
0x1a8: {  	s24 =	simm.s32 $0x80;
	s23 =	rddreg [dreg:$0xc];
	[sflag:s28] =	ssyncadd.s32 $0xFFFFFF38  }
0x1a9: {  	[tilespmem:s29], [sflag:$0xA] =	stream.indirect.gather [hbm4b:s4+s24], $0x40, s22, s24, $0xb8;
	[tilespmem:$0x19640] =	vst v63  }
0x1aa: {  	s7 =	simm.s32 $0x48;
	s20 =	simm.s32 @p1 $0x3;
	s30 =	rddreg [dreg:$0xb]  }
0x1ab: {  	[tilespmem:s23], [sflag:$0xA] =	stream.indirect.gather [hbm4b:s4+s7], $0x40, s30, s7, $0xb8;
	[tilespmem:$0x19640] =	vst v63  }
0x1ac: {  	_ =	swait.ge @p1 [sflag:s20], $0xC8  }
0x1ad: {  	[sflag:s20] =	ssyncset.done @p1 $0x0  }
0x1ae: {  	s21 =	simm.s32 @p1 $0x6A40;
	[sflag:s20] =	ssyncadd.s32 @p1 $0xFFFFFF38;
	s20 =	simm.s32 @p1 $0x190  }
0x1af: {  	[tilespmem:s21], [sflag:$0xB] =	stream.indirect.gather @p1 [hbm4b:s4+s16], $0x40, s20, s16, $0xb8;
	[tilespmem:$0x19640] =	vst v63  }
0x1b0: {  	s20 =	simm.s32 @p1 $0x210;
	s21 =	simm.s32 @p1 $0x8A40  }
0x1b1: {  	[tilespmem:s21], [sflag:$0xB] =	stream.indirect.gather @p1 [hbm4b:s4+s17], $0x40, s20, s17, $0xb8;
	[tilespmem:$0x19640] =	vst v63  }
0x1b2: {  	s20 =	simm.s32 @!p1 $0x13  }
0x1b3: {  	_ =	swait.ge @!p1 [sflag:s20], $0x3200  }
0x1b4: {  	[sflag:s20] =	ssyncset.done @!p1 $0x0  }
0x1b5: {  	[sflag:s20] =	ssyncadd.s32 @!p1 $0xFFFFCE00;
	s20 =	simm.s32 @!p1 $0x3  }
0x1b6: {  	_ =	swait.ge @!p1 [sflag:s20], $0xC8  }
0x1b7: {  	[sflag:s20] =	ssyncset.done @!p1 $0x0  }
0x1b8: {  	s21 =	simm.s32 @!p1 $0x6A40;
	[sflag:s20] =	ssyncadd.s32 @!p1 $0xFFFFFF38;
	s20 =	simm.s32 @!p1 $0x190  }
0x1b9: {  	[tilespmem:s21], [sflag:$0xB] =	stream.indirect.gather @!p1 [hbm4b:s4+s18], $0x40, s20, s18, $0xb8;
	[tilespmem:$0x19640] =	vst v63  }
0x1ba: {  	s20 =	simm.s32 @!p1 $0x210;
	s21 =	simm.s32 @!p1 $0x8A40  }
0x1bb: {  	[tilespmem:s21], [sflag:$0xB] =	stream.indirect.gather @!p1 [hbm4b:s4+s19], $0x40, s20, s19, $0xb8;
	[tilespmem:$0x19640] =	vst v63  }
0x1bc: {  	s20 =	simm.s32 @!p1 $0x14  }
0x1bd: {  	_ =	swait.ge @!p1 [sflag:s20], $0x3200  }
0x1be: {  	[sflag:s20] =	ssyncset.done @!p1 $0x0  }
0x1bf: {  	s30 =	simm.s32 $0x4;
	[sflag:s20] =	ssyncadd.s32 @!p1 $0xFFFFCE00  }
0x1c0: {  	_ =	swait.ge [sflag:s30], $0xC8  }
0x1c1: {  	s1 =	simm.s32 $0x258;
	[sflag:s30] =	ssyncset.done $0x0  }
0x1c2: {  	s0 =	simm.s32 $0x9C40;
	s31 =	rddreg [dreg:$0xe];
	[sflag:s30] =	ssyncadd.s32 $0xFFFFFF38  }
0x1c3: {  	[tilespmem:s0], [sflag:$0xC] =	stream.indirect.gather [hbm4b:s4+s24], $0x40, s1, s24, $0xb8;
	[tilespmem:$0x19640] =	vst v63  }
0x1c4: {  	s20 =	simm.s32 @p1 $0x5;
	s6 =	rddreg [dreg:$0xd]  }
0x1c5: {  	[tilespmem:s31], [sflag:$0xC] =	stream.indirect.gather [hbm4b:s4+s7], $0x40, s6, s7, $0xb8;
	[tilespmem:$0x19640] =	vst v63  }
0x1c6: {  	_ =	swait.ge @p1 [sflag:s20], $0xC8  }
0x1c7: {  	[sflag:s20] =	ssyncset.done @p1 $0x0  }
0x1c8: {  	s21 =	simm.s32 @p1 $0xCE40;
	[sflag:s20] =	ssyncadd.s32 @p1 $0xFFFFFF38;
	s20 =	simm.s32 @p1 $0x320  }
0x1c9: {  	[tilespmem:s21], [sflag:$0xD] =	stream.indirect.gather @p1 [hbm4b:s4+s16], $0x40, s20, s16, $0xb8;
	[tilespmem:$0x19640] =	vst v63  }
0x1ca: {  	s20 =	simm.s32 @p1 $0x3A0;
	s21 =	simm.s32 @p1 $0xEE40  }
0x1cb: {  	[tilespmem:s21], [sflag:$0xD] =	stream.indirect.gather @p1 [hbm4b:s4+s17], $0x40, s20, s17, $0xb8;
	[tilespmem:$0x19640] =	vst v63  }
0x1cc: {  	s20 =	simm.s32 @!p1 $0x15  }
0x1cd: {  	_ =	swait.ge @!p1 [sflag:s20], $0x3200  }
0x1ce: {  	[sflag:s20] =	ssyncset.done @!p1 $0x0  }
0x1cf: {  	[sflag:s20] =	ssyncadd.s32 @!p1 $0xFFFFCE00;
	s20 =	simm.s32 @!p1 $0x5  }
0x1d0: {  	_ =	swait.ge @!p1 [sflag:s20], $0xC8  }
0x1d1: {  	[sflag:s20] =	ssyncset.done @!p1 $0x0  }
0x1d2: {  	s21 =	simm.s32 @!p1 $0xCE40;
	[sflag:s20] =	ssyncadd.s32 @!p1 $0xFFFFFF38;
	s20 =	simm.s32 @!p1 $0x320  }
0x1d3: {  	[tilespmem:s21], [sflag:$0xD] =	stream.indirect.gather @!p1 [hbm4b:s4+s18], $0x40, s20, s18, $0xb8;
	[tilespmem:$0x19640] =	vst v63  }
0x1d4: {  	s20 =	simm.s32 @!p1 $0x3A0;
	s21 =	simm.s32 @!p1 $0xEE40  }
0x1d5: {  	[tilespmem:s21], [sflag:$0xD] =	stream.indirect.gather @!p1 [hbm4b:s4+s19], $0x40, s20, s19, $0xb8;
	[tilespmem:$0x19640] =	vst v63  }
0x1d6: {  	s20 =	simm.s32 @!p1 $0x16  }
0x1d7: {  	_ =	swait.ge @!p1 [sflag:s20], $0x3200  }
0x1d8: {  	[sflag:s20] =	ssyncset.done @!p1 $0x0  }
0x1d9: {  	s31 =	simm.s32 $0x6;
	[sflag:s20] =	ssyncadd.s32 @!p1 $0xFFFFCE00  }
0x1da: {  	_ =	swait.ge [sflag:s31], $0xC8  }
0x1db: {  	s23 =	simm.s32 $0x3E8;
	[sflag:s31] =	ssyncset.done $0x0  }
0x1dc: {  	s6 =	simm.s32 $0x10040;
	s20 =	rddreg [dreg:$0x10];
	[sflag:s31] =	ssyncadd.s32 $0xFFFFFF38  }
0x1dd: {  	[tilespmem:s6], [sflag:$0xE] =	stream.indirect.gather [hbm4b:s4+s24], $0x40, s23, s24, $0xb8;
	[tilespmem:$0x19640] =	vst v63  }
0x1de: {  	s21 =	rddreg [dreg:$0xf]  }
0x1df: {  	[tilespmem:s20], [sflag:$0xE] =	stream.indirect.gather [hbm4b:s4+s7], $0x40, s21, s7, $0xb8;
	[tilespmem:$0x19640] =	vst v63  }
0x1e0: {  	s20 =	simm.s32 @p1 $0x7  }
0x1e1: {  	_ =	swait.ge @p1 [sflag:s20], $0xC8  }
0x1e2: {  	[sflag:s20] =	ssyncset.done @p1 $0x0  }
0x1e3: {  	s21 =	simm.s32 @p1 $0x13240;
	[sflag:s20] =	ssyncadd.s32 @p1 $0xFFFFFF38;
	s20 =	simm.s32 @p1 $0x4B0  }
0x1e4: {  	[tilespmem:s21], [sflag:$0xF] =	stream.indirect.gather @p1 [hbm4b:s4+s16], $0x40, s20, s16, $0xb8;
	[tilespmem:$0x19640] =	vst v63  }
0x1e5: {  	s16 =	simm.s32 @p1 $0x530;
	s20 =	simm.s32 @p1 $0x15240  }
0x1e6: {  	[tilespmem:s20], [sflag:$0xF] =	stream.indirect.gather @p1 [hbm4b:s4+s17], $0x40, s16, s17, $0xb8;
	[tilespmem:$0x19640] =	vst v63  }
0x1e7: {  	s16 =	simm.s32 @!p1 $0x17  }
0x1e8: {  	_ =	swait.ge @!p1 [sflag:s16], $0x3200  }
0x1e9: {  	[sflag:s16] =	ssyncset.done @!p1 $0x0  }
0x1ea: {  	[sflag:s16] =	ssyncadd.s32 @!p1 $0xFFFFCE00;
	s16 =	simm.s32 @!p1 $0x7  }
0x1eb: {  	_ =	swait.ge @!p1 [sflag:s16], $0xC8  }
0x1ec: {  	[sflag:s16] =	ssyncset.done @!p1 $0x0  }
0x1ed: {  	s17 =	simm.s32 @!p1 $0x13240;
	[sflag:s16] =	ssyncadd.s32 @!p1 $0xFFFFFF38;
	s16 =	simm.s32 @!p1 $0x4B0  }
0x1ee: {  	[tilespmem:s17], [sflag:$0xF] =	stream.indirect.gather @!p1 [hbm4b:s4+s18], $0x40, s16, s18, $0xb8;
	[tilespmem:$0x19640] =	vst v63  }
0x1ef: {  	s16 =	simm.s32 @!p1 $0x530;
	s17 =	simm.s32 @!p1 $0x15240  }
0x1f0: {  	[tilespmem:s17], [sflag:$0xF] =	stream.indirect.gather @!p1 [hbm4b:s4+s19], $0x40, s16, s19, $0xb8;
	[tilespmem:$0x19640] =	vst v63  }
0x1f1: {  	s16 =	simm.s32 @!p1 $0x18  }
0x1f2: {  	_ =	swait.ge @!p1 [sflag:s16], $0x3200  }
0x1f3: {  	[sflag:s16] =	ssyncset.done @!p1 $0x0  }
0x1f4: {  	s19 =	simm.s32 $0x8;
	[sflag:s16] =	ssyncadd.s32 @!p1 $0xFFFFCE00  }
0x1f5: {  	_ =	swait.ge [sflag:s19], $0xC8  }
0x1f6: {  	[sflag:s19] =	ssyncset.done $0x0  }
0x1f7: {  	s20 =	simm.s32 $0x16440;
	s18 =	rddreg [dreg:$0x12];
	[sflag:s19] =	ssyncadd.s32 $0xFFFFFF38  }
0x1f8: {  	[tilespmem:s20], [sflag:$0x10] =	stream.indirect.gather [hbm4b:s4+s24], $0x40, s25, s24, $0xb8;
	[tilespmem:$0x19640] =	vst v63  }
0x1f9: {  	s16 =	simm.s32 $0x9;
	s21 =	rddreg [dreg:$0x11]  }
0x1fa: {  	[tilespmem:s18], [sflag:$0x10] =	stream.indirect.gather [hbm4b:s4+s7], $0x40, s21, s7, $0xb8;
	[tilespmem:$0x19640] =	vst v63  }
0x1fb: {  	_ =	swait.ge [sflag:s16], $0x2000  }
0x1fc: {  	[sflag:s16] =	ssyncset.done $0x0  }
0x1fd: {  	[sflag:s16] =	ssyncadd.s32 $0xFFFFE000  }
0x1fe: {  	_ =	swait.ge [sflag:s16], $0x1200  }
0x1ff: {  	s5 =	sadd.s32 $0x8, s5;
	s18 =	rddreg [dreg:$0x17]  }
0x200: {  	s17 =	rddreg [dreg:$0xa];
	p0 =	slt.s32 s5, s18  }
0x201: {  	s21 =	rddreg [dreg:$0x13];
	[sflag:s16] =	ssyncset.done $0x0;
	s18 =	smov.u32 @p0 s5  }
0x202: {  	[sflag:s16] =	ssyncadd.s32 $0xFFFFEE00;
	s24 =	sadd.s32 s15, s17;
	s7 =	smul.u32 $0x19, s18  }
0x203: {  	[hbm4b:s24+s2] =	stream.linear.scatter [tilespmem:s21], [sflag:$0x11], $0x3200, $0x38;
	[tilespmem:$0x19640] =	vst v63  }
0x204: {  	s17 =	sadd.s32 s3, s7  }
0x205: {  	[tilespmem:s2], [sflag:$0x1] =	stream.linear.gather [hbm4b:s17+s2], $0xC8, $0x38;
	[tilespmem:$0x19640] =	vst v63  }
0x206: {  	_ =	swait.ge [sflag:s8], $0x2000  }
0x207: {  	[sflag:s8] =	ssyncset.done $0x0  }
0x208: {  	s5 =	smul.u32 $0xC8, s18;
	[sflag:s8] =	ssyncadd.s32 $0xFFFFE000  }
0x209: {  	_ =	swait.ge [sflag:s8], $0x1200  }
0x20a: {  	s24 =	sadd.s32 $0xC8, s5;
	s21 =	rddreg [dreg:$0x9];
	[sflag:s8] =	ssyncset.done $0x0  }
0x20b: {  	s17 =	sshrl.u32 s24, $0x3;
	[sflag:s8] =	ssyncadd.s32 $0xFFFFEE00;
	s16 =	sadd.s32 s15, s21  }
0x20c: {  	[hbm4b:s16+s2] =	stream.linear.scatter [tilespmem:s29], [sflag:$0x12], $0x3200, $0x38;
	[tilespmem:$0x19640] =	vst v63  }
0x20d: {  	s7 =	sadd.s32 s3, s17  }
0x20e: {  	[tilespmem:s22], [sflag:$0x2] =	stream.linear.gather [hbm4b:s7+s2], $0xC8, $0x38;
	[tilespmem:$0x19640] =	vst v63  }
0x20f: {  	_ =	swait.ge [sflag:s9], $0x2000  }
0x210: {  	[sflag:s9] =	ssyncset.done $0x0  }
0x211: {  	[sflag:s9] =	ssyncadd.s32 $0xFFFFE000  }
0x212: {  	s18 =	sshrl.u32 s5, $0x3;
	_ =	swait.ge [sflag:s9], $0x1200  }
0x213: {  	s18 =	sadd.s32 s3, s18;
	s17 =	rddreg [dreg:$0x8];
	[sflag:s9] =	ssyncset.done $0x0  }
0x214: {  	s21 =	rddreg [dreg:$0x14];
	[sflag:s9] =	ssyncadd.s32 $0xFFFFEE00;
	s16 =	sadd.s32 s15, s17  }
0x215: {  	[hbm4b:s16+s2] =	stream.linear.scatter [tilespmem:s21], [sflag:$0x13], $0x3200, $0x38;
	[tilespmem:$0x19640] =	vst v63  }
0x216: {  	s24 =	simm.s32 $0x190;
	s22 =	sadd.s32 $0x32, s18  }
0x217: {  	[tilespmem:s24], [sflag:$0x3] =	stream.linear.gather [hbm4b:s22+s2], $0xC8, $0x38;
	[tilespmem:$0x19640] =	vst v63  }
0x218: {  	_ =	swait.ge [sflag:s10], $0x2000  }
0x219: {  	[sflag:s10] =	ssyncset.done $0x0  }
0x21a: {  	[sflag:s10] =	ssyncadd.s32 $0xFFFFE000  }
0x21b: {  	_ =	swait.ge [sflag:s10], $0x1200  }
0x21c: {  	s7 =	sadd.s32 $0x258, s5;
	s29 =	rddreg [dreg:$0x7];
	[sflag:s10] =	ssyncset.done $0x0  }
0x21d: {  	s17 =	sshrl.u32 s7, $0x3;
	[sflag:s10] =	ssyncadd.s32 $0xFFFFEE00;
	s16 =	sadd.s32 s15, s29  }
0x21e: {  	[hbm4b:s16+s2] =	stream.linear.scatter [tilespmem:s0], [sflag:$0x14], $0x3200, $0x38;
	[tilespmem:$0x19640] =	vst v63  }
0x21f: {  	s21 =	sadd.s32 s3, s17  }
0x220: {  	[tilespmem:s1], [sflag:$0x4] =	stream.linear.gather [hbm4b:s21+s2], $0xC8, $0x38;
	[tilespmem:$0x19640] =	vst v63  }
0x221: {  	_ =	swait.ge [sflag:s11], $0x2000  }
0x222: {  	[sflag:s11] =	ssyncset.done $0x0  }
0x223: {  	[sflag:s11] =	ssyncadd.s32 $0xFFFFE000  }
0x224: {  	_ =	swait.ge [sflag:s11], $0x1200  }
0x225: {  	s22 =	rddreg [dreg:$0x6];
	[sflag:s11] =	ssyncset.done $0x0  }
0x226: {  	s24 =	rddreg [dreg:$0x15];
	[sflag:s11] =	ssyncadd.s32 $0xFFFFEE00;
	s16 =	sadd.s32 s15, s22  }
0x227: {  	[hbm4b:s16+s2] =	stream.linear.scatter [tilespmem:s24], [sflag:$0x15], $0x3200, $0x38;
	[tilespmem:$0x19640] =	vst v63  }
0x228: {  	s29 =	sadd.s32 $0x64, s18;
	s0 =	simm.s32 $0x320  }
0x229: {  	[tilespmem:s0], [sflag:$0x5] =	stream.linear.gather [hbm4b:s29+s2], $0xC8, $0x38;
	[tilespmem:$0x19640] =	vst v63  }
0x22a: {  	_ =	swait.ge [sflag:s12], $0x2000  }
0x22b: {  	[sflag:s12] =	ssyncset.done $0x0  }
0x22c: {  	[sflag:s12] =	ssyncadd.s32 $0xFFFFE000  }
0x22d: {  	_ =	swait.ge [sflag:s12], $0x1200  }
0x22e: {  	s21 =	sadd.s32 $0x3E8, s5;
	s7 =	rddreg [dreg:$0x5];
	[sflag:s12] =	ssyncset.done $0x0  }
0x22f: {  	s17 =	sshrl.u32 s21, $0x3;
	[sflag:s12] =	ssyncadd.s32 $0xFFFFEE00;
	s16 =	sadd.s32 s15, s7  }
0x230: {  	[hbm4b:s16+s2] =	stream.linear.scatter [tilespmem:s6], [sflag:$0x16], $0x3200, $0x38;
	[tilespmem:$0x19640] =	vst v63  }
0x231: {  	s22 =	sadd.s32 s3, s17  }
0x232: {  	[tilespmem:s23], [sflag:$0x6] =	stream.linear.gather [hbm4b:s22+s2], $0xC8, $0x38;
	[tilespmem:$0x19640] =	vst v63  }
0x233: {  	_ =	swait.ge [sflag:s13], $0x2000  }
0x234: {  	[sflag:s13] =	ssyncset.done $0x0  }
0x235: {  	[sflag:s13] =	ssyncadd.s32 $0xFFFFE000  }
0x236: {  	_ =	swait.ge [sflag:s13], $0x1200  }
0x237: {  	s23 =	rddreg [dreg:$0x4];
	[sflag:s13] =	ssyncset.done $0x0  }
0x238: {  	s24 =	rddreg [dreg:$0x16];
	[sflag:s13] =	ssyncadd.s32 $0xFFFFEE00;
	s16 =	sadd.s32 s15, s23  }
0x239: {  	[hbm4b:s16+s2] =	stream.linear.scatter [tilespmem:s24], [sflag:$0x17], $0x3200, $0x38;
	[tilespmem:$0x19640] =	vst v63  }
0x23a: {  	s29 =	sadd.s32 $0x96, s18;
	s0 =	simm.s32 $0x4B0  }
0x23b: {  	[tilespmem:s0], [sflag:$0x7] =	stream.linear.gather [hbm4b:s29+s2], $0xC8, $0x38;
	[tilespmem:$0x19640] =	vst v63  }
0x23c: {  	_ =	swait.ge [sflag:s14], $0x2000  }
0x23d: {  	[sflag:s14] =	ssyncset.done $0x0  }
0x23e: {  	[sflag:s14] =	ssyncadd.s32 $0xFFFFE000  }
0x23f: {  	_ =	swait.ge [sflag:s14], $0x1200  }
0x240: {  	s5 =	sadd.s32 $0x578, s5;
	s6 =	rddreg [dreg:$0x3];
	[sflag:s14] =	ssyncset.done $0x0  }
0x241: {  	s5 =	sshrl.u32 s5, $0x3;
	s7 =	sadd.s32 s15, s6;
	[sflag:s14] =	ssyncadd.s32 $0xFFFFEE00  }
0x242: {  	[hbm4b:s7+s2] =	stream.linear.scatter [tilespmem:s20], [sflag:$0x18], $0x3200, $0x38;
	[tilespmem:$0x19640] =	vst v63  }
0x243: {  	s5 =	sadd.s32 s3, s5;
	s15 =	simm.s32 $0x11  }
0x244: {  	[tilespmem:s25], [sflag:$0x8] =	stream.linear.gather [hbm4b:s5+s2], $0xC8, $0x38;
	[tilespmem:$0x19640] =	vst v63  }
0x245: {  	_ =	swait.ge [sflag:s15], $0x3200  }
0x246: {  	[sflag:s15] =	ssyncset.done $0x0  }
0x247: {  	s16 =	simm.s32 $0x1;
	[sflag:s15] =	ssyncadd.s32 $0xFFFFCE00  }
0x248: {  	_ =	swait.ge [sflag:s16], $0xC8  }
0x249: {  	[sflag:s16] =	ssyncset.done $0x0  }
0x24a: {  	s17 =	simm.s32 $0x12;
	[sflag:s16] =	ssyncadd.s32 $0xFFFFFF38  }
0x24b: {  	_ =	swait.ge [sflag:s17], $0x3200  }
0x24c: {  	[sflag:s17] =	ssyncset.done $0x0  }
0x24d: {  	[sflag:s17] =	ssyncadd.s32 $0xFFFFCE00  }
0x24e: {  	_ =	swait.ge [sflag:s28], $0xC8  }
0x24f: {  	[sflag:s28] =	ssyncset.done $0x0  }
0x250: {  	s18 =	simm.s32 $0x13;
	[sflag:s28] =	ssyncadd.s32 $0xFFFFFF38  }
0x251: {  	_ =	swait.ge [sflag:s18], $0x3200  }
0x252: {  	[sflag:s18] =	ssyncset.done $0x0  }
0x253: {  	s20 =	simm.s32 $0x3;
	[sflag:s18] =	ssyncadd.s32 $0xFFFFCE00  }
0x254: {  	_ =	swait.ge [sflag:s20], $0xC8  }
0x255: {  	[sflag:s20] =	ssyncset.done $0x0  }
0x256: {  	s21 =	simm.s32 $0x14;
	[sflag:s20] =	ssyncadd.s32 $0xFFFFFF38  }
0x257: {  	_ =	swait.ge [sflag:s21], $0x3200  }
0x258: {  	[sflag:s21] =	ssyncset.done $0x0  }
0x259: {  	[sflag:s21] =	ssyncadd.s32 $0xFFFFCE00  }
0x25a: {  	_ =	swait.ge [sflag:s30], $0xC8  }
0x25b: {  	[sflag:s30] =	ssyncset.done $0x0  }
0x25c: {  	s22 =	simm.s32 $0x15;
	[sflag:s30] =	ssyncadd.s32 $0xFFFFFF38  }
0x25d: {  	_ =	swait.ge [sflag:s22], $0x3200  }
0x25e: {  	[sflag:s22] =	ssyncset.done $0x0  }
0x25f: {  	s23 =	simm.s32 $0x5;
	[sflag:s22] =	ssyncadd.s32 $0xFFFFCE00  }
0x260: {  	_ =	swait.ge [sflag:s23], $0xC8  }
0x261: {  	[sflag:s23] =	ssyncset.done $0x0  }
0x262: {  	s24 =	simm.s32 $0x16;
	[sflag:s23] =	ssyncadd.s32 $0xFFFFFF38  }
0x263: {  	_ =	swait.ge [sflag:s24], $0x3200  }
0x264: {  	[sflag:s24] =	ssyncset.done $0x0  }
0x265: {  	[sflag:s24] =	ssyncadd.s32 $0xFFFFCE00  }
0x266: {  	_ =	swait.ge [sflag:s31], $0xC8  }
0x267: {  	[sflag:s31] =	ssyncset.done $0x0  }
0x268: {  	s25 =	simm.s32 $0x17;
	[sflag:s31] =	ssyncadd.s32 $0xFFFFFF38  }
0x269: {  	_ =	swait.ge [sflag:s25], $0x3200  }
0x26a: {  	[sflag:s25] =	ssyncset.done $0x0  }
0x26b: {  	s28 =	simm.s32 $0x7;
	[sflag:s25] =	ssyncadd.s32 $0xFFFFCE00  }
0x26c: {  	_ =	swait.ge [sflag:s28], $0xC8  }
0x26d: {  	[sflag:s28] =	ssyncset.done $0x0  }
0x26e: {  	s29 =	simm.s32 $0x18;
	[sflag:s28] =	ssyncadd.s32 $0xFFFFFF38  }
0x26f: {  	_ =	swait.ge [sflag:s29], $0x3200  }
0x270: {  	[sflag:s29] =	ssyncset.done $0x0  }
0x271: {  	[sflag:s29] =	ssyncadd.s32 $0xFFFFCE00  }
0x272: {  	_ =	swait.ge [sflag:s19], $0xC8  }
0x273: {  	s30 =	sld [smem:$0x7FB]  }
0x274: {  	s31 =	sld [smem:$0x7FC];
	_ =	sdelay $0x1  }
0x275: {  	s0 =	sadd.s32 $0x1, s30  }
0x276: {  	p0 =	sne.s32 s0, s31  }
.Ltmp1:
0x277: {  	_ = 	snop;
	(pc) =	sbr.rel @p0 .LBB2_1-.Ltmp1, $3  }
0x278: {  	_ =	sdelay $0x1  }
0x279: {  	[sflag:s19] =	ssyncset.done $0x0  }
0x27a: {  	[sflag:s19] =	ssyncadd.s32 $0xFFFFFF38  }
0x27b: {  	_ =	sfence.sel $0x180000  }
0x27c: {  	[bflag:$0x0] =	sbarrier.arrive $0xFFFF  }
0x27d: {  	_ =	strace $0x90000047  }
0x27e: {  	s0 =	stileid.u32;
	[bflag:$0x2] =	sbarrier.arrive $0xFFFF  }
0x27f: {  	p0 =	sne.s32 s0, $0x0;
	s0 =	rddreg [dreg:$0x2]  }
0x280: {  	s0 =	sadd.s32 @!p0 $0x100000, s0  }
0x281: {  	[sflag:s0] =	ssyncadd.tile.s32 @!p0 $0x1;
	_ =	shalt  }
.Lfunc_end2:
_tile_overlayer_lowered:
.L_overlay_start_2:
0x282: {  	(tag) =	ssettag $0x2  }
0x283: {  	s0 =	rddreg [dreg:$0x0];
	s2 =	stileid.u32  }
0x284: {  	s1 =	rddreg [dreg:$0x1];
	p0 =	sne.s32 s2, $0x0  }
0x285: {  	s3 =	rddreg [dreg:$0x2];
	[bflag:$0x3] =	sbarrier.arrive $0xFFFF;
	s2 =	simm.s32 @!p0 $0x1C19  }
0x286: {  	[timem:s3], [sflag:s2] =	dma.local @!p0 [hbm:s0], s1  }
0x287: {  	s0 =	simm.s32 @!p0 $0x19  }
0x288: {  	_ =	swait.ge @!p0 [sflag:s0], s1  }
0x289: {  	s1 =	ssub.s32 @!p0 $0x0, s1;
	[sflag:s0] =	ssyncset.done @!p0 $0x0  }
0x28a: {  	[sflag:s0] =	ssyncadd.s32 @!p0 s1  }
0x28b: {  	[bflag:$0x3] =	sbarrier.arrive $0xFFFF  }
0x28c: {  	_ =	shalt  }

// kernel: sparse-core-data-format-call.cloned.1.call-start
scs
called_computation_lowered:
.L_overlay_start_0:
0x0: {  	s2 =	sld [smem:$0x3FD9]  }
0x1: {  	s3 =	sld [smem:$0x3FFE];
	_ =	sdelay $0x1  }
0x2: {  	s1 =	srdreg.scid  }
0x3: {  	s0 =	sand.u32 $0x1, s1  }
0x4: {  	s18 =	sshll.u32 s0, $0xA;
	s2 =	sadd.s32 s3, s2  }
0x5: {  	s2 =	sadd.s32 s2, s18  }
0x6: {  	[smem:$0x3FC6] =	sst s2  }
0x7: {  	_ = 	snop  }
0x8: {  	s2 =	sld [smem:$0x3FD0];
	(tm) =	ssettm $0x1  }
0x9: {  	s19 =	sld [smem:$0x3FFB];
	_ =	sdelay $0x3  }
0xa: {  	_ =	strace s19  }
0xb: {  	s3 =	sld [smem:$0x3FFC];
	_ =	sdelay $0x3  }
0xc: {  	_ =	strace s3  }
0xd: {  	s3 =	sld [smem:$0x3FFD];
	_ =	sdelay $0x3  }
0xe: {  	_ =	strace s3  }
0xf: {  	_ =	strace $0x8FFFFFFF  }
0x10: {  	s20 =	sld [smem:$0x3FDB];
	_ =	sdelay $0x1  }
0x11: {  	s4 =	simm.s32 $_scs_section_size  }
0x12: {  	s5 =	simm.s32 $_size__tile_overlayer_lowered;
	s6 =	simm.s32 $_tile_overlayer_lowered  }
0x13: {  	s23 =	simm.s32 $0x1BFF;
	s22 =	sshll.u32 s6, $0x1;
	s3 =	sadd.s32 s4, s20  }
0x14: {  	s7 =	simm.s32 $0x0;
	s21 =	sshll.u32 s5, $0x1;
	s5 =	sadd.s32 s22, s3  }
0x15: {  	[timem:s7], [sflag:s23] =	dma.local [hbm:s5], s21  }
0x16: {  	_ =	swait.ge [sflag:s23], s21  }
0x17: {  	s4 =	ssub.s32 $0x0, s21;
	[sflag:s23] =	ssyncset.done $0x0  }
0x18: {  	[sflag:s23] =	ssyncadd.s32 s4;
	_ =	sdelay $0x1  }
0x19: {  	s24 =	simm.s32 $0x1B8B  }
0x1a: {  	_ =	swait.ge [sflag:s24], $0x1  }
0x1b: {  	[sflag:s24] =	ssyncset.done $0x0  }
0x1c: {  	s26 =	simm.s32 $0x1B8E;
	s25 =	sld [smem:$0x3FFE];
	[sflag:s24] =	ssyncadd.s32 $0xFFFFFFFF  }
0x1d: {  	s27 =	simm.s32 $execute0_lowered;
	[smem:$0x3FD2] =	sst s26  }
0x1e: {  	s5 =	sshll.u32 s27, $0x1;
	_ =	strace $0x80000049;
	[dreg:$0x1] =	wrdreg $0xFFFFFFFF  }
0x1f: {  	s28 =	simm.s32 $_size_execute0_lowered;
	s3 =	sadd.s32 s3, s5;
	[dreg:$0x0] =	wrdreg $0x0  }
0x20: {  	s5 =	sshll.u32 s28, $0x1;
	[dreg:$0x2] =	wrdreg s3  }
0x21: {  	[dreg:$0x3] =	wrdreg s5  }
0x22: {  	[dreg:$0x4] =	wrdreg $0xC0  }
0x23: {  	_ =	task [dreg:s7], $0x5FFFF  }
0x24: {  	[dreg:$0x1] =	wrdreg $0xFFFFFFFF  }
0x25: {  	[dreg:$0x0] =	wrdreg $0x60  }
0x26: {  	[dreg:$0x2] =	wrdreg s25  }
0x27: {  	[dreg:$0x3] =	wrdreg s2  }
0x28: {  	[dreg:$0x4] =	wrdreg $0x9  }
0x29: {  	_ =	task.clear_ibuf [dreg:s7], $0x5FFFF;
	_ =	strace $0x90000049  }
0x2a: {  	s29 =	simm.s32 $0x9;
	_ =	strace $0x8000004B  }
0x2b: {  	_ =	swait.ge [sflag:s29], $0x1  }
0x2c: {  	[sflag:s29] =	ssyncadd.s32 $0xFFFFFFFF  }
0x2d: {  	_ =	strace $0x9000004B  }
0x2e: {  	_ =	sfence  }
0x2f: {  	s30 =	sld [smem:$0x0];
	_ =	sdelay $0x2  }
0x30: {  	s31 =	sshll.u32 s1, $0xD;
	s1 =	sshrl.u32 s1, $0x2  }
0x31: {  	s3 =	sand.u32 $0x4000, s31;
	s1 =	sadd.s32 s1, s30  }
0x32: {  	s0 =	sor.u32 s3, s0;
	s1 =	sshll.u32 s1, $0x11  }
0x33: {  	s0 =	sor.u32 s1, s0  }
0x34: {  	s0 =	sadd.s32 $0x8F2B, s0  }
0x35: {  	[sflag:s0] =	ssyncadd.remote.s32 $0x1  }
0x36: {  	_ =	sfence.sel $0xFFFF  }
0x37: {  	[dreg:$0x0] =	wrdreg $0xFFFFFFFF;
	(pc) =	sbr.abs _section_cstart, $3  }
0x38: {  	[dreg:$0x1] =	wrdreg $0xFFFFFFFF  }
0x39: {  	_ =	task.clear_ibuf [dreg:s7], $0x2FFFF;
	_ =	strace $0x9FFFFFFF  }
0x3a: {  	(tm) =	ssettm $0x7FFFFFFF  }
0x3b: {  	_ =	shalt  }
tec
execute0_lowered:
.L_overlay_start_1:
0x0: {  	(tag) =	ssettag $0x1  }
0x1: {  	s0 =	srdreg.scid  }
0x2: {  	s1 =	sshll.u32 s0, $0x4  }
0x3: {  	s0 =	stileid.u32;
	s1 =	sand.u32 $0x10, s1  }
0x4: {  	s1 =	sor.u32 s0, s1  }
0x5: {  	s6 =	rddreg [dreg:$0x0];
	s4 =	simm.s32 $0x1;
	s2 =	sshll.u32 s1, $0x7  }
0x6: {  	s7 =	simm.s32 $0x2;
	s12 =	simm.s32 $0x0;
	s1 =	ssub.s32 $0x1000, s2  }
0x7: {  	s8 =	simm.s32 $0x8000;
	s13 =	simm.s32 $0x0;
	s3 =	sand.u32 $0xF80, s1  }
0x8: {  	s9 =	simm.s32 $0x0;
	s5 =	sshrl.u32 s1, $0xC;
	p0 =	sne.s32 s3, $0x0  }
.Ltmp0:
0x9: {  	s1 =	rddreg [dreg:$0x2];
	s4 =	simm.s32 @!p0 $0x0;
	(pc) =	sbr.rel .LBB1_1-.Ltmp0, $4  }
0xa: {  	s11 =	simm.s32 $0x0;
	s3 =	rddreg [dreg:$0x1];
	s5 =	sadd.s32 s4, s5  }
0xb: {  	_ =	strace $0x8000004A;
	s4 =	simm.s32 $0x1;
	s5 =	smul.u32 $0xC8, s5  }
0xc: {  	s6 =	sadd.s32 $0xA00, s6;
	s10 =	smov.u32 s2;
	[sflag:s4] =	ssyncpa.u1 $0x0  }
0xd: {  	p0 =	por $0x0, $0x0;
	[sflag:s7] =	ssyncpa.u1 $0x0;
	s7 =	sor.u32 $0x1, s5  }
.LBB1_4:
0xe: {  	s16 =	sshll.u32 s13, $0x3;
	s17 =	sand.u32 $0x78, s13  }
0xf: {  	s30 =	sand.u32 $0x7E00, s13;
	s12 =	sshll.u32 s12, $0xF;
	s16 =	sand.u32 $0xC00, s16  }
0x10: {  	[tilespmem:s15+$0x810 ss:$0x81] =	vst.msk $0xffff, v2;
	s31 =	sand.u32 $0x7, s13;
	s16 =	sor.u32 s17, s16;
	s17 =	sadd.s32 s3, s30  }
0x11: {  	[tilespmem:s15+$0x1020 ss:$0x81] =	vst.msk $0xffff, v0;
	s13 =	sshll.u32 s31, $0x12;
	s12 =	sadd.s32 s12, s17;
	s16 =	sshrl.u32 s16, $0x3  }
0x12: {  	[tilespmem:s15+$0x0 ss:$0x81] =	vst.msk $0xffff, v1;
	s13 =	sor.u32 $0x400, s13;
	s12 =	sadd.s32 s16, s12  }
0x13: {  	[hbm4b:s12+s13] =	stream.strided.scatter [tilespmem:s14], [sflag:$0x2], $0x2000, s8, s13, $0x20;
	[tilespmem:$0x8080] =	vst v63  }
.LBB1_5:
0x14: {  	s14 =	sadd.s32 $0x1, s9  }
0x15: {  	s12 =	sadd.s32 $0x1000, s10;
	s16 =	smov.u32 s10;
	p2 =	sgt.s32 s14, $0xC7  }
0x16: {  	s16 =	smov.u32 @p2 s12  }
0x17: {  	s14 =	simm.s32 @p2 $0x0;
	p2 =	sgt.s32 s16, $0xFFF  }
0x18: {  	s16 =	smov.u32 @p2 s2;
	p2 =	sne.s32 s11, s7  }
.Ltmp1:
0x19: {  	p1 =	slt.u32 s11, $0x2;
	(pc) =	sbr.rel @!p2 .LBB1_6-.Ltmp1, $4  }
0x1a: {  	s15 =	simm.s32 @!p1 $0x2  }
0x1b: {  	s13 =	smov.u32 s10;
	p0 =	por !p0, !p0;
	_ =	swait.ge @!p1 [sflag:s15], $0x2000  }
0x1c: {  	s12 =	smov.u32 s9;
	[sflag:s15] =	ssyncset.done @!p1 $0x0;
	s9 =	smov.u32 s14  }
0x1d: {  	s11 =	sadd.s32 $0x1, s11;
	[sflag:s15] =	ssyncadd.s32 @!p1 $0xFFFFE000;
	s10 =	smov.u32 s16  }
.LBB1_1:
0x1e: {  	p1 =	sge.u32 s11, s5  }
0x1f: {  	s14 =	sand.u32 @!p1 $0x1FFFFFF, s9  }
0x20: {  	s15 =	smulhi.u32 @!p1 $0x147AE15, s14;
	_ =	sdelay $0x1  }
0x21: {  	s15 =	smul.u32 @!p1 $0xC8, s15  }
0x22: {  	s16 =	sxor.u32 @!p1 $0xFFFFFFFF, s11;
	s17 =	smul.u32 @!p1 $0xC80, s10  }
0x23: {  	s31 =	sadd.s32 $0xFFFFFFFF, s11;
	s16 =	sshll.u32 @!p1 s16, $0xD;
	s14 =	ssub.s32 @!p1 s14, s15  }
0x24: {  	s15 =	sand.u32 @!p1 $0x2000, s16;
	s16 =	sadd.s32 @!p1 s6, s17;
	s14 =	sshll.u32 @!p1 s14, $0x4  }
0x25: {  	s17 =	simm.s32 @!p1 $0x6400;
	s14 =	sadd.s32 @!p1 s14, s16;
	s16 =	simm.s32 @!p1 $0x40  }
0x26: {  	[tilespmem:s15], [sflag:$0x1] =	stream.strided.gather @!p1 [hbm4b:s14+s16], $0x2000, s17, s16, $0x38;
	[tilespmem:$0x8080] =	vst v63  }
0x27: {  	p1 =	sge.u32 s31, s5  }
.Ltmp2:
0x28: {  	_ = 	snop;
	(pc) =	sbr.rel @p1 .LBB1_5-.Ltmp2, $1  }
0x29: {  	_ =	sdelay $0x3  }
0x2a: {  	s14 =	simm.s32 $0x1  }
0x2b: {  	_ =	swait.ge [sflag:s4], $0x2000;
	s14 =	simm.s32 @!p0 $0x0  }
0x2c: {  	[sflag:s4] =	ssyncset.done $0x0;
	s15 =	sshll.u32 s14, $0xD  }
0x2d: {  	[sflag:s4] =	ssyncadd.s32 $0xFFFFE000;
	s18 =	sor.u32 $0x20, s15  }
0x2e: {  	s14 =	smul.u32 $0x8100, s14;
	v3 =	vld [tilespmem:s18+$0x10]  }
0x2f: {  	s30 =	sand.u32 $0x1, s11;
	v2 =	vld [tilespmem:s18+$0xFFFFFFF0]  }
0x30: {  	s15 =	smul.u32 $0x8100, s30;
	s14 =	sshrl.u32 s14, $0x2;
	v0 =	vld [tilespmem:s18+$0x0]  }
0x31: {  	v1 =	vld [tilespmem:s18+$0xFFFFFFE0];
	s16 =	sor.u32 $0x4000, s14  }
0x32: {  	s31 =	sshrl.u32 s15, $0x2;
	s15 =	sadd.s32 $0x0, s16  }
0x33: {  	s17 =	simm.s32 $0x4;
	s18 =	sadd.s32 $0x40, s18;
	s14 =	sor.u32 $0x4000, s31;
	[tilespmem:s15+$0x1830 ss:$0x81] =	vst.msk $0xffff, v3  }
.LBB1_3:
0x34: {  	v3 =	vld [tilespmem:s18+$0x10];
	p1 =	sne.s32 s17, $0x1FC;
	[tilespmem:s15+$0x810 ss:$0x81] =	vst.msk $0xffff, v2;
	s19 =	smov.u32 s17;
	s17 =	sadd.s32 $0x4, s17  }
.Ltmp3:
0x35: {  	v2 =	vld [tilespmem:s18+$0xFFFFFFF0];
	[tilespmem:s15+$0x1020 ss:$0x81] =	vst.msk $0xffff, v0;
	(pc) =	sbr.rel @p1 .LBB1_3-.Ltmp3, $4  }
0x36: {  	v0 =	vld [tilespmem:s18+$0x0];
	[tilespmem:s15+$0x0 ss:$0x81] =	vst.msk $0xffff, v1  }
0x37: {  	s15 =	sshra.s32 s19, $0x2;
	v1 =	vld [tilespmem:s18+$0xFFFFFFE0]  }
0x38: {  	s15 =	sadd.s32 s15, s16  }
0x39: {  	s18 =	sadd.s32 $0x40, s18;
	[tilespmem:s15+$0x1830 ss:$0x81] =	vst.msk $0xffff, v3  }
.Ltmp4:
0x3a: {  	_ = 	snop;
	(pc) =	sbr.rel .LBB1_4-.Ltmp4, $1  }
0x3b: {  	_ =	sdelay $0x3  }
.LBB1_6:
0x3c: {  	_ =	sfence.sel $0x180000  }
0x3d: {  	s2 =	simm.s32 $0x1;
	[bflag:$0x0] =	sbarrier.arrive $0xFFFF  }
0x3e: {  	s31 =	simm.s32 $0x2;
	[sflag:s2] =	ssyncpa.u1 $0x1  }
0x3f: {  	[sflag:s31] =	ssyncpa.u1 $0x1  }
0x40: {  	p0 =	sne.s32 s0, $0x0;
	_ =	strace $0x9000004A  }
0x41: {  	s0 =	sadd.s32 @!p0 $0x100000, s1;
	[bflag:$0x2] =	sbarrier.arrive $0xFFFF  }
0x42: {  	[sflag:s0] =	ssyncadd.tile.s32 @!p0 $0x1;
	_ =	shalt  }
.Lfunc_end1:
_tile_overlayer_lowered:
.L_overlay_start_2:
0x43: {  	(tag) =	ssettag $0x2  }
0x44: {  	s0 =	rddreg [dreg:$0x0];
	s2 =	stileid.u32  }
0x45: {  	s1 =	rddreg [dreg:$0x1];
	p0 =	sne.s32 s2, $0x0  }
0x46: {  	s3 =	rddreg [dreg:$0x2];
	[bflag:$0x3] =	sbarrier.arrive $0xFFFF;
	s2 =	simm.s32 @!p0 $0x1C01  }
0x47: {  	[timem:s3], [sflag:s2] =	dma.local @!p0 [hbm:s0], s1  }
0x48: {  	s0 =	simm.s32 @!p0 $0x1  }
0x49: {  	_ =	swait.ge @!p0 [sflag:s0], s1  }
0x4a: {  	s1 =	ssub.s32 @!p0 $0x0, s1;
	[sflag:s0] =	ssyncset.done @!p0 $0x0  }
0x4b: {  	[sflag:s0] =	ssyncadd.s32 @!p0 s1  }
0x4c: {  	[bflag:$0x3] =	sbarrier.arrive $0xFFFF  }
0x4d: {  	_ =	shalt  }

</sc_bundles>
